<compile_context>
chip_gen: v7x
topology: tpu7x:2x2x1
jax: 0.10.2.dev20260603
libtpu: 0.0.44.dev20260713+nightly
codegen_flags: <defaults>
</compile_context>

<pallas_src>
import functools

import jax
import jax.numpy as jnp
from jax import lax
from jax.experimental import pallas as pl
from jax.experimental.pallas import tpu as pltpu
from jax.experimental.pallas import tpu_sc as plsc

D = 64
SEQ = 200
BATCH = 1024
NC = 2
NS = 16
NW = NC * NS
BPW = BATCH // NW
SPC = 2
CHUNK = SPC * SEQ
NCHUNK = BPW // SPC
NGROUP = CHUNK // 16
PAD = D + 1
LN_EPS = 1e-5

IDX_SPLIT = ((0, 56), (56, 48), (104, 48), (152, 48))


def _emb_ln_kernel(ids_hbm, w_hbm, pos_hbm, gam_hbm, bet_hbm, out_hbm,
                   idx_v, pos_v, pbuf_a, pbuf_b, obuf, cbuf, gb_v,
                   gamx_v, betx_v, gsem_a, gsem_b, osem):
    cid = lax.axis_index("c")
    sid = lax.axis_index("s")
    wid = sid * NC + cid
    wb = wid * BPW

    pltpu.sync_copy(ids_hbm.at[pl.ds(wb, BPW)], idx_v)
    pltpu.sync_copy(pos_hbm, pos_v)
    pltpu.sync_copy(gam_hbm, gb_v.at[0])
    pltpu.sync_copy(bet_hbm, gb_v.at[1])

    lanes = lax.broadcasted_iota(jnp.int32, (16,), 0)
    zero = jnp.zeros((16,), jnp.float32)
    zero_i = jnp.zeros((16,), jnp.int32)
    lanes_k = [lanes + (k * 16) for k in range(D // 16)]

    def expand_gb(j, carry):
        cj = zero_i + j
        gamx_v[j] = plsc.load_gather(gb_v, [zero_i, cj])
        betx_v[j] = plsc.load_gather(gb_v, [zero_i + 1, cj])
        return carry

    lax.fori_loop(0, D, expand_gb, 0)

    def start_gather(c, buf, sem):
        for s in range(SPC):
            for k, (off, n) in enumerate(IDX_SPLIT):
                pltpu.async_copy(
                    w_hbm.at[idx_v.at[c * SPC + s, pl.ds(off, n)]],
                    buf.at[pl.ds(s * SEQ + off, n)],
                    sem.at[s * len(IDX_SPLIT) + k],
                )

    def drain(buf, sem):
        for s in range(SPC):
            for k, (off, n) in enumerate(IDX_SPLIT):
                pltpu.make_async_copy(
                    w_hbm.at[idx_v.at[s, pl.ds(off, n)]],
                    buf.at[pl.ds(s * SEQ + off, n)],
                    sem.at[s * len(IDX_SPLIT) + k],
                ).wait()

    def unpack_add(pbuf):
        @plsc.parallel_loop(0, CHUNK, step=1, unroll=4)
        def _(r):
            prow = lax.rem(r, SEQ)
            base = zero_i + r * PAD
            for k in range(D // 16):
                wv = pbuf[r, pl.ds(k * 16, 16)]
                pv = pos_v[prow, pl.ds(k * 16, 16)]
                plsc.store_scatter(cbuf, [base + lanes_k[k]], wv + pv)

    def compute():
        def group_body(g, gcarry):
            rowb = (g * 16 + lanes) * PAD

            @plsc.parallel_loop(0, D, step=1, unroll=8, carry=(zero, zero))
            def p1(j, acc):
                s_in, q_in = acc
                sv = plsc.load_gather(cbuf, [rowb + j])
                return (s_in + sv, q_in + sv * sv)

            s_acc, q_acc = p1
            mean = s_acc * (1.0 / 64.0)
            var = q_acc * (1.0 / 64.0) - mean * mean
            x = var + LN_EPS
            i = plsc.bitcast(x, jnp.int32)
            i = 0x5F3759DF - lax.shift_right_logical(i, 1)
            y = plsc.bitcast(i, jnp.float32)
            half = x * 0.5
            y = y * (1.5 - half * y * y)
            y = y * (1.5 - half * y * y)
            y = y * (1.5 - half * y * y)
            rstd = y

            @plsc.parallel_loop(0, D, step=1, unroll=8)
            def p2(j):
                ii = rowb + j
                sv = plsc.load_gather(cbuf, [ii])
                a = rstd * gamx_v[j]
                b = betx_v[j] - mean * a
                plsc.store_scatter(cbuf, [ii], sv * a + b)

            return gcarry

        lax.fori_loop(0, NGROUP, group_body, 0)

    def pack():
        @plsc.parallel_loop(0, CHUNK, step=1, unroll=4)
        def _(r):
            base = zero_i + r * PAD
            for k in range(D // 16):
                ov = plsc.load_gather(cbuf, [base + lanes_k[k]])
                obuf[r, pl.ds(k * 16, 16)] = ov

    def start_out(c):
        for s in range(SPC):
            pltpu.async_copy(
                obuf.at[pl.ds(s * SEQ, SEQ)],
                out_hbm.at[wb + c * SPC + s],
                osem,
            )

    def drain_out():
        for s in range(SPC):
            pltpu.make_async_copy(
                obuf.at[pl.ds(s * SEQ, SEQ)],
                out_hbm.at[wb + s],
                osem,
            ).wait()

    def process(c, pbuf, gsem, first):
        drain(pbuf, gsem)
        unpack_add(pbuf)

        @pl.when(c + 2 < NCHUNK)
        def _():
            start_gather(c + 2, pbuf, gsem)

        compute()

        @pl.when(jnp.logical_not(first))
        def _():
            drain_out()

        pack()
        start_out(c)

    start_gather(0, pbuf_a, gsem_a)
    start_gather(1, pbuf_b, gsem_b)

    def pair_body(i, carry):
        ca = i * 2
        process(ca, pbuf_a, gsem_a, i == 0)
        process(ca + 1, pbuf_b, gsem_b, False)
        return carry

    lax.fori_loop(0, NCHUNK // 2, pair_body, 0)
    drain_out()


@functools.partial(
    pl.kernel,
    out_type=jax.ShapeDtypeStruct((BATCH, SEQ, D), jnp.float32),
    mesh=plsc.VectorSubcoreMesh(core_axis_name="c", subcore_axis_name="s"),
    scratch_types=[
        pltpu.VMEM((BPW, SEQ), jnp.int32),
        pltpu.VMEM((SEQ, D), jnp.float32),
        pltpu.VMEM((CHUNK, D), jnp.float32),
        pltpu.VMEM((CHUNK, D), jnp.float32),
        pltpu.VMEM((CHUNK, D), jnp.float32),
        pltpu.VMEM((CHUNK * PAD,), jnp.float32),
        pltpu.VMEM((2, D), jnp.float32),
        pltpu.VMEM((D, 16), jnp.float32),
        pltpu.VMEM((D, 16), jnp.float32),
        pltpu.SemaphoreType.DMA((8,)),
        pltpu.SemaphoreType.DMA((8,)),
        pltpu.SemaphoreType.DMA,
    ],
    compiler_params=pltpu.CompilerParams(
        needs_layout_passes=False, use_tc_tiling_on_sc=False,
        disable_bounds_checks=True),
)
def _emb_ln(ids, w, pos, gam, bet, out, idx_v, pos_v, pbuf_a, pbuf_b, obuf,
            cbuf, gb_v, gamx_v, betx_v, gsem_a, gsem_b, osem):
    _emb_ln_kernel(ids, w, pos, gam, bet, out, idx_v, pos_v, pbuf_a, pbuf_b,
                   obuf, cbuf, gb_v, gamx_v, betx_v, gsem_a, gsem_b, osem)


def kernel(input_ids, W_word, pos_table, ln_gamma, ln_beta):
    ids = input_ids.astype(jnp.int32)
    pos = pos_table[:SEQ]
    return _emb_ln(ids, W_word, pos, ln_gamma, ln_beta)

# --- scband reference (transcript-rebuilt; emitter-appended) ---
"""Pipeline reference for scband-embedding-layer-17824114278884 (READ-ONLY COPY).

The authoritative reference and input builder live on the scoring server;
editing this copy changes nothing except your own understanding.
"""

import jax, jax.numpy as jnp
import numpy as np

VOCAB = 1000000
EMBED_DIM = 64
MAX_LEN = 512
BATCH = 1024
SEQ_LEN = 200
LN_EPS = 1e-5


def get_sinusoid_encoding_table(n_position, d_hid, padding_idx=0):
    position = np.arange(n_position)[:, None].astype(np.float64)
    div_i = np.arange(d_hid)
    angle = position / np.power(10000.0, 2 * (div_i // 2) / d_hid)
    table = np.zeros((n_position, d_hid), dtype=np.float64)
    table[:, 0::2] = np.sin(angle[:, 0::2])
    table[:, 1::2] = np.cos(angle[:, 1::2])
    if padding_idx is not None:
        table[padding_idx] = 0.0
    return jnp.asarray(table, dtype=jnp.float32)


def setup_inputs(seed: int = 0) -> dict:
    key = jax.random.key(seed)
    k_idx, k_w = jax.random.split(key)
    input_ids = jax.random.randint(k_idx, (BATCH, SEQ_LEN), 0, VOCAB, dtype=jnp.int64 if jax.config.jax_enable_x64 else jnp.int32)
    W_word = jax.random.normal(k_w, (VOCAB, EMBED_DIM), dtype=jnp.float32) * 0.02
    pos_table = get_sinusoid_encoding_table(MAX_LEN, EMBED_DIM, padding_idx=0)
    ln_gamma = jnp.ones((EMBED_DIM,), dtype=jnp.float32)
    ln_beta = jnp.zeros((EMBED_DIM,), dtype=jnp.float32)
    return {"input_ids": input_ids, "W_word": W_word, "pos_table": pos_table, "ln_gamma": ln_gamma, "ln_beta": ln_beta}


def layer_norm(x, gamma, beta, eps=LN_EPS):
    mean = jnp.mean(x, axis=-1, keepdims=True)
    var = jnp.mean(jnp.square(x - mean), axis=-1, keepdims=True)
    return (x - mean) / jnp.sqrt(var + eps) * gamma + beta


def reference(input_ids, W_word, pos_table, ln_gamma, ln_beta):
    # word embedding lookup (gather)
    input_embeds = jnp.take(W_word, input_ids, axis=0)
    # position ids: arange(seq_len) broadcast to input shape
    seq_length = input_ids.shape[1]
    position_ids = jnp.broadcast_to(jnp.arange(seq_length, dtype=input_ids.dtype)[None, :], input_ids.shape)
    position_embeddings = jnp.take(pos_table, position_ids, axis=0)
    embeddings = input_embeds + position_embeddings
    embeddings = layer_norm(embeddings, ln_gamma, ln_beta)
    # dropout is identity in eval mode
    return embeddings

if __name__ == "__main__":
    import jax
    _d = setup_inputs()
    print(jax.jit(kernel)(*tuple(_d.values())))

</pallas_src>

<mosaic_0001>
#map = affine_map<(d0, d1) -> (0, 0)>
#map1 = affine_map<(d0, d1) -> (0)>
#map2 = affine_map<(d0, d1) -> (0, 0, 0)>
module attributes {stable_mosaic.version = 14 : i64} {
  func.func @_emb_ln(%arg0: i32, %arg1: i32, %arg2: memref<1024x200xi32, #tpu.memory_space<hbm>>, %arg3: memref<1000000x64xf32, #tpu.memory_space<hbm>>, %arg4: memref<200x64xf32, #tpu.memory_space<hbm>>, %arg5: memref<64xf32, #tpu.memory_space<hbm>>, %arg6: memref<64xf32, #tpu.memory_space<hbm>>, %arg7: memref<1024x200x64xf32, #tpu.memory_space<hbm>>, %arg8: memref<32x200xi32, #tpu.memory_space<vmem>>, %arg9: memref<200x64xf32, #tpu.memory_space<vmem>>, %arg10: memref<400x64xf32, #tpu.memory_space<vmem>>, %arg11: memref<400x64xf32, #tpu.memory_space<vmem>>, %arg12: memref<400x64xf32, #tpu.memory_space<vmem>>, %arg13: memref<26000xf32, #tpu.memory_space<vmem>>, %arg14: memref<2x64xf32, #tpu.memory_space<vmem>>, %arg15: memref<64x16xf32, #tpu.memory_space<vmem>>, %arg16: memref<64x16xf32, #tpu.memory_space<vmem>>, %arg17: memref<8x!tpu.dma_semaphore, #tpu.memory_space<semaphore_mem>>, %arg18: memref<8x!tpu.dma_semaphore, #tpu.memory_space<semaphore_mem>>, %arg19: memref<!tpu.dma_semaphore, #tpu.memory_space<semaphore_mem>>) attributes {dimension_semantics = [#tpu.dimension_semantics<core_parallel>, #tpu.dimension_semantics<subcore_parallel>], iteration_bounds = array<i64: 2, 16>, scalar_prefetch = 0 : i64, scratch_operands = 12 : i64, tpu.core_type = #tpu.core_type<sc_vector_subcore>, window_params = [{transform_indices = #map}, {transform_indices = #map}, {transform_indices = #map}, {transform_indices = #map1}, {transform_indices = #map1}, {transform_indices = #map2}]} {
    %mul3A = arith.constant 2 : i32
    %mul3A_0 = arith.muli %arg1, %mul3A : i32
    %add3A = arith.addi %mul3A_0, %arg0 : i32
    %mul3A_1 = arith.constant 32 : i32
    %mul3A_2 = arith.muli %add3A, %mul3A_1 : i32
    "tpu.region"() ({
      %run_scoped3A_268 = tpu.sem_alloc : memref<!tpu.dma_semaphore, #tpu.memory_space<semaphore_mem>>
      %dma_start3A_269 = arith.constant 0 : i32
      %dma_start3A_270 = tpu.memref_slice %arg2[%mul3A_2, %dma_start3A_269] : memref<1024x200xi32, #tpu.memory_space<hbm>> -> memref<32x200xi32, #tpu.memory_space<hbm>>
      %dma_start3A_271 = arith.constant 0 : i32
      %dma_start3A_272 = tpu.memref_slice %arg2[%mul3A_2, %dma_start3A_271] : memref<1024x200xi32, #tpu.memory_space<hbm>> -> memref<32x200xi32, #tpu.memory_space<hbm>>
      tpu.enqueue_dma source(%dma_start3A_272 : memref<32x200xi32, #tpu.memory_space<hbm>>) target(%arg8 : memref<32x200xi32, #tpu.memory_space<vmem>>) target_semaphore(%run_scoped3A_268 : memref<!tpu.dma_semaphore, #tpu.memory_space<semaphore_mem>>)
      %dma_wait3A_273 = arith.constant 0 : i32
      %dma_wait3A_274 = tpu.memref_slice %arg2[%mul3A_2, %dma_wait3A_273] : memref<1024x200xi32, #tpu.memory_space<hbm>> -> memref<32x200xi32, #tpu.memory_space<hbm>>
      %dma_wait3A_275 = arith.constant 0 : i32
      %dma_wait3A_276 = tpu.memref_slice %arg2[%mul3A_2, %dma_wait3A_275] : memref<1024x200xi32, #tpu.memory_space<hbm>> -> memref<32x200xi32, #tpu.memory_space<hbm>>
      tpu.wait_dma2 semaphore(%run_scoped3A_268 : memref<!tpu.dma_semaphore, #tpu.memory_space<semaphore_mem>>) src(%dma_wait3A_276 : memref<32x200xi32, #tpu.memory_space<hbm>>) dst(%arg8 : memref<32x200xi32, #tpu.memory_space<vmem>>)
      tpu.yield
    }) : () -> ()
    "tpu.region"() ({
      %run_scoped3A_268 = tpu.sem_alloc : memref<!tpu.dma_semaphore, #tpu.memory_space<semaphore_mem>>
      tpu.enqueue_dma source(%arg4 : memref<200x64xf32, #tpu.memory_space<hbm>>) target(%arg9 : memref<200x64xf32, #tpu.memory_space<vmem>>) target_semaphore(%run_scoped3A_268 : memref<!tpu.dma_semaphore, #tpu.memory_space<semaphore_mem>>)
      tpu.wait_dma2 semaphore(%run_scoped3A_268 : memref<!tpu.dma_semaphore, #tpu.memory_space<semaphore_mem>>) src(%arg4 : memref<200x64xf32, #tpu.memory_space<hbm>>) dst(%arg9 : memref<200x64xf32, #tpu.memory_space<vmem>>)
      tpu.yield
    }) : () -> ()
    %run_scoped3A = arith.constant 0 : i32
    "tpu.region"() ({
      %run_scoped3A_268 = tpu.sem_alloc : memref<!tpu.dma_semaphore, #tpu.memory_space<semaphore_mem>>
      %dma_start3A_269 = arith.constant 0 : i32
      %dma_start3A_270 = tpu.memref_slice %arg14[%run_scoped3A, %dma_start3A_269] : memref<2x64xf32, #tpu.memory_space<vmem>> -> memref<1x64xf32, #tpu.memory_space<vmem>>
      %dma_start3A_271 = tpu.memref_squeeze %dma_start3A_270 : memref<1x64xf32, #tpu.memory_space<vmem>> -> memref<64xf32, #tpu.memory_space<vmem>>
      %dma_start3A_272 = arith.constant 0 : i32
      %dma_start3A_273 = tpu.memref_slice %arg14[%run_scoped3A, %dma_start3A_272] : memref<2x64xf32, #tpu.memory_space<vmem>> -> memref<1x64xf32, #tpu.memory_space<vmem>>
      %dma_start3A_274 = tpu.memref_squeeze %dma_start3A_273 : memref<1x64xf32, #tpu.memory_space<vmem>> -> memref<64xf32, #tpu.memory_space<vmem>>
      tpu.enqueue_dma source(%arg5 : memref<64xf32, #tpu.memory_space<hbm>>) target(%dma_start3A_274 : memref<64xf32, #tpu.memory_space<vmem>>) target_semaphore(%run_scoped3A_268 : memref<!tpu.dma_semaphore, #tpu.memory_space<semaphore_mem>>)
      %dma_wait3A_275 = arith.constant 0 : i32
      %dma_wait3A_276 = tpu.memref_slice %arg14[%run_scoped3A, %dma_wait3A_275] : memref<2x64xf32, #tpu.memory_space<vmem>> -> memref<1x64xf32, #tpu.memory_space<vmem>>
      %dma_wait3A_277 = tpu.memref_squeeze %dma_wait3A_276 : memref<1x64xf32, #tpu.memory_space<vmem>> -> memref<64xf32, #tpu.memory_space<vmem>>
      %dma_wait3A_278 = arith.constant 0 : i32
      %dma_wait3A_279 = tpu.memref_slice %arg14[%run_scoped3A, %dma_wait3A_278] : memref<2x64xf32, #tpu.memory_space<vmem>> -> memref<1x64xf32, #tpu.memory_space<vmem>>
      %dma_wait3A_280 = tpu.memref_squeeze %dma_wait3A_279 : memref<1x64xf32, #tpu.memory_space<vmem>> -> memref<64xf32, #tpu.memory_space<vmem>>
      tpu.wait_dma2 semaphore(%run_scoped3A_268 : memref<!tpu.dma_semaphore, #tpu.memory_space<semaphore_mem>>) src(%arg5 : memref<64xf32, #tpu.memory_space<hbm>>) dst(%dma_wait3A_280 : memref<64xf32, #tpu.memory_space<vmem>>)
      tpu.yield
    }) : () -> ()
    %run_scoped3A_3 = arith.constant 1 : i32
    "tpu.region"() ({
      %run_scoped3A_268 = tpu.sem_alloc : memref<!tpu.dma_semaphore, #tpu.memory_space<semaphore_mem>>
      %dma_start3A_269 = arith.constant 0 : i32
      %dma_start3A_270 = tpu.memref_slice %arg14[%run_scoped3A_3, %dma_start3A_269] : memref<2x64xf32, #tpu.memory_space<vmem>> -> memref<1x64xf32, #tpu.memory_space<vmem>>
      %dma_start3A_271 = tpu.memref_squeeze %dma_start3A_270 : memref<1x64xf32, #tpu.memory_space<vmem>> -> memref<64xf32, #tpu.memory_space<vmem>>
      %dma_start3A_272 = arith.constant 0 : i32
      %dma_start3A_273 = tpu.memref_slice %arg14[%run_scoped3A_3, %dma_start3A_272] : memref<2x64xf32, #tpu.memory_space<vmem>> -> memref<1x64xf32, #tpu.memory_space<vmem>>
      %dma_start3A_274 = tpu.memref_squeeze %dma_start3A_273 : memref<1x64xf32, #tpu.memory_space<vmem>> -> memref<64xf32, #tpu.memory_space<vmem>>
      tpu.enqueue_dma source(%arg6 : memref<64xf32, #tpu.memory_space<hbm>>) target(%dma_start3A_274 : memref<64xf32, #tpu.memory_space<vmem>>) target_semaphore(%run_scoped3A_268 : memref<!tpu.dma_semaphore, #tpu.memory_space<semaphore_mem>>)
      %dma_wait3A_275 = arith.constant 0 : i32
      %dma_wait3A_276 = tpu.memref_slice %arg14[%run_scoped3A_3, %dma_wait3A_275] : memref<2x64xf32, #tpu.memory_space<vmem>> -> memref<1x64xf32, #tpu.memory_space<vmem>>
      %dma_wait3A_277 = tpu.memref_squeeze %dma_wait3A_276 : memref<1x64xf32, #tpu.memory_space<vmem>> -> memref<64xf32, #tpu.memory_space<vmem>>
      %dma_wait3A_278 = arith.constant 0 : i32
      %dma_wait3A_279 = tpu.memref_slice %arg14[%run_scoped3A_3, %dma_wait3A_278] : memref<2x64xf32, #tpu.memory_space<vmem>> -> memref<1x64xf32, #tpu.memory_space<vmem>>
      %dma_wait3A_280 = tpu.memref_squeeze %dma_wait3A_279 : memref<1x64xf32, #tpu.memory_space<vmem>> -> memref<64xf32, #tpu.memory_space<vmem>>
      tpu.wait_dma2 semaphore(%run_scoped3A_268 : memref<!tpu.dma_semaphore, #tpu.memory_space<semaphore_mem>>) src(%arg6 : memref<64xf32, #tpu.memory_space<hbm>>) dst(%dma_wait3A_280 : memref<64xf32, #tpu.memory_space<vmem>>)
      tpu.yield
    }) : () -> ()
    %iota3A = tpu.iota {dimensions = array<i32: 0>} : vector<16xi32>
    %broadcast_in_dim3A = arith.constant 0.000000e+00 : f32
    %broadcast_in_dim3A_4 = vector.broadcast %broadcast_in_dim3A : f32 to vector<16xf32>
    %broadcast_in_dim3A_5 = arith.constant 0 : i32
    %broadcast_in_dim3A_6 = vector.broadcast %broadcast_in_dim3A_5 : i32 to vector<16xi32>
    %add3A_7 = arith.constant 0 : i32
    %add3A_8 = vector.broadcast %add3A_7 : i32 to vector<16xi32>
    %add3A_9 = arith.addi %iota3A, %add3A_8 : vector<16xi32>
    %add3A_10 = arith.constant 16 : i32
    %add3A_11 = vector.broadcast %add3A_10 : i32 to vector<16xi32>
    %add3A_12 = arith.addi %iota3A, %add3A_11 : vector<16xi32>
    %add3A_13 = arith.constant 32 : i32
    %add3A_14 = vector.broadcast %add3A_13 : i32 to vector<16xi32>
    %add3A_15 = arith.addi %iota3A, %add3A_14 : vector<16xi32>
    %add3A_16 = arith.constant 48 : i32
    %add3A_17 = vector.broadcast %add3A_16 : i32 to vector<16xi32>
    %add3A_18 = arith.addi %iota3A, %add3A_17 : vector<16xi32>
    %scan3A = arith.constant 0 : i32
    %scan3A_19 = arith.constant 0 : i32
    %scan3A_20 = arith.constant 64 : i32
    %scan3A_21 = arith.addi %scan3A_19, %scan3A_20 : i32
    %scan3A_22 = arith.constant 1 : i32
    scf.for %scan3A_268 = %scan3A_19 to %scan3A_21 step %scan3A_22  : i32 {
      %add3A_269 = vector.broadcast %scan3A_268 : i32 to vector<16xi32>
      %add3A_270 = arith.addi %broadcast_in_dim3A_6, %add3A_269 : vector<16xi32>
      %gather3A = tpu.vector_load_idx %arg14[%broadcast_in_dim3A_6, %add3A_270] : memref<2x64xf32, #tpu.memory_space<vmem>>[vector<16xi32>, vector<16xi32>], vector<16xf32>,
      %swap3A = arith.index_cast %scan3A_268 : i32 to index
      %swap3A_271 = arith.constant 0 : index
      %swap3A_272 = tpu.vector_load %arg15[%swap3A, %swap3A_271] {strides = array<i32>} : memref<64x16xf32, #tpu.memory_space<vmem>>, vector<16xf32>,
      tpu.vector_store %arg15[%swap3A, %swap3A_271], %gather3A {strides = array<i32>} : memref<64x16xf32, #tpu.memory_space<vmem>>, vector<16xf32>,
      %add3A_273 = arith.constant 1 : i32
      %add3A_274 = vector.broadcast %add3A_273 : i32 to vector<16xi32>
      %add3A_275 = arith.addi %broadcast_in_dim3A_6, %add3A_274 : vector<16xi32>
      %gather3A_276 = tpu.vector_load_idx %arg14[%add3A_275, %add3A_270] : memref<2x64xf32, #tpu.memory_space<vmem>>[vector<16xi32>, vector<16xi32>], vector<16xf32>,
      %swap3A_277 = arith.index_cast %scan3A_268 : i32 to index
      %swap3A_278 = arith.constant 0 : index
      %swap3A_279 = tpu.vector_load %arg16[%swap3A_277, %swap3A_278] {strides = array<i32>} : memref<64x16xf32, #tpu.memory_space<vmem>>, vector<16xf32>,
      tpu.vector_store %arg16[%swap3A_277, %swap3A_278], %gather3A_276 {strides = array<i32>} : memref<64x16xf32, #tpu.memory_space<vmem>>, vector<16xf32>,
    }
    %scan3A_23 = arith.constant 64 : i32
    %dma_start3A = arith.constant 0 : i32
    %dma_start3A_24 = arith.constant 0 : i32
    %dma_start3A_25 = arith.constant 0 : i32
    %dma_start3A_26 = arith.constant 0 : i32
    %dma_start3A_27 = tpu.memref_slice %arg10[%dma_start3A_25, %dma_start3A_26] : memref<400x64xf32, #tpu.memory_space<vmem>> -> memref<56x64xf32, #tpu.memory_space<vmem>>
    %dma_start3A_28 = arith.constant 0 : i32
    %dma_start3A_29 = tpu.memref_slice %arg8[%dma_start3A, %dma_start3A_28] : memref<32x200xi32, #tpu.memory_space<vmem>> -> memref<1x56xi32, #tpu.memory_space<vmem>>
    %dma_start3A_30 = tpu.memref_squeeze %dma_start3A_29 : memref<1x56xi32, #tpu.memory_space<vmem>> -> memref<56xi32, #tpu.memory_space<vmem>>
    %dma_start3A_31 = arith.constant 0 : i32
    %dma_start3A_32 = arith.constant 0 : i32
    %dma_start3A_33 = tpu.memref_slice %arg3[%dma_start3A_31, %dma_start3A_32] : memref<1000000x64xf32, #tpu.memory_space<hbm>> -> memref<1000000x64xf32, #tpu.memory_space<hbm>>
    %dma_start3A_34 = tpu.memref_slice %arg17[%dma_start3A_24] : memref<8x!tpu.dma_semaphore, #tpu.memory_space<semaphore_mem>> -> memref<1x!tpu.dma_semaphore, #tpu.memory_space<semaphore_mem>>
    %dma_start3A_35 = tpu.memref_squeeze %dma_start3A_34 : memref<1x!tpu.dma_semaphore, #tpu.memory_space<semaphore_mem>> -> memref<!tpu.dma_semaphore, #tpu.memory_space<semaphore_mem>>
    tpu.enqueue_indirect_dma source(%dma_start3A_33 : memref<1000000x64xf32, #tpu.memory_space<hbm>>) target(%dma_start3A_27 : memref<56x64xf32, #tpu.memory_space<vmem>>) offsets(%dma_start3A_30 : memref<56xi32, #tpu.memory_space<vmem>>) semaphore(%dma_start3A_35 : memref<!tpu.dma_semaphore, #tpu.memory_space<semaphore_mem>>)
    %dma_start3A_36 = arith.constant 0 : i32
    %dma_start3A_37 = arith.constant 1 : i32
    %dma_start3A_38 = arith.constant 56 : i32
    %dma_start3A_39 = arith.constant 0 : i32
    %dma_start3A_40 = tpu.memref_slice %arg10[%dma_start3A_38, %dma_start3A_39] : memref<400x64xf32, #tpu.memory_space<vmem>> -> memref<48x64xf32, #tpu.memory_space<vmem>>
    %dma_start3A_41 = arith.constant 56 : i32
    %dma_start3A_42 = tpu.memref_slice %arg8[%dma_start3A_36, %dma_start3A_41] : memref<32x200xi32, #tpu.memory_space<vmem>> -> memref<1x48xi32, #tpu.memory_space<vmem>>
    %dma_start3A_43 = tpu.memref_squeeze %dma_start3A_42 : memref<1x48xi32, #tpu.memory_space<vmem>> -> memref<48xi32, #tpu.memory_space<vmem>>
    %dma_start3A_44 = arith.constant 0 : i32
    %dma_start3A_45 = arith.constant 0 : i32
    %dma_start3A_46 = tpu.memref_slice %arg3[%dma_start3A_44, %dma_start3A_45] : memref<1000000x64xf32, #tpu.memory_space<hbm>> -> memref<1000000x64xf32, #tpu.memory_space<hbm>>
    %dma_start3A_47 = tpu.memref_slice %arg17[%dma_start3A_37] : memref<8x!tpu.dma_semaphore, #tpu.memory_space<semaphore_mem>> -> memref<1x!tpu.dma_semaphore, #tpu.memory_space<semaphore_mem>>
    %dma_start3A_48 = tpu.memref_squeeze %dma_start3A_47 : memref<1x!tpu.dma_semaphore, #tpu.memory_space<semaphore_mem>> -> memref<!tpu.dma_semaphore, #tpu.memory_space<semaphore_mem>>
    tpu.enqueue_indirect_dma source(%dma_start3A_46 : memref<1000000x64xf32, #tpu.memory_space<hbm>>) target(%dma_start3A_40 : memref<48x64xf32, #tpu.memory_space<vmem>>) offsets(%dma_start3A_43 : memref<48xi32, #tpu.memory_space<vmem>>) semaphore(%dma_start3A_48 : memref<!tpu.dma_semaphore, #tpu.memory_space<semaphore_mem>>)
    %dma_start3A_49 = arith.constant 0 : i32
    %dma_start3A_50 = arith.constant 2 : i32
    %dma_start3A_51 = arith.constant 104 : i32
    %dma_start3A_52 = arith.constant 0 : i32
    %dma_start3A_53 = tpu.memref_slice %arg10[%dma_start3A_51, %dma_start3A_52] : memref<400x64xf32, #tpu.memory_space<vmem>> -> memref<48x64xf32, #tpu.memory_space<vmem>>
    %dma_start3A_54 = arith.constant 104 : i32
    %dma_start3A_55 = tpu.memref_slice %arg8[%dma_start3A_49, %dma_start3A_54] : memref<32x200xi32, #tpu.memory_space<vmem>> -> memref<1x48xi32, #tpu.memory_space<vmem>>
    %dma_start3A_56 = tpu.memref_squeeze %dma_start3A_55 : memref<1x48xi32, #tpu.memory_space<vmem>> -> memref<48xi32, #tpu.memory_space<vmem>>
    %dma_start3A_57 = arith.constant 0 : i32
    %dma_start3A_58 = arith.constant 0 : i32
    %dma_start3A_59 = tpu.memref_slice %arg3[%dma_start3A_57, %dma_start3A_58] : memref<1000000x64xf32, #tpu.memory_space<hbm>> -> memref<1000000x64xf32, #tpu.memory_space<hbm>>
    %dma_start3A_60 = tpu.memref_slice %arg17[%dma_start3A_50] : memref<8x!tpu.dma_semaphore, #tpu.memory_space<semaphore_mem>> -> memref<1x!tpu.dma_semaphore, #tpu.memory_space<semaphore_mem>>
    %dma_start3A_61 = tpu.memref_squeeze %dma_start3A_60 : memref<1x!tpu.dma_semaphore, #tpu.memory_space<semaphore_mem>> -> memref<!tpu.dma_semaphore, #tpu.memory_space<semaphore_mem>>
    tpu.enqueue_indirect_dma source(%dma_start3A_59 : memref<1000000x64xf32, #tpu.memory_space<hbm>>) target(%dma_start3A_53 : memref<48x64xf32, #tpu.memory_space<vmem>>) offsets(%dma_start3A_56 : memref<48xi32, #tpu.memory_space<vmem>>) semaphore(%dma_start3A_61 : memref<!tpu.dma_semaphore, #tpu.memory_space<semaphore_mem>>)
    %dma_start3A_62 = arith.constant 0 : i32
    %dma_start3A_63 = arith.constant 3 : i32
    %dma_start3A_64 = arith.constant 152 : i32
    %dma_start3A_65 = arith.constant 0 : i32
    %dma_start3A_66 = tpu.memref_slice %arg10[%dma_start3A_64, %dma_start3A_65] : memref<400x64xf32, #tpu.memory_space<vmem>> -> memref<48x64xf32, #tpu.memory_space<vmem>>
    %dma_start3A_67 = arith.constant 152 : i32
    %dma_start3A_68 = tpu.memref_slice %arg8[%dma_start3A_62, %dma_start3A_67] : memref<32x200xi32, #tpu.memory_space<vmem>> -> memref<1x48xi32, #tpu.memory_space<vmem>>
    %dma_start3A_69 = tpu.memref_squeeze %dma_start3A_68 : memref<1x48xi32, #tpu.memory_space<vmem>> -> memref<48xi32, #tpu.memory_space<vmem>>
    %dma_start3A_70 = arith.constant 0 : i32
    %dma_start3A_71 = arith.constant 0 : i32
    %dma_start3A_72 = tpu.memref_slice %arg3[%dma_start3A_70, %dma_start3A_71] : memref<1000000x64xf32, #tpu.memory_space<hbm>> -> memref<1000000x64xf32, #tpu.memory_space<hbm>>
    %dma_start3A_73 = tpu.memref_slice %arg17[%dma_start3A_63] : memref<8x!tpu.dma_semaphore, #tpu.memory_space<semaphore_mem>> -> memref<1x!tpu.dma_semaphore, #tpu.memory_space<semaphore_mem>>
    %dma_start3A_74 = tpu.memref_squeeze %dma_start3A_73 : memref<1x!tpu.dma_semaphore, #tpu.memory_space<semaphore_mem>> -> memref<!tpu.dma_semaphore, #tpu.memory_space<semaphore_mem>>
    tpu.enqueue_indirect_dma source(%dma_start3A_72 : memref<1000000x64xf32, #tpu.memory_space<hbm>>) target(%dma_start3A_66 : memref<48x64xf32, #tpu.memory_space<vmem>>) offsets(%dma_start3A_69 : memref<48xi32, #tpu.memory_space<vmem>>) semaphore(%dma_start3A_74 : memref<!tpu.dma_semaphore, #tpu.memory_space<semaphore_mem>>)
    %dma_start3A_75 = arith.constant 1 : i32
    %dma_start3A_76 = arith.constant 4 : i32
    %dma_start3A_77 = arith.constant 200 : i32
    %dma_start3A_78 = arith.constant 0 : i32
    %dma_start3A_79 = tpu.memref_slice %arg10[%dma_start3A_77, %dma_start3A_78] : memref<400x64xf32, #tpu.memory_space<vmem>> -> memref<56x64xf32, #tpu.memory_space<vmem>>
    %dma_start3A_80 = arith.constant 0 : i32
    %dma_start3A_81 = tpu.memref_slice %arg8[%dma_start3A_75, %dma_start3A_80] : memref<32x200xi32, #tpu.memory_space<vmem>> -> memref<1x56xi32, #tpu.memory_space<vmem>>
    %dma_start3A_82 = tpu.memref_squeeze %dma_start3A_81 : memref<1x56xi32, #tpu.memory_space<vmem>> -> memref<56xi32, #tpu.memory_space<vmem>>
    %dma_start3A_83 = arith.constant 0 : i32
    %dma_start3A_84 = arith.constant 0 : i32
    %dma_start3A_85 = tpu.memref_slice %arg3[%dma_start3A_83, %dma_start3A_84] : memref<1000000x64xf32, #tpu.memory_space<hbm>> -> memref<1000000x64xf32, #tpu.memory_space<hbm>>
    %dma_start3A_86 = tpu.memref_slice %arg17[%dma_start3A_76] : memref<8x!tpu.dma_semaphore, #tpu.memory_space<semaphore_mem>> -> memref<1x!tpu.dma_semaphore, #tpu.memory_space<semaphore_mem>>
    %dma_start3A_87 = tpu.memref_squeeze %dma_start3A_86 : memref<1x!tpu.dma_semaphore, #tpu.memory_space<semaphore_mem>> -> memref<!tpu.dma_semaphore, #tpu.memory_space<semaphore_mem>>
    tpu.enqueue_indirect_dma source(%dma_start3A_85 : memref<1000000x64xf32, #tpu.memory_space<hbm>>) target(%dma_start3A_79 : memref<56x64xf32, #tpu.memory_space<vmem>>) offsets(%dma_start3A_82 : memref<56xi32, #tpu.memory_space<vmem>>) semaphore(%dma_start3A_87 : memref<!tpu.dma_semaphore, #tpu.memory_space<semaphore_mem>>)
    %dma_start3A_88 = arith.constant 1 : i32
    %dma_start3A_89 = arith.constant 5 : i32
    %dma_start3A_90 = arith.constant 256 : i32
    %dma_start3A_91 = arith.constant 0 : i32
    %dma_start3A_92 = tpu.memref_slice %arg10[%dma_start3A_90, %dma_start3A_91] : memref<400x64xf32, #tpu.memory_space<vmem>> -> memref<48x64xf32, #tpu.memory_space<vmem>>
    %dma_start3A_93 = arith.constant 56 : i32
    %dma_start3A_94 = tpu.memref_slice %arg8[%dma_start3A_88, %dma_start3A_93] : memref<32x200xi32, #tpu.memory_space<vmem>> -> memref<1x48xi32, #tpu.memory_space<vmem>>
    %dma_start3A_95 = tpu.memref_squeeze %dma_start3A_94 : memref<1x48xi32, #tpu.memory_space<vmem>> -> memref<48xi32, #tpu.memory_space<vmem>>
    %dma_start3A_96 = arith.constant 0 : i32
    %dma_start3A_97 = arith.constant 0 : i32
    %dma_start3A_98 = tpu.memref_slice %arg3[%dma_start3A_96, %dma_start3A_97] : memref<1000000x64xf32, #tpu.memory_space<hbm>> -> memref<1000000x64xf32, #tpu.memory_space<hbm>>
    %dma_start3A_99 = tpu.memref_slice %arg17[%dma_start3A_89] : memref<8x!tpu.dma_semaphore, #tpu.memory_space<semaphore_mem>> -> memref<1x!tpu.dma_semaphore, #tpu.memory_space<semaphore_mem>>
    %dma_start3A_100 = tpu.memref_squeeze %dma_start3A_99 : memref<1x!tpu.dma_semaphore, #tpu.memory_space<semaphore_mem>> -> memref<!tpu.dma_semaphore, #tpu.memory_space<semaphore_mem>>
    tpu.enqueue_indirect_dma source(%dma_start3A_98 : memref<1000000x64xf32, #tpu.memory_space<hbm>>) target(%dma_start3A_92 : memref<48x64xf32, #tpu.memory_space<vmem>>) offsets(%dma_start3A_95 : memref<48xi32, #tpu.memory_space<vmem>>) semaphore(%dma_start3A_100 : memref<!tpu.dma_semaphore, #tpu.memory_space<semaphore_mem>>)
    %dma_start3A_101 = arith.constant 1 : i32
    %dma_start3A_102 = arith.constant 6 : i32
    %dma_start3A_103 = arith.constant 304 : i32
    %dma_start3A_104 = arith.constant 0 : i32
    %dma_start3A_105 = tpu.memref_slice %arg10[%dma_start3A_103, %dma_start3A_104] : memref<400x64xf32, #tpu.memory_space<vmem>> -> memref<48x64xf32, #tpu.memory_space<vmem>>
    %dma_start3A_106 = arith.constant 104 : i32
    %dma_start3A_107 = tpu.memref_slice %arg8[%dma_start3A_101, %dma_start3A_106] : memref<32x200xi32, #tpu.memory_space<vmem>> -> memref<1x48xi32, #tpu.memory_space<vmem>>
    %dma_start3A_108 = tpu.memref_squeeze %dma_start3A_107 : memref<1x48xi32, #tpu.memory_space<vmem>> -> memref<48xi32, #tpu.memory_space<vmem>>
    %dma_start3A_109 = arith.constant 0 : i32
    %dma_start3A_110 = arith.constant 0 : i32
    %dma_start3A_111 = tpu.memref_slice %arg3[%dma_start3A_109, %dma_start3A_110] : memref<1000000x64xf32, #tpu.memory_space<hbm>> -> memref<1000000x64xf32, #tpu.memory_space<hbm>>
    %dma_start3A_112 = tpu.memref_slice %arg17[%dma_start3A_102] : memref<8x!tpu.dma_semaphore, #tpu.memory_space<semaphore_mem>> -> memref<1x!tpu.dma_semaphore, #tpu.memory_space<semaphore_mem>>
    %dma_start3A_113 = tpu.memref_squeeze %dma_start3A_112 : memref<1x!tpu.dma_semaphore, #tpu.memory_space<semaphore_mem>> -> memref<!tpu.dma_semaphore, #tpu.memory_space<semaphore_mem>>
    tpu.enqueue_indirect_dma source(%dma_start3A_111 : memref<1000000x64xf32, #tpu.memory_space<hbm>>) target(%dma_start3A_105 : memref<48x64xf32, #tpu.memory_space<vmem>>) offsets(%dma_start3A_108 : memref<48xi32, #tpu.memory_space<vmem>>) semaphore(%dma_start3A_113 : memref<!tpu.dma_semaphore, #tpu.memory_space<semaphore_mem>>)
    %dma_start3A_114 = arith.constant 1 : i32
    %dma_start3A_115 = arith.constant 7 : i32
    %dma_start3A_116 = arith.constant 352 : i32
    %dma_start3A_117 = arith.constant 0 : i32
    %dma_start3A_118 = tpu.memref_slice %arg10[%dma_start3A_116, %dma_start3A_117] : memref<400x64xf32, #tpu.memory_space<vmem>> -> memref<48x64xf32, #tpu.memory_space<vmem>>
    %dma_start3A_119 = arith.constant 152 : i32
    %dma_start3A_120 = tpu.memref_slice %arg8[%dma_start3A_114, %dma_start3A_119] : memref<32x200xi32, #tpu.memory_space<vmem>> -> memref<1x48xi32, #tpu.memory_space<vmem>>
    %dma_start3A_121 = tpu.memref_squeeze %dma_start3A_120 : memref<1x48xi32, #tpu.memory_space<vmem>> -> memref<48xi32, #tpu.memory_space<vmem>>
    %dma_start3A_122 = arith.constant 0 : i32
    %dma_start3A_123 = arith.constant 0 : i32
    %dma_start3A_124 = tpu.memref_slice %arg3[%dma_start3A_122, %dma_start3A_123] : memref<1000000x64xf32, #tpu.memory_space<hbm>> -> memref<1000000x64xf32, #tpu.memory_space<hbm>>
    %dma_start3A_125 = tpu.memref_slice %arg17[%dma_start3A_115] : memref<8x!tpu.dma_semaphore, #tpu.memory_space<semaphore_mem>> -> memref<1x!tpu.dma_semaphore, #tpu.memory_space<semaphore_mem>>
    %dma_start3A_126 = tpu.memref_squeeze %dma_start3A_125 : memref<1x!tpu.dma_semaphore, #tpu.memory_space<semaphore_mem>> -> memref<!tpu.dma_semaphore, #tpu.memory_space<semaphore_mem>>
    tpu.enqueue_indirect_dma source(%dma_start3A_124 : memref<1000000x64xf32, #tpu.memory_space<hbm>>) target(%dma_start3A_118 : memref<48x64xf32, #tpu.memory_space<vmem>>) offsets(%dma_start3A_121 : memref<48xi32, #tpu.memory_space<vmem>>) semaphore(%dma_start3A_126 : memref<!tpu.dma_semaphore, #tpu.memory_space<semaphore_mem>>)
    %dma_start3A_127 = arith.constant 2 : i32
    %dma_start3A_128 = arith.constant 0 : i32
    %dma_start3A_129 = arith.constant 0 : i32
    %dma_start3A_130 = arith.constant 0 : i32
    %dma_start3A_131 = tpu.memref_slice %arg11[%dma_start3A_129, %dma_start3A_130] : memref<400x64xf32, #tpu.memory_space<vmem>> -> memref<56x64xf32, #tpu.memory_space<vmem>>
    %dma_start3A_132 = arith.constant 0 : i32
    %dma_start3A_133 = tpu.memref_slice %arg8[%dma_start3A_127, %dma_start3A_132] : memref<32x200xi32, #tpu.memory_space<vmem>> -> memref<1x56xi32, #tpu.memory_space<vmem>>
    %dma_start3A_134 = tpu.memref_squeeze %dma_start3A_133 : memref<1x56xi32, #tpu.memory_space<vmem>> -> memref<56xi32, #tpu.memory_space<vmem>>
    %dma_start3A_135 = arith.constant 0 : i32
    %dma_start3A_136 = arith.constant 0 : i32
    %dma_start3A_137 = tpu.memref_slice %arg3[%dma_start3A_135, %dma_start3A_136] : memref<1000000x64xf32, #tpu.memory_space<hbm>> -> memref<1000000x64xf32, #tpu.memory_space<hbm>>
    %dma_start3A_138 = tpu.memref_slice %arg18[%dma_start3A_128] : memref<8x!tpu.dma_semaphore, #tpu.memory_space<semaphore_mem>> -> memref<1x!tpu.dma_semaphore, #tpu.memory_space<semaphore_mem>>
    %dma_start3A_139 = tpu.memref_squeeze %dma_start3A_138 : memref<1x!tpu.dma_semaphore, #tpu.memory_space<semaphore_mem>> -> memref<!tpu.dma_semaphore, #tpu.memory_space<semaphore_mem>>
    tpu.enqueue_indirect_dma source(%dma_start3A_137 : memref<1000000x64xf32, #tpu.memory_space<hbm>>) target(%dma_start3A_131 : memref<56x64xf32, #tpu.memory_space<vmem>>) offsets(%dma_start3A_134 : memref<56xi32, #tpu.memory_space<vmem>>) semaphore(%dma_start3A_139 : memref<!tpu.dma_semaphore, #tpu.memory_space<semaphore_mem>>)
    %dma_start3A_140 = arith.constant 2 : i32
    %dma_start3A_141 = arith.constant 1 : i32
    %dma_start3A_142 = arith.constant 56 : i32
    %dma_start3A_143 = arith.constant 0 : i32
    %dma_start3A_144 = tpu.memref_slice %arg11[%dma_start3A_142, %dma_start3A_143] : memref<400x64xf32, #tpu.memory_space<vmem>> -> memref<48x64xf32, #tpu.memory_space<vmem>>
    %dma_start3A_145 = arith.constant 56 : i32
    %dma_start3A_146 = tpu.memref_slice %arg8[%dma_start3A_140, %dma_start3A_145] : memref<32x200xi32, #tpu.memory_space<vmem>> -> memref<1x48xi32, #tpu.memory_space<vmem>>
    %dma_start3A_147 = tpu.memref_squeeze %dma_start3A_146 : memref<1x48xi32, #tpu.memory_space<vmem>> -> memref<48xi32, #tpu.memory_space<vmem>>
    %dma_start3A_148 = arith.constant 0 : i32
    %dma_start3A_149 = arith.constant 0 : i32
    %dma_start3A_150 = tpu.memref_slice %arg3[%dma_start3A_148, %dma_start3A_149] : memref<1000000x64xf32, #tpu.memory_space<hbm>> -> memref<1000000x64xf32, #tpu.memory_space<hbm>>
    %dma_start3A_151 = tpu.memref_slice %arg18[%dma_start3A_141] : memref<8x!tpu.dma_semaphore, #tpu.memory_space<semaphore_mem>> -> memref<1x!tpu.dma_semaphore, #tpu.memory_space<semaphore_mem>>
    %dma_start3A_152 = tpu.memref_squeeze %dma_start3A_151 : memref<1x!tpu.dma_semaphore, #tpu.memory_space<semaphore_mem>> -> memref<!tpu.dma_semaphore, #tpu.memory_space<semaphore_mem>>
    tpu.enqueue_indirect_dma source(%dma_start3A_150 : memref<1000000x64xf32, #tpu.memory_space<hbm>>) target(%dma_start3A_144 : memref<48x64xf32, #tpu.memory_space<vmem>>) offsets(%dma_start3A_147 : memref<48xi32, #tpu.memory_space<vmem>>) semaphore(%dma_start3A_152 : memref<!tpu.dma_semaphore, #tpu.memory_space<semaphore_mem>>)
    %dma_start3A_153 = arith.constant 2 : i32
    %dma_start3A_154 = arith.constant 2 : i32
    %dma_start3A_155 = arith.constant 104 : i32
    %dma_start3A_156 = arith.constant 0 : i32
    %dma_start3A_157 = tpu.memref_slice %arg11[%dma_start3A_155, %dma_start3A_156] : memref<400x64xf32, #tpu.memory_space<vmem>> -> memref<48x64xf32, #tpu.memory_space<vmem>>
    %dma_start3A_158 = arith.constant 104 : i32
    %dma_start3A_159 = tpu.memref_slice %arg8[%dma_start3A_153, %dma_start3A_158] : memref<32x200xi32, #tpu.memory_space<vmem>> -> memref<1x48xi32, #tpu.memory_space<vmem>>
    %dma_start3A_160 = tpu.memref_squeeze %dma_start3A_159 : memref<1x48xi32, #tpu.memory_space<vmem>> -> memref<48xi32, #tpu.memory_space<vmem>>
    %dma_start3A_161 = arith.constant 0 : i32
    %dma_start3A_162 = arith.constant 0 : i32
    %dma_start3A_163 = tpu.memref_slice %arg3[%dma_start3A_161, %dma_start3A_162] : memref<1000000x64xf32, #tpu.memory_space<hbm>> -> memref<1000000x64xf32, #tpu.memory_space<hbm>>
    %dma_start3A_164 = tpu.memref_slice %arg18[%dma_start3A_154] : memref<8x!tpu.dma_semaphore, #tpu.memory_space<semaphore_mem>> -> memref<1x!tpu.dma_semaphore, #tpu.memory_space<semaphore_mem>>
    %dma_start3A_165 = tpu.memref_squeeze %dma_start3A_164 : memref<1x!tpu.dma_semaphore, #tpu.memory_space<semaphore_mem>> -> memref<!tpu.dma_semaphore, #tpu.memory_space<semaphore_mem>>
    tpu.enqueue_indirect_dma source(%dma_start3A_163 : memref<1000000x64xf32, #tpu.memory_space<hbm>>) target(%dma_start3A_157 : memref<48x64xf32, #tpu.memory_space<vmem>>) offsets(%dma_start3A_160 : memref<48xi32, #tpu.memory_space<vmem>>) semaphore(%dma_start3A_165 : memref<!tpu.dma_semaphore, #tpu.memory_space<semaphore_mem>>)
    %dma_start3A_166 = arith.constant 2 : i32
    %dma_start3A_167 = arith.constant 3 : i32
    %dma_start3A_168 = arith.constant 152 : i32
    %dma_start3A_169 = arith.constant 0 : i32
    %dma_start3A_170 = tpu.memref_slice %arg11[%dma_start3A_168, %dma_start3A_169] : memref<400x64xf32, #tpu.memory_space<vmem>> -> memref<48x64xf32, #tpu.memory_space<vmem>>
    %dma_start3A_171 = arith.constant 152 : i32
    %dma_start3A_172 = tpu.memref_slice %arg8[%dma_start3A_166, %dma_start3A_171] : memref<32x200xi32, #tpu.memory_space<vmem>> -> memref<1x48xi32, #tpu.memory_space<vmem>>
    %dma_start3A_173 = tpu.memref_squeeze %dma_start3A_172 : memref<1x48xi32, #tpu.memory_space<vmem>> -> memref<48xi32, #tpu.memory_space<vmem>>
    %dma_start3A_174 = arith.constant 0 : i32
    %dma_start3A_175 = arith.constant 0 : i32
    %dma_start3A_176 = tpu.memref_slice %arg3[%dma_start3A_174, %dma_start3A_175] : memref<1000000x64xf32, #tpu.memory_space<hbm>> -> memref<1000000x64xf32, #tpu.memory_space<hbm>>
    %dma_start3A_177 = tpu.memref_slice %arg18[%dma_start3A_167] : memref<8x!tpu.dma_semaphore, #tpu.memory_space<semaphore_mem>> -> memref<1x!tpu.dma_semaphore, #tpu.memory_space<semaphore_mem>>
    %dma_start3A_178 = tpu.memref_squeeze %dma_start3A_177 : memref<1x!tpu.dma_semaphore, #tpu.memory_space<semaphore_mem>> -> memref<!tpu.dma_semaphore, #tpu.memory_space<semaphore_mem>>
    tpu.enqueue_indirect_dma source(%dma_start3A_176 : memref<1000000x64xf32, #tpu.memory_space<hbm>>) target(%dma_start3A_170 : memref<48x64xf32, #tpu.memory_space<vmem>>) offsets(%dma_start3A_173 : memref<48xi32, #tpu.memory_space<vmem>>) semaphore(%dma_start3A_178 : memref<!tpu.dma_semaphore, #tpu.memory_space<semaphore_mem>>)
    %dma_start3A_179 = arith.constant 3 : i32
    %dma_start3A_180 = arith.constant 4 : i32
    %dma_start3A_181 = arith.constant 200 : i32
    %dma_start3A_182 = arith.constant 0 : i32
    %dma_start3A_183 = tpu.memref_slice %arg11[%dma_start3A_181, %dma_start3A_182] : memref<400x64xf32, #tpu.memory_space<vmem>> -> memref<56x64xf32, #tpu.memory_space<vmem>>
    %dma_start3A_184 = arith.constant 0 : i32
    %dma_start3A_185 = tpu.memref_slice %arg8[%dma_start3A_179, %dma_start3A_184] : memref<32x200xi32, #tpu.memory_space<vmem>> -> memref<1x56xi32, #tpu.memory_space<vmem>>
    %dma_start3A_186 = tpu.memref_squeeze %dma_start3A_185 : memref<1x56xi32, #tpu.memory_space<vmem>> -> memref<56xi32, #tpu.memory_space<vmem>>
    %dma_start3A_187 = arith.constant 0 : i32
    %dma_start3A_188 = arith.constant 0 : i32
    %dma_start3A_189 = tpu.memref_slice %arg3[%dma_start3A_187, %dma_start3A_188] : memref<1000000x64xf32, #tpu.memory_space<hbm>> -> memref<1000000x64xf32, #tpu.memory_space<hbm>>
    %dma_start3A_190 = tpu.memref_slice %arg18[%dma_start3A_180] : memref<8x!tpu.dma_semaphore, #tpu.memory_space<semaphore_mem>> -> memref<1x!tpu.dma_semaphore, #tpu.memory_space<semaphore_mem>>
    %dma_start3A_191 = tpu.memref_squeeze %dma_start3A_190 : memref<1x!tpu.dma_semaphore, #tpu.memory_space<semaphore_mem>> -> memref<!tpu.dma_semaphore, #tpu.memory_space<semaphore_mem>>
    tpu.enqueue_indirect_dma source(%dma_start3A_189 : memref<1000000x64xf32, #tpu.memory_space<hbm>>) target(%dma_start3A_183 : memref<56x64xf32, #tpu.memory_space<vmem>>) offsets(%dma_start3A_186 : memref<56xi32, #tpu.memory_space<vmem>>) semaphore(%dma_start3A_191 : memref<!tpu.dma_semaphore, #tpu.memory_space<semaphore_mem>>)
    %dma_start3A_192 = arith.constant 3 : i32
    %dma_start3A_193 = arith.constant 5 : i32
    %dma_start3A_194 = arith.constant 256 : i32
    %dma_start3A_195 = arith.constant 0 : i32
    %dma_start3A_196 = tpu.memref_slice %arg11[%dma_start3A_194, %dma_start3A_195] : memref<400x64xf32, #tpu.memory_space<vmem>> -> memref<48x64xf32, #tpu.memory_space<vmem>>
    %dma_start3A_197 = arith.constant 56 : i32
    %dma_start3A_198 = tpu.memref_slice %arg8[%dma_start3A_192, %dma_start3A_197] : memref<32x200xi32, #tpu.memory_space<vmem>> -> memref<1x48xi32, #tpu.memory_space<vmem>>
    %dma_start3A_199 = tpu.memref_squeeze %dma_start3A_198 : memref<1x48xi32, #tpu.memory_space<vmem>> -> memref<48xi32, #tpu.memory_space<vmem>>
    %dma_start3A_200 = arith.constant 0 : i32
    %dma_start3A_201 = arith.constant 0 : i32
    %dma_start3A_202 = tpu.memref_slice %arg3[%dma_start3A_200, %dma_start3A_201] : memref<1000000x64xf32, #tpu.memory_space<hbm>> -> memref<1000000x64xf32, #tpu.memory_space<hbm>>
    %dma_start3A_203 = tpu.memref_slice %arg18[%dma_start3A_193] : memref<8x!tpu.dma_semaphore, #tpu.memory_space<semaphore_mem>> -> memref<1x!tpu.dma_semaphore, #tpu.memory_space<semaphore_mem>>
    %dma_start3A_204 = tpu.memref_squeeze %dma_start3A_203 : memref<1x!tpu.dma_semaphore, #tpu.memory_space<semaphore_mem>> -> memref<!tpu.dma_semaphore, #tpu.memory_space<semaphore_mem>>
    tpu.enqueue_indirect_dma source(%dma_start3A_202 : memref<1000000x64xf32, #tpu.memory_space<hbm>>) target(%dma_start3A_196 : memref<48x64xf32, #tpu.memory_space<vmem>>) offsets(%dma_start3A_199 : memref<48xi32, #tpu.memory_space<vmem>>) semaphore(%dma_start3A_204 : memref<!tpu.dma_semaphore, #tpu.memory_space<semaphore_mem>>)
    %dma_start3A_205 = arith.constant 3 : i32
    %dma_start3A_206 = arith.constant 6 : i32
    %dma_start3A_207 = arith.constant 304 : i32
    %dma_start3A_208 = arith.constant 0 : i32
    %dma_start3A_209 = tpu.memref_slice %arg11[%dma_start3A_207, %dma_start3A_208] : memref<400x64xf32, #tpu.memory_space<vmem>> -> memref<48x64xf32, #tpu.memory_space<vmem>>
    %dma_start3A_210 = arith.constant 104 : i32
    %dma_start3A_211 = tpu.memref_slice %arg8[%dma_start3A_205, %dma_start3A_210] : memref<32x200xi32, #tpu.memory_space<vmem>> -> memref<1x48xi32, #tpu.memory_space<vmem>>
    %dma_start3A_212 = tpu.memref_squeeze %dma_start3A_211 : memref<1x48xi32, #tpu.memory_space<vmem>> -> memref<48xi32, #tpu.memory_space<vmem>>
    %dma_start3A_213 = arith.constant 0 : i32
    %dma_start3A_214 = arith.constant 0 : i32
    %dma_start3A_215 = tpu.memref_slice %arg3[%dma_start3A_213, %dma_start3A_214] : memref<1000000x64xf32, #tpu.memory_space<hbm>> -> memref<1000000x64xf32, #tpu.memory_space<hbm>>
    %dma_start3A_216 = tpu.memref_slice %arg18[%dma_start3A_206] : memref<8x!tpu.dma_semaphore, #tpu.memory_space<semaphore_mem>> -> memref<1x!tpu.dma_semaphore, #tpu.memory_space<semaphore_mem>>
    %dma_start3A_217 = tpu.memref_squeeze %dma_start3A_216 : memref<1x!tpu.dma_semaphore, #tpu.memory_space<semaphore_mem>> -> memref<!tpu.dma_semaphore, #tpu.memory_space<semaphore_mem>>
    tpu.enqueue_indirect_dma source(%dma_start3A_215 : memref<1000000x64xf32, #tpu.memory_space<hbm>>) target(%dma_start3A_209 : memref<48x64xf32, #tpu.memory_space<vmem>>) offsets(%dma_start3A_212 : memref<48xi32, #tpu.memory_space<vmem>>) semaphore(%dma_start3A_217 : memref<!tpu.dma_semaphore, #tpu.memory_space<semaphore_mem>>)
    %dma_start3A_218 = arith.constant 3 : i32
    %dma_start3A_219 = arith.constant 7 : i32
    %dma_start3A_220 = arith.constant 352 : i32
    %dma_start3A_221 = arith.constant 0 : i32
    %dma_start3A_222 = tpu.memref_slice %arg11[%dma_start3A_220, %dma_start3A_221] : memref<400x64xf32, #tpu.memory_space<vmem>> -> memref<48x64xf32, #tpu.memory_space<vmem>>
    %dma_start3A_223 = arith.constant 152 : i32
    %dma_start3A_224 = tpu.memref_slice %arg8[%dma_start3A_218, %dma_start3A_223] : memref<32x200xi32, #tpu.memory_space<vmem>> -> memref<1x48xi32, #tpu.memory_space<vmem>>
    %dma_start3A_225 = tpu.memref_squeeze %dma_start3A_224 : memref<1x48xi32, #tpu.memory_space<vmem>> -> memref<48xi32, #tpu.memory_space<vmem>>
    %dma_start3A_226 = arith.constant 0 : i32
    %dma_start3A_227 = arith.constant 0 : i32
    %dma_start3A_228 = tpu.memref_slice %arg3[%dma_start3A_226, %dma_start3A_227] : memref<1000000x64xf32, #tpu.memory_space<hbm>> -> memref<1000000x64xf32, #tpu.memory_space<hbm>>
    %dma_start3A_229 = tpu.memref_slice %arg18[%dma_start3A_219] : memref<8x!tpu.dma_semaphore, #tpu.memory_space<semaphore_mem>> -> memref<1x!tpu.dma_semaphore, #tpu.memory_space<semaphore_mem>>
    %dma_start3A_230 = tpu.memref_squeeze %dma_start3A_229 : memref<1x!tpu.dma_semaphore, #tpu.memory_space<semaphore_mem>> -> memref<!tpu.dma_semaphore, #tpu.memory_space<semaphore_mem>>
    tpu.enqueue_indirect_dma source(%dma_start3A_228 : memref<1000000x64xf32, #tpu.memory_space<hbm>>) target(%dma_start3A_222 : memref<48x64xf32, #tpu.memory_space<vmem>>) offsets(%dma_start3A_225 : memref<48xi32, #tpu.memory_space<vmem>>) semaphore(%dma_start3A_230 : memref<!tpu.dma_semaphore, #tpu.memory_space<semaphore_mem>>)
    %scan3A_231 = arith.constant 0 : i32
    %scan3A_232 = arith.constant 0 : i32
    %scan3A_233 = arith.constant 8 : i32
    %scan3A_234 = arith.addi %scan3A_232, %scan3A_233 : i32
    %scan3A_235 = arith.constant 1 : i32
    scf.for %scan3A_268 = %scan3A_232 to %scan3A_234 step %scan3A_235  : i32 {
      %mul3A_269 = arith.constant 2 : i32
      %mul3A_270 = arith.muli %scan3A_268, %mul3A_269 : i32
      %eq3A = arith.constant 0 : i32
      %eq3A_271 = arith.cmpi eq, %scan3A_268, %eq3A : i32
      %dma_wait3A_272 = arith.constant 0 : i32
      %dma_wait3A_273 = arith.constant 0 : i32
      %dma_wait3A_274 = arith.constant 0 : i32
      %dma_wait3A_275 = arith.constant 0 : i32
      %dma_wait3A_276 = tpu.memref_slice %arg10[%dma_wait3A_274, %dma_wait3A_275] : memref<400x64xf32, #tpu.memory_space<vmem>> -> memref<56x64xf32, #tpu.memory_space<vmem>>
      %dma_wait3A_277 = arith.constant 0 : i32
      %dma_wait3A_278 = tpu.memref_slice %arg8[%dma_wait3A_272, %dma_wait3A_277] : memref<32x200xi32, #tpu.memory_space<vmem>> -> memref<1x56xi32, #tpu.memory_space<vmem>>
      %dma_wait3A_279 = tpu.memref_squeeze %dma_wait3A_278 : memref<1x56xi32, #tpu.memory_space<vmem>> -> memref<56xi32, #tpu.memory_space<vmem>>
      %dma_wait3A_280 = arith.constant 0 : i32
      %dma_wait3A_281 = arith.constant 0 : i32
      %dma_wait3A_282 = tpu.memref_slice %arg3[%dma_wait3A_280, %dma_wait3A_281] : memref<1000000x64xf32, #tpu.memory_space<hbm>> -> memref<1000000x64xf32, #tpu.memory_space<hbm>>
      %dma_wait3A_283 = tpu.memref_slice %arg17[%dma_wait3A_273] : memref<8x!tpu.dma_semaphore, #tpu.memory_space<semaphore_mem>> -> memref<1x!tpu.dma_semaphore, #tpu.memory_space<semaphore_mem>>
      %dma_wait3A_284 = tpu.memref_squeeze %dma_wait3A_283 : memref<1x!tpu.dma_semaphore, #tpu.memory_space<semaphore_mem>> -> memref<!tpu.dma_semaphore, #tpu.memory_space<semaphore_mem>>
      tpu.wait_indirect_dma semaphore(%dma_wait3A_284 : memref<!tpu.dma_semaphore, #tpu.memory_space<semaphore_mem>>) src(%dma_wait3A_282 : memref<1000000x64xf32, #tpu.memory_space<hbm>>) dst(%dma_wait3A_276 : memref<56x64xf32, #tpu.memory_space<vmem>>)
      %dma_wait3A_285 = arith.constant 0 : i32
      %dma_wait3A_286 = arith.constant 1 : i32
      %dma_wait3A_287 = arith.constant 56 : i32
      %dma_wait3A_288 = arith.constant 0 : i32
      %dma_wait3A_289 = tpu.memref_slice %arg10[%dma_wait3A_287, %dma_wait3A_288] : memref<400x64xf32, #tpu.memory_space<vmem>> -> memref<48x64xf32, #tpu.memory_space<vmem>>
      %dma_wait3A_290 = arith.constant 56 : i32
      %dma_wait3A_291 = tpu.memref_slice %arg8[%dma_wait3A_285, %dma_wait3A_290] : memref<32x200xi32, #tpu.memory_space<vmem>> -> memref<1x48xi32, #tpu.memory_space<vmem>>
      %dma_wait3A_292 = tpu.memref_squeeze %dma_wait3A_291 : memref<1x48xi32, #tpu.memory_space<vmem>> -> memref<48xi32, #tpu.memory_space<vmem>>
      %dma_wait3A_293 = arith.constant 0 : i32
      %dma_wait3A_294 = arith.constant 0 : i32
      %dma_wait3A_295 = tpu.memref_slice %arg3[%dma_wait3A_293, %dma_wait3A_294] : memref<1000000x64xf32, #tpu.memory_space<hbm>> -> memref<1000000x64xf32, #tpu.memory_space<hbm>>
      %dma_wait3A_296 = tpu.memref_slice %arg17[%dma_wait3A_286] : memref<8x!tpu.dma_semaphore, #tpu.memory_space<semaphore_mem>> -> memref<1x!tpu.dma_semaphore, #tpu.memory_space<semaphore_mem>>
      %dma_wait3A_297 = tpu.memref_squeeze %dma_wait3A_296 : memref<1x!tpu.dma_semaphore, #tpu.memory_space<semaphore_mem>> -> memref<!tpu.dma_semaphore, #tpu.memory_space<semaphore_mem>>
      tpu.wait_indirect_dma semaphore(%dma_wait3A_297 : memref<!tpu.dma_semaphore, #tpu.memory_space<semaphore_mem>>) src(%dma_wait3A_295 : memref<1000000x64xf32, #tpu.memory_space<hbm>>) dst(%dma_wait3A_289 : memref<48x64xf32, #tpu.memory_space<vmem>>)
      %dma_wait3A_298 = arith.constant 0 : i32
      %dma_wait3A_299 = arith.constant 2 : i32
      %dma_wait3A_300 = arith.constant 104 : i32
      %dma_wait3A_301 = arith.constant 0 : i32
      %dma_wait3A_302 = tpu.memref_slice %arg10[%dma_wait3A_300, %dma_wait3A_301] : memref<400x64xf32, #tpu.memory_space<vmem>> -> memref<48x64xf32, #tpu.memory_space<vmem>>
      %dma_wait3A_303 = arith.constant 104 : i32
      %dma_wait3A_304 = tpu.memref_slice %arg8[%dma_wait3A_298, %dma_wait3A_303] : memref<32x200xi32, #tpu.memory_space<vmem>> -> memref<1x48xi32, #tpu.memory_space<vmem>>
      %dma_wait3A_305 = tpu.memref_squeeze %dma_wait3A_304 : memref<1x48xi32, #tpu.memory_space<vmem>> -> memref<48xi32, #tpu.memory_space<vmem>>
      %dma_wait3A_306 = arith.constant 0 : i32
      %dma_wait3A_307 = arith.constant 0 : i32
      %dma_wait3A_308 = tpu.memref_slice %arg3[%dma_wait3A_306, %dma_wait3A_307] : memref<1000000x64xf32, #tpu.memory_space<hbm>> -> memref<1000000x64xf32, #tpu.memory_space<hbm>>
      %dma_wait3A_309 = tpu.memref_slice %arg17[%dma_wait3A_299] : memref<8x!tpu.dma_semaphore, #tpu.memory_space<semaphore_mem>> -> memref<1x!tpu.dma_semaphore, #tpu.memory_space<semaphore_mem>>
      %dma_wait3A_310 = tpu.memref_squeeze %dma_wait3A_309 : memref<1x!tpu.dma_semaphore, #tpu.memory_space<semaphore_mem>> -> memref<!tpu.dma_semaphore, #tpu.memory_space<semaphore_mem>>
      tpu.wait_indirect_dma semaphore(%dma_wait3A_310 : memref<!tpu.dma_semaphore, #tpu.memory_space<semaphore_mem>>) src(%dma_wait3A_308 : memref<1000000x64xf32, #tpu.memory_space<hbm>>) dst(%dma_wait3A_302 : memref<48x64xf32, #tpu.memory_space<vmem>>)
      %dma_wait3A_311 = arith.constant 0 : i32
      %dma_wait3A_312 = arith.constant 3 : i32
      %dma_wait3A_313 = arith.constant 152 : i32
      %dma_wait3A_314 = arith.constant 0 : i32
      %dma_wait3A_315 = tpu.memref_slice %arg10[%dma_wait3A_313, %dma_wait3A_314] : memref<400x64xf32, #tpu.memory_space<vmem>> -> memref<48x64xf32, #tpu.memory_space<vmem>>
      %dma_wait3A_316 = arith.constant 152 : i32
      %dma_wait3A_317 = tpu.memref_slice %arg8[%dma_wait3A_311, %dma_wait3A_316] : memref<32x200xi32, #tpu.memory_space<vmem>> -> memref<1x48xi32, #tpu.memory_space<vmem>>
      %dma_wait3A_318 = tpu.memref_squeeze %dma_wait3A_317 : memref<1x48xi32, #tpu.memory_space<vmem>> -> memref<48xi32, #tpu.memory_space<vmem>>
      %dma_wait3A_319 = arith.constant 0 : i32
      %dma_wait3A_320 = arith.constant 0 : i32
      %dma_wait3A_321 = tpu.memref_slice %arg3[%dma_wait3A_319, %dma_wait3A_320] : memref<1000000x64xf32, #tpu.memory_space<hbm>> -> memref<1000000x64xf32, #tpu.memory_space<hbm>>
      %dma_wait3A_322 = tpu.memref_slice %arg17[%dma_wait3A_312] : memref<8x!tpu.dma_semaphore, #tpu.memory_space<semaphore_mem>> -> memref<1x!tpu.dma_semaphore, #tpu.memory_space<semaphore_mem>>
      %dma_wait3A_323 = tpu.memref_squeeze %dma_wait3A_322 : memref<1x!tpu.dma_semaphore, #tpu.memory_space<semaphore_mem>> -> memref<!tpu.dma_semaphore, #tpu.memory_space<semaphore_mem>>
      tpu.wait_indirect_dma semaphore(%dma_wait3A_323 : memref<!tpu.dma_semaphore, #tpu.memory_space<semaphore_mem>>) src(%dma_wait3A_321 : memref<1000000x64xf32, #tpu.memory_space<hbm>>) dst(%dma_wait3A_315 : memref<48x64xf32, #tpu.memory_space<vmem>>)
      %dma_wait3A_324 = arith.constant 1 : i32
      %dma_wait3A_325 = arith.constant 4 : i32
      %dma_wait3A_326 = arith.constant 200 : i32
      %dma_wait3A_327 = arith.constant 0 : i32
      %dma_wait3A_328 = tpu.memref_slice %arg10[%dma_wait3A_326, %dma_wait3A_327] : memref<400x64xf32, #tpu.memory_space<vmem>> -> memref<56x64xf32, #tpu.memory_space<vmem>>
      %dma_wait3A_329 = arith.constant 0 : i32
      %dma_wait3A_330 = tpu.memref_slice %arg8[%dma_wait3A_324, %dma_wait3A_329] : memref<32x200xi32, #tpu.memory_space<vmem>> -> memref<1x56xi32, #tpu.memory_space<vmem>>
      %dma_wait3A_331 = tpu.memref_squeeze %dma_wait3A_330 : memref<1x56xi32, #tpu.memory_space<vmem>> -> memref<56xi32, #tpu.memory_space<vmem>>
      %dma_wait3A_332 = arith.constant 0 : i32
      %dma_wait3A_333 = arith.constant 0 : i32
      %dma_wait3A_334 = tpu.memref_slice %arg3[%dma_wait3A_332, %dma_wait3A_333] : memref<1000000x64xf32, #tpu.memory_space<hbm>> -> memref<1000000x64xf32, #tpu.memory_space<hbm>>
      %dma_wait3A_335 = tpu.memref_slice %arg17[%dma_wait3A_325] : memref<8x!tpu.dma_semaphore, #tpu.memory_space<semaphore_mem>> -> memref<1x!tpu.dma_semaphore, #tpu.memory_space<semaphore_mem>>
      %dma_wait3A_336 = tpu.memref_squeeze %dma_wait3A_335 : memref<1x!tpu.dma_semaphore, #tpu.memory_space<semaphore_mem>> -> memref<!tpu.dma_semaphore, #tpu.memory_space<semaphore_mem>>
      tpu.wait_indirect_dma semaphore(%dma_wait3A_336 : memref<!tpu.dma_semaphore, #tpu.memory_space<semaphore_mem>>) src(%dma_wait3A_334 : memref<1000000x64xf32, #tpu.memory_space<hbm>>) dst(%dma_wait3A_328 : memref<56x64xf32, #tpu.memory_space<vmem>>)
      %dma_wait3A_337 = arith.constant 1 : i32
      %dma_wait3A_338 = arith.constant 5 : i32
      %dma_wait3A_339 = arith.constant 256 : i32
      %dma_wait3A_340 = arith.constant 0 : i32
      %dma_wait3A_341 = tpu.memref_slice %arg10[%dma_wait3A_339, %dma_wait3A_340] : memref<400x64xf32, #tpu.memory_space<vmem>> -> memref<48x64xf32, #tpu.memory_space<vmem>>
      %dma_wait3A_342 = arith.constant 56 : i32
      %dma_wait3A_343 = tpu.memref_slice %arg8[%dma_wait3A_337, %dma_wait3A_342] : memref<32x200xi32, #tpu.memory_space<vmem>> -> memref<1x48xi32, #tpu.memory_space<vmem>>
      %dma_wait3A_344 = tpu.memref_squeeze %dma_wait3A_343 : memref<1x48xi32, #tpu.memory_space<vmem>> -> memref<48xi32, #tpu.memory_space<vmem>>
      %dma_wait3A_345 = arith.constant 0 : i32
      %dma_wait3A_346 = arith.constant 0 : i32
      %dma_wait3A_347 = tpu.memref_slice %arg3[%dma_wait3A_345, %dma_wait3A_346] : memref<1000000x64xf32, #tpu.memory_space<hbm>> -> memref<1000000x64xf32, #tpu.memory_space<hbm>>
      %dma_wait3A_348 = tpu.memref_slice %arg17[%dma_wait3A_338] : memref<8x!tpu.dma_semaphore, #tpu.memory_space<semaphore_mem>> -> memref<1x!tpu.dma_semaphore, #tpu.memory_space<semaphore_mem>>
      %dma_wait3A_349 = tpu.memref_squeeze %dma_wait3A_348 : memref<1x!tpu.dma_semaphore, #tpu.memory_space<semaphore_mem>> -> memref<!tpu.dma_semaphore, #tpu.memory_space<semaphore_mem>>
      tpu.wait_indirect_dma semaphore(%dma_wait3A_349 : memref<!tpu.dma_semaphore, #tpu.memory_space<semaphore_mem>>) src(%dma_wait3A_347 : memref<1000000x64xf32, #tpu.memory_space<hbm>>) dst(%dma_wait3A_341 : memref<48x64xf32, #tpu.memory_space<vmem>>)
      %dma_wait3A_350 = arith.constant 1 : i32
      %dma_wait3A_351 = arith.constant 6 : i32
      %dma_wait3A_352 = arith.constant 304 : i32
      %dma_wait3A_353 = arith.constant 0 : i32
      %dma_wait3A_354 = tpu.memref_slice %arg10[%dma_wait3A_352, %dma_wait3A_353] : memref<400x64xf32, #tpu.memory_space<vmem>> -> memref<48x64xf32, #tpu.memory_space<vmem>>
      %dma_wait3A_355 = arith.constant 104 : i32
      %dma_wait3A_356 = tpu.memref_slice %arg8[%dma_wait3A_350, %dma_wait3A_355] : memref<32x200xi32, #tpu.memory_space<vmem>> -> memref<1x48xi32, #tpu.memory_space<vmem>>
      %dma_wait3A_357 = tpu.memref_squeeze %dma_wait3A_356 : memref<1x48xi32, #tpu.memory_space<vmem>> -> memref<48xi32, #tpu.memory_space<vmem>>
      %dma_wait3A_358 = arith.constant 0 : i32
      %dma_wait3A_359 = arith.constant 0 : i32
      %dma_wait3A_360 = tpu.memref_slice %arg3[%dma_wait3A_358, %dma_wait3A_359] : memref<1000000x64xf32, #tpu.memory_space<hbm>> -> memref<1000000x64xf32, #tpu.memory_space<hbm>>
      %dma_wait3A_361 = tpu.memref_slice %arg17[%dma_wait3A_351] : memref<8x!tpu.dma_semaphore, #tpu.memory_space<semaphore_mem>> -> memref<1x!tpu.dma_semaphore, #tpu.memory_space<semaphore_mem>>
      %dma_wait3A_362 = tpu.memref_squeeze %dma_wait3A_361 : memref<1x!tpu.dma_semaphore, #tpu.memory_space<semaphore_mem>> -> memref<!tpu.dma_semaphore, #tpu.memory_space<semaphore_mem>>
      tpu.wait_indirect_dma semaphore(%dma_wait3A_362 : memref<!tpu.dma_semaphore, #tpu.memory_space<semaphore_mem>>) src(%dma_wait3A_360 : memref<1000000x64xf32, #tpu.memory_space<hbm>>) dst(%dma_wait3A_354 : memref<48x64xf32, #tpu.memory_space<vmem>>)
      %dma_wait3A_363 = arith.constant 1 : i32
      %dma_wait3A_364 = arith.constant 7 : i32
      %dma_wait3A_365 = arith.constant 352 : i32
      %dma_wait3A_366 = arith.constant 0 : i32
      %dma_wait3A_367 = tpu.memref_slice %arg10[%dma_wait3A_365, %dma_wait3A_366] : memref<400x64xf32, #tpu.memory_space<vmem>> -> memref<48x64xf32, #tpu.memory_space<vmem>>
      %dma_wait3A_368 = arith.constant 152 : i32
      %dma_wait3A_369 = tpu.memref_slice %arg8[%dma_wait3A_363, %dma_wait3A_368] : memref<32x200xi32, #tpu.memory_space<vmem>> -> memref<1x48xi32, #tpu.memory_space<vmem>>
      %dma_wait3A_370 = tpu.memref_squeeze %dma_wait3A_369 : memref<1x48xi32, #tpu.memory_space<vmem>> -> memref<48xi32, #tpu.memory_space<vmem>>
      %dma_wait3A_371 = arith.constant 0 : i32
      %dma_wait3A_372 = arith.constant 0 : i32
      %dma_wait3A_373 = tpu.memref_slice %arg3[%dma_wait3A_371, %dma_wait3A_372] : memref<1000000x64xf32, #tpu.memory_space<hbm>> -> memref<1000000x64xf32, #tpu.memory_space<hbm>>
      %dma_wait3A_374 = tpu.memref_slice %arg17[%dma_wait3A_364] : memref<8x!tpu.dma_semaphore, #tpu.memory_space<semaphore_mem>> -> memref<1x!tpu.dma_semaphore, #tpu.memory_space<semaphore_mem>>
      %dma_wait3A_375 = tpu.memref_squeeze %dma_wait3A_374 : memref<1x!tpu.dma_semaphore, #tpu.memory_space<semaphore_mem>> -> memref<!tpu.dma_semaphore, #tpu.memory_space<semaphore_mem>>
      tpu.wait_indirect_dma semaphore(%dma_wait3A_375 : memref<!tpu.dma_semaphore, #tpu.memory_space<semaphore_mem>>) src(%dma_wait3A_373 : memref<1000000x64xf32, #tpu.memory_space<hbm>>) dst(%dma_wait3A_367 : memref<48x64xf32, #tpu.memory_space<vmem>>)
      %parallel_loop3A = arith.constant 0 : i32
      %parallel_loop3A_376 = arith.constant 400 : i32
      %parallel_loop3A_377 = arith.constant 1 : i32
      scf.for %parallel_loop3A_602 = %parallel_loop3A to %parallel_loop3A_376 step %parallel_loop3A_377  : i32 {
        %parallel_loop3A_603 = arith.constant 200 : i32
        %parallel_loop3A_604 = arith.remsi %parallel_loop3A_602, %parallel_loop3A_603 : i32
        %parallel_loop3A_605 = arith.constant 65 : i32
        %parallel_loop3A_606 = arith.muli %parallel_loop3A_602, %parallel_loop3A_605 : i32
        %parallel_loop3A_607 = vector.broadcast %parallel_loop3A_606 : i32 to vector<16xi32>
        %parallel_loop3A_608 = arith.addi %broadcast_in_dim3A_6, %parallel_loop3A_607 : vector<16xi32>
        %parallel_loop3A_609 = arith.index_cast %parallel_loop3A_602 : i32 to index
        %parallel_loop3A_610 = arith.constant 0 : index
        %parallel_loop3A_611 = tpu.vector_load %arg10[%parallel_loop3A_609, %parallel_loop3A_610] {strides = array<i32>} : memref<400x64xf32, #tpu.memory_space<vmem>>, vector<16xf32>,
        %parallel_loop3A_612 = arith.index_cast %parallel_loop3A_604 : i32 to index
        %parallel_loop3A_613 = arith.constant 0 : index
        %parallel_loop3A_614 = tpu.vector_load %arg9[%parallel_loop3A_612, %parallel_loop3A_613] {strides = array<i32>} : memref<200x64xf32, #tpu.memory_space<vmem>>, vector<16xf32>,
        %parallel_loop3A_615 = arith.addi %parallel_loop3A_608, %add3A_9 : vector<16xi32>
        %parallel_loop3A_616 = arith.addf %parallel_loop3A_611, %parallel_loop3A_614 : vector<16xf32>
        tpu.vector_store_idx %arg13[%parallel_loop3A_615], %parallel_loop3A_616 : memref<26000xf32, #tpu.memory_space<vmem>>[vector<16xi32>], vector<16xf32>,
        %parallel_loop3A_617 = arith.index_cast %parallel_loop3A_602 : i32 to index
        %parallel_loop3A_618 = arith.constant 16 : index
        %parallel_loop3A_619 = tpu.vector_load %arg10[%parallel_loop3A_617, %parallel_loop3A_618] {strides = array<i32>} : memref<400x64xf32, #tpu.memory_space<vmem>>, vector<16xf32>,
        %parallel_loop3A_620 = arith.index_cast %parallel_loop3A_604 : i32 to index
        %parallel_loop3A_621 = arith.constant 16 : index
        %parallel_loop3A_622 = tpu.vector_load %arg9[%parallel_loop3A_620, %parallel_loop3A_621] {strides = array<i32>} : memref<200x64xf32, #tpu.memory_space<vmem>>, vector<16xf32>,
        %parallel_loop3A_623 = arith.addi %parallel_loop3A_608, %add3A_12 : vector<16xi32>
        %parallel_loop3A_624 = arith.addf %parallel_loop3A_619, %parallel_loop3A_622 : vector<16xf32>
        tpu.vector_store_idx %arg13[%parallel_loop3A_623], %parallel_loop3A_624 : memref<26000xf32, #tpu.memory_space<vmem>>[vector<16xi32>], vector<16xf32>,
        %parallel_loop3A_625 = arith.index_cast %parallel_loop3A_602 : i32 to index
        %parallel_loop3A_626 = arith.constant 32 : index
        %parallel_loop3A_627 = tpu.vector_load %arg10[%parallel_loop3A_625, %parallel_loop3A_626] {strides = array<i32>} : memref<400x64xf32, #tpu.memory_space<vmem>>, vector<16xf32>,
        %parallel_loop3A_628 = arith.index_cast %parallel_loop3A_604 : i32 to index
        %parallel_loop3A_629 = arith.constant 32 : index
        %parallel_loop3A_630 = tpu.vector_load %arg9[%parallel_loop3A_628, %parallel_loop3A_629] {strides = array<i32>} : memref<200x64xf32, #tpu.memory_space<vmem>>, vector<16xf32>,
        %parallel_loop3A_631 = arith.addi %parallel_loop3A_608, %add3A_15 : vector<16xi32>
        %parallel_loop3A_632 = arith.addf %parallel_loop3A_627, %parallel_loop3A_630 : vector<16xf32>
        tpu.vector_store_idx %arg13[%parallel_loop3A_631], %parallel_loop3A_632 : memref<26000xf32, #tpu.memory_space<vmem>>[vector<16xi32>], vector<16xf32>,
        %parallel_loop3A_633 = arith.index_cast %parallel_loop3A_602 : i32 to index
        %parallel_loop3A_634 = arith.constant 48 : index
        %parallel_loop3A_635 = tpu.vector_load %arg10[%parallel_loop3A_633, %parallel_loop3A_634] {strides = array<i32>} : memref<400x64xf32, #tpu.memory_space<vmem>>, vector<16xf32>,
        %parallel_loop3A_636 = arith.index_cast %parallel_loop3A_604 : i32 to index
        %parallel_loop3A_637 = arith.constant 48 : index
        %parallel_loop3A_638 = tpu.vector_load %arg9[%parallel_loop3A_636, %parallel_loop3A_637] {strides = array<i32>} : memref<200x64xf32, #tpu.memory_space<vmem>>, vector<16xf32>,
        %parallel_loop3A_639 = arith.addi %parallel_loop3A_608, %add3A_18 : vector<16xi32>
        %parallel_loop3A_640 = arith.addf %parallel_loop3A_635, %parallel_loop3A_638 : vector<16xf32>
        tpu.vector_store_idx %arg13[%parallel_loop3A_639], %parallel_loop3A_640 : memref<26000xf32, #tpu.memory_space<vmem>>[vector<16xi32>], vector<16xf32>,
      } {sc.loop_unroll_factor = 4 : i64, sc.parallel_access}
      %add3A_378 = arith.constant 2 : i32
      %add3A_379 = arith.addi %mul3A_270, %add3A_378 : i32
      %lt3A = arith.constant 16 : i32
      %lt3A_380 = arith.cmpi slt, %add3A_379, %lt3A : i32
      %convert_element_type3A = arith.extui %lt3A_380 : i1 to i32
      %cond3A = arith.constant 0 : i32
      %cond3A_381 = arith.cmpi ne, %convert_element_type3A, %cond3A : i32
      scf.if %cond3A_381 {
        %add3A_602 = arith.constant 2 : i32
        %add3A_603 = arith.addi %mul3A_270, %add3A_602 : i32
        %mul3A_604 = arith.constant 2 : i32
        %mul3A_605 = arith.muli %add3A_603, %mul3A_604 : i32
        %add3A_606 = arith.constant 0 : i32
        %add3A_607 = arith.addi %mul3A_605, %add3A_606 : i32
        %dma_start3A_608 = arith.constant 0 : i32
        %dma_start3A_609 = arith.constant 0 : i32
        %dma_start3A_610 = arith.constant 0 : i32
        %dma_start3A_611 = tpu.memref_slice %arg10[%dma_start3A_609, %dma_start3A_610] : memref<400x64xf32, #tpu.memory_space<vmem>> -> memref<56x64xf32, #tpu.memory_space<vmem>>
        %dma_start3A_612 = arith.constant 0 : i32
        %dma_start3A_613 = tpu.memref_slice %arg8[%add3A_607, %dma_start3A_612] : memref<32x200xi32, #tpu.memory_space<vmem>> -> memref<1x56xi32, #tpu.memory_space<vmem>>
        %dma_start3A_614 = tpu.memref_squeeze %dma_start3A_613 : memref<1x56xi32, #tpu.memory_space<vmem>> -> memref<56xi32, #tpu.memory_space<vmem>>
        %dma_start3A_615 = arith.constant 0 : i32
        %dma_start3A_616 = arith.constant 0 : i32
        %dma_start3A_617 = tpu.memref_slice %arg3[%dma_start3A_615, %dma_start3A_616] : memref<1000000x64xf32, #tpu.memory_space<hbm>> -> memref<1000000x64xf32, #tpu.memory_space<hbm>>
        %dma_start3A_618 = tpu.memref_slice %arg17[%dma_start3A_608] : memref<8x!tpu.dma_semaphore, #tpu.memory_space<semaphore_mem>> -> memref<1x!tpu.dma_semaphore, #tpu.memory_space<semaphore_mem>>
        %dma_start3A_619 = tpu.memref_squeeze %dma_start3A_618 : memref<1x!tpu.dma_semaphore, #tpu.memory_space<semaphore_mem>> -> memref<!tpu.dma_semaphore, #tpu.memory_space<semaphore_mem>>
        tpu.enqueue_indirect_dma source(%dma_start3A_617 : memref<1000000x64xf32, #tpu.memory_space<hbm>>) target(%dma_start3A_611 : memref<56x64xf32, #tpu.memory_space<vmem>>) offsets(%dma_start3A_614 : memref<56xi32, #tpu.memory_space<vmem>>) semaphore(%dma_start3A_619 : memref<!tpu.dma_semaphore, #tpu.memory_space<semaphore_mem>>)
        %mul3A_620 = arith.constant 2 : i32
        %mul3A_621 = arith.muli %add3A_603, %mul3A_620 : i32
        %add3A_622 = arith.constant 0 : i32
        %add3A_623 = arith.addi %mul3A_621, %add3A_622 : i32
        %dma_start3A_624 = arith.constant 1 : i32
        %dma_start3A_625 = arith.constant 56 : i32
        %dma_start3A_626 = arith.constant 0 : i32
        %dma_start3A_627 = tpu.memref_slice %arg10[%dma_start3A_625, %dma_start3A_626] : memref<400x64xf32, #tpu.memory_space<vmem>> -> memref<48x64xf32, #tpu.memory_space<vmem>>
        %dma_start3A_628 = arith.constant 56 : i32
        %dma_start3A_629 = tpu.memref_slice %arg8[%add3A_623, %dma_start3A_628] : memref<32x200xi32, #tpu.memory_space<vmem>> -> memref<1x48xi32, #tpu.memory_space<vmem>>
        %dma_start3A_630 = tpu.memref_squeeze %dma_start3A_629 : memref<1x48xi32, #tpu.memory_space<vmem>> -> memref<48xi32, #tpu.memory_space<vmem>>
        %dma_start3A_631 = arith.constant 0 : i32
        %dma_start3A_632 = arith.constant 0 : i32
        %dma_start3A_633 = tpu.memref_slice %arg3[%dma_start3A_631, %dma_start3A_632] : memref<1000000x64xf32, #tpu.memory_space<hbm>> -> memref<1000000x64xf32, #tpu.memory_space<hbm>>
        %dma_start3A_634 = tpu.memref_slice %arg17[%dma_start3A_624] : memref<8x!tpu.dma_semaphore, #tpu.memory_space<semaphore_mem>> -> memref<1x!tpu.dma_semaphore, #tpu.memory_space<semaphore_mem>>
        %dma_start3A_635 = tpu.memref_squeeze %dma_start3A_634 : memref<1x!tpu.dma_semaphore, #tpu.memory_space<semaphore_mem>> -> memref<!tpu.dma_semaphore, #tpu.memory_space<semaphore_mem>>
        tpu.enqueue_indirect_dma source(%dma_start3A_633 : memref<1000000x64xf32, #tpu.memory_space<hbm>>) target(%dma_start3A_627 : memref<48x64xf32, #tpu.memory_space<vmem>>) offsets(%dma_start3A_630 : memref<48xi32, #tpu.memory_space<vmem>>) semaphore(%dma_start3A_635 : memref<!tpu.dma_semaphore, #tpu.memory_space<semaphore_mem>>)
        %mul3A_636 = arith.constant 2 : i32
        %mul3A_637 = arith.muli %add3A_603, %mul3A_636 : i32
        %add3A_638 = arith.constant 0 : i32
        %add3A_639 = arith.addi %mul3A_637, %add3A_638 : i32
        %dma_start3A_640 = arith.constant 2 : i32
        %dma_start3A_641 = arith.constant 104 : i32
        %dma_start3A_642 = arith.constant 0 : i32
        %dma_start3A_643 = tpu.memref_slice %arg10[%dma_start3A_641, %dma_start3A_642] : memref<400x64xf32, #tpu.memory_space<vmem>> -> memref<48x64xf32, #tpu.memory_space<vmem>>
        %dma_start3A_644 = arith.constant 104 : i32
        %dma_start3A_645 = tpu.memref_slice %arg8[%add3A_639, %dma_start3A_644] : memref<32x200xi32, #tpu.memory_space<vmem>> -> memref<1x48xi32, #tpu.memory_space<vmem>>
        %dma_start3A_646 = tpu.memref_squeeze %dma_start3A_645 : memref<1x48xi32, #tpu.memory_space<vmem>> -> memref<48xi32, #tpu.memory_space<vmem>>
        %dma_start3A_647 = arith.constant 0 : i32
        %dma_start3A_648 = arith.constant 0 : i32
        %dma_start3A_649 = tpu.memref_slice %arg3[%dma_start3A_647, %dma_start3A_648] : memref<1000000x64xf32, #tpu.memory_space<hbm>> -> memref<1000000x64xf32, #tpu.memory_space<hbm>>
        %dma_start3A_650 = tpu.memref_slice %arg17[%dma_start3A_640] : memref<8x!tpu.dma_semaphore, #tpu.memory_space<semaphore_mem>> -> memref<1x!tpu.dma_semaphore, #tpu.memory_space<semaphore_mem>>
        %dma_start3A_651 = tpu.memref_squeeze %dma_start3A_650 : memref<1x!tpu.dma_semaphore, #tpu.memory_space<semaphore_mem>> -> memref<!tpu.dma_semaphore, #tpu.memory_space<semaphore_mem>>
        tpu.enqueue_indirect_dma source(%dma_start3A_649 : memref<1000000x64xf32, #tpu.memory_space<hbm>>) target(%dma_start3A_643 : memref<48x64xf32, #tpu.memory_space<vmem>>) offsets(%dma_start3A_646 : memref<48xi32, #tpu.memory_space<vmem>>) semaphore(%dma_start3A_651 : memref<!tpu.dma_semaphore, #tpu.memory_space<semaphore_mem>>)
        %mul3A_652 = arith.constant 2 : i32
        %mul3A_653 = arith.muli %add3A_603, %mul3A_652 : i32
        %add3A_654 = arith.constant 0 : i32
        %add3A_655 = arith.addi %mul3A_653, %add3A_654 : i32
        %dma_start3A_656 = arith.constant 3 : i32
        %dma_start3A_657 = arith.constant 152 : i32
        %dma_start3A_658 = arith.constant 0 : i32
        %dma_start3A_659 = tpu.memref_slice %arg10[%dma_start3A_657, %dma_start3A_658] : memref<400x64xf32, #tpu.memory_space<vmem>> -> memref<48x64xf32, #tpu.memory_space<vmem>>
        %dma_start3A_660 = arith.constant 152 : i32
        %dma_start3A_661 = tpu.memref_slice %arg8[%add3A_655, %dma_start3A_660] : memref<32x200xi32, #tpu.memory_space<vmem>> -> memref<1x48xi32, #tpu.memory_space<vmem>>
        %dma_start3A_662 = tpu.memref_squeeze %dma_start3A_661 : memref<1x48xi32, #tpu.memory_space<vmem>> -> memref<48xi32, #tpu.memory_space<vmem>>
        %dma_start3A_663 = arith.constant 0 : i32
        %dma_start3A_664 = arith.constant 0 : i32
        %dma_start3A_665 = tpu.memref_slice %arg3[%dma_start3A_663, %dma_start3A_664] : memref<1000000x64xf32, #tpu.memory_space<hbm>> -> memref<1000000x64xf32, #tpu.memory_space<hbm>>
        %dma_start3A_666 = tpu.memref_slice %arg17[%dma_start3A_656] : memref<8x!tpu.dma_semaphore, #tpu.memory_space<semaphore_mem>> -> memref<1x!tpu.dma_semaphore, #tpu.memory_space<semaphore_mem>>
        %dma_start3A_667 = tpu.memref_squeeze %dma_start3A_666 : memref<1x!tpu.dma_semaphore, #tpu.memory_space<semaphore_mem>> -> memref<!tpu.dma_semaphore, #tpu.memory_space<semaphore_mem>>
        tpu.enqueue_indirect_dma source(%dma_start3A_665 : memref<1000000x64xf32, #tpu.memory_space<hbm>>) target(%dma_start3A_659 : memref<48x64xf32, #tpu.memory_space<vmem>>) offsets(%dma_start3A_662 : memref<48xi32, #tpu.memory_space<vmem>>) semaphore(%dma_start3A_667 : memref<!tpu.dma_semaphore, #tpu.memory_space<semaphore_mem>>)
        %mul3A_668 = arith.constant 2 : i32
        %mul3A_669 = arith.muli %add3A_603, %mul3A_668 : i32
        %add3A_670 = arith.constant 1 : i32
        %add3A_671 = arith.addi %mul3A_669, %add3A_670 : i32
        %dma_start3A_672 = arith.constant 4 : i32
        %dma_start3A_673 = arith.constant 200 : i32
        %dma_start3A_674 = arith.constant 0 : i32
        %dma_start3A_675 = tpu.memref_slice %arg10[%dma_start3A_673, %dma_start3A_674] : memref<400x64xf32, #tpu.memory_space<vmem>> -> memref<56x64xf32, #tpu.memory_space<vmem>>
        %dma_start3A_676 = arith.constant 0 : i32
        %dma_start3A_677 = tpu.memref_slice %arg8[%add3A_671, %dma_start3A_676] : memref<32x200xi32, #tpu.memory_space<vmem>> -> memref<1x56xi32, #tpu.memory_space<vmem>>
        %dma_start3A_678 = tpu.memref_squeeze %dma_start3A_677 : memref<1x56xi32, #tpu.memory_space<vmem>> -> memref<56xi32, #tpu.memory_space<vmem>>
        %dma_start3A_679 = arith.constant 0 : i32
        %dma_start3A_680 = arith.constant 0 : i32
        %dma_start3A_681 = tpu.memref_slice %arg3[%dma_start3A_679, %dma_start3A_680] : memref<1000000x64xf32, #tpu.memory_space<hbm>> -> memref<1000000x64xf32, #tpu.memory_space<hbm>>
        %dma_start3A_682 = tpu.memref_slice %arg17[%dma_start3A_672] : memref<8x!tpu.dma_semaphore, #tpu.memory_space<semaphore_mem>> -> memref<1x!tpu.dma_semaphore, #tpu.memory_space<semaphore_mem>>
        %dma_start3A_683 = tpu.memref_squeeze %dma_start3A_682 : memref<1x!tpu.dma_semaphore, #tpu.memory_space<semaphore_mem>> -> memref<!tpu.dma_semaphore, #tpu.memory_space<semaphore_mem>>
        tpu.enqueue_indirect_dma source(%dma_start3A_681 : memref<1000000x64xf32, #tpu.memory_space<hbm>>) target(%dma_start3A_675 : memref<56x64xf32, #tpu.memory_space<vmem>>) offsets(%dma_start3A_678 : memref<56xi32, #tpu.memory_space<vmem>>) semaphore(%dma_start3A_683 : memref<!tpu.dma_semaphore, #tpu.memory_space<semaphore_mem>>)
        %mul3A_684 = arith.constant 2 : i32
        %mul3A_685 = arith.muli %add3A_603, %mul3A_684 : i32
        %add3A_686 = arith.constant 1 : i32
        %add3A_687 = arith.addi %mul3A_685, %add3A_686 : i32
        %dma_start3A_688 = arith.constant 5 : i32
        %dma_start3A_689 = arith.constant 256 : i32
        %dma_start3A_690 = arith.constant 0 : i32
        %dma_start3A_691 = tpu.memref_slice %arg10[%dma_start3A_689, %dma_start3A_690] : memref<400x64xf32, #tpu.memory_space<vmem>> -> memref<48x64xf32, #tpu.memory_space<vmem>>
        %dma_start3A_692 = arith.constant 56 : i32
        %dma_start3A_693 = tpu.memref_slice %arg8[%add3A_687, %dma_start3A_692] : memref<32x200xi32, #tpu.memory_space<vmem>> -> memref<1x48xi32, #tpu.memory_space<vmem>>
        %dma_start3A_694 = tpu.memref_squeeze %dma_start3A_693 : memref<1x48xi32, #tpu.memory_space<vmem>> -> memref<48xi32, #tpu.memory_space<vmem>>
        %dma_start3A_695 = arith.constant 0 : i32
        %dma_start3A_696 = arith.constant 0 : i32
        %dma_start3A_697 = tpu.memref_slice %arg3[%dma_start3A_695, %dma_start3A_696] : memref<1000000x64xf32, #tpu.memory_space<hbm>> -> memref<1000000x64xf32, #tpu.memory_space<hbm>>
        %dma_start3A_698 = tpu.memref_slice %arg17[%dma_start3A_688] : memref<8x!tpu.dma_semaphore, #tpu.memory_space<semaphore_mem>> -> memref<1x!tpu.dma_semaphore, #tpu.memory_space<semaphore_mem>>
        %dma_start3A_699 = tpu.memref_squeeze %dma_start3A_698 : memref<1x!tpu.dma_semaphore, #tpu.memory_space<semaphore_mem>> -> memref<!tpu.dma_semaphore, #tpu.memory_space<semaphore_mem>>
        tpu.enqueue_indirect_dma source(%dma_start3A_697 : memref<1000000x64xf32, #tpu.memory_space<hbm>>) target(%dma_start3A_691 : memref<48x64xf32, #tpu.memory_space<vmem>>) offsets(%dma_start3A_694 : memref<48xi32, #tpu.memory_space<vmem>>) semaphore(%dma_start3A_699 : memref<!tpu.dma_semaphore, #tpu.memory_space<semaphore_mem>>)
        %mul3A_700 = arith.constant 2 : i32
        %mul3A_701 = arith.muli %add3A_603, %mul3A_700 : i32
        %add3A_702 = arith.constant 1 : i32
        %add3A_703 = arith.addi %mul3A_701, %add3A_702 : i32
        %dma_start3A_704 = arith.constant 6 : i32
        %dma_start3A_705 = arith.constant 304 : i32
        %dma_start3A_706 = arith.constant 0 : i32
        %dma_start3A_707 = tpu.memref_slice %arg10[%dma_start3A_705, %dma_start3A_706] : memref<400x64xf32, #tpu.memory_space<vmem>> -> memref<48x64xf32, #tpu.memory_space<vmem>>
        %dma_start3A_708 = arith.constant 104 : i32
        %dma_start3A_709 = tpu.memref_slice %arg8[%add3A_703, %dma_start3A_708] : memref<32x200xi32, #tpu.memory_space<vmem>> -> memref<1x48xi32, #tpu.memory_space<vmem>>
        %dma_start3A_710 = tpu.memref_squeeze %dma_start3A_709 : memref<1x48xi32, #tpu.memory_space<vmem>> -> memref<48xi32, #tpu.memory_space<vmem>>
        %dma_start3A_711 = arith.constant 0 : i32
        %dma_start3A_712 = arith.constant 0 : i32
        %dma_start3A_713 = tpu.memref_slice %arg3[%dma_start3A_711, %dma_start3A_712] : memref<1000000x64xf32, #tpu.memory_space<hbm>> -> memref<1000000x64xf32, #tpu.memory_space<hbm>>
        %dma_start3A_714 = tpu.memref_slice %arg17[%dma_start3A_704] : memref<8x!tpu.dma_semaphore, #tpu.memory_space<semaphore_mem>> -> memref<1x!tpu.dma_semaphore, #tpu.memory_space<semaphore_mem>>
        %dma_start3A_715 = tpu.memref_squeeze %dma_start3A_714 : memref<1x!tpu.dma_semaphore, #tpu.memory_space<semaphore_mem>> -> memref<!tpu.dma_semaphore, #tpu.memory_space<semaphore_mem>>
        tpu.enqueue_indirect_dma source(%dma_start3A_713 : memref<1000000x64xf32, #tpu.memory_space<hbm>>) target(%dma_start3A_707 : memref<48x64xf32, #tpu.memory_space<vmem>>) offsets(%dma_start3A_710 : memref<48xi32, #tpu.memory_space<vmem>>) semaphore(%dma_start3A_715 : memref<!tpu.dma_semaphore, #tpu.memory_space<semaphore_mem>>)
        %mul3A_716 = arith.constant 2 : i32
        %mul3A_717 = arith.muli %add3A_603, %mul3A_716 : i32
        %add3A_718 = arith.constant 1 : i32
        %add3A_719 = arith.addi %mul3A_717, %add3A_718 : i32
        %dma_start3A_720 = arith.constant 7 : i32
        %dma_start3A_721 = arith.constant 352 : i32
        %dma_start3A_722 = arith.constant 0 : i32
        %dma_start3A_723 = tpu.memref_slice %arg10[%dma_start3A_721, %dma_start3A_722] : memref<400x64xf32, #tpu.memory_space<vmem>> -> memref<48x64xf32, #tpu.memory_space<vmem>>
        %dma_start3A_724 = arith.constant 152 : i32
        %dma_start3A_725 = tpu.memref_slice %arg8[%add3A_719, %dma_start3A_724] : memref<32x200xi32, #tpu.memory_space<vmem>> -> memref<1x48xi32, #tpu.memory_space<vmem>>
        %dma_start3A_726 = tpu.memref_squeeze %dma_start3A_725 : memref<1x48xi32, #tpu.memory_space<vmem>> -> memref<48xi32, #tpu.memory_space<vmem>>
        %dma_start3A_727 = arith.constant 0 : i32
        %dma_start3A_728 = arith.constant 0 : i32
        %dma_start3A_729 = tpu.memref_slice %arg3[%dma_start3A_727, %dma_start3A_728] : memref<1000000x64xf32, #tpu.memory_space<hbm>> -> memref<1000000x64xf32, #tpu.memory_space<hbm>>
        %dma_start3A_730 = tpu.memref_slice %arg17[%dma_start3A_720] : memref<8x!tpu.dma_semaphore, #tpu.memory_space<semaphore_mem>> -> memref<1x!tpu.dma_semaphore, #tpu.memory_space<semaphore_mem>>
        %dma_start3A_731 = tpu.memref_squeeze %dma_start3A_730 : memref<1x!tpu.dma_semaphore, #tpu.memory_space<semaphore_mem>> -> memref<!tpu.dma_semaphore, #tpu.memory_space<semaphore_mem>>
        tpu.enqueue_indirect_dma source(%dma_start3A_729 : memref<1000000x64xf32, #tpu.memory_space<hbm>>) target(%dma_start3A_723 : memref<48x64xf32, #tpu.memory_space<vmem>>) offsets(%dma_start3A_726 : memref<48xi32, #tpu.memory_space<vmem>>) semaphore(%dma_start3A_731 : memref<!tpu.dma_semaphore, #tpu.memory_space<semaphore_mem>>)
      } else {
      }
      %scan3A_382 = arith.constant 0 : i32
      %scan3A_383 = arith.constant 0 : i32
      %scan3A_384 = arith.constant 25 : i32
      %scan3A_385 = arith.addi %scan3A_383, %scan3A_384 : i32
      %scan3A_386 = arith.constant 1 : i32
      scf.for %scan3A_602 = %scan3A_383 to %scan3A_385 step %scan3A_386  : i32 {
        %mul3A_603 = arith.constant 16 : i32
        %mul3A_604 = arith.muli %scan3A_602, %mul3A_603 : i32
        %add3A_605 = vector.broadcast %mul3A_604 : i32 to vector<16xi32>
        %add3A_606 = arith.addi %add3A_605, %iota3A : vector<16xi32>
        %mul3A_607 = arith.constant 65 : i32
        %mul3A_608 = vector.broadcast %mul3A_607 : i32 to vector<16xi32>
        %mul3A_609 = arith.muli %add3A_606, %mul3A_608 : vector<16xi32>
        %parallel_loop3A_610 = arith.constant 0 : i32
        %parallel_loop3A_611 = arith.constant 64 : i32
        %parallel_loop3A_612 = arith.constant 1 : i32
        %parallel_loop3A_613:2 = scf.for %parallel_loop3A_654 = %parallel_loop3A_610 to %parallel_loop3A_611 step %parallel_loop3A_612 iter_args(%parallel_loop3A_655 = %broadcast_in_dim3A_4, %parallel_loop3A_656 = %broadcast_in_dim3A_4) -> (vector<16xf32>, vector<16xf32>)  : i32 {
          %parallel_loop3A_657 = vector.broadcast %parallel_loop3A_654 : i32 to vector<16xi32>
          %parallel_loop3A_658 = arith.addi %mul3A_609, %parallel_loop3A_657 : vector<16xi32>
          %parallel_loop3A_659 = tpu.vector_load_idx %arg13[%parallel_loop3A_658] : memref<26000xf32, #tpu.memory_space<vmem>>[vector<16xi32>], vector<16xf32>,
          %parallel_loop3A_660 = arith.addf %parallel_loop3A_655, %parallel_loop3A_659 : vector<16xf32>
          %parallel_loop3A_661 = arith.mulf %parallel_loop3A_659, %parallel_loop3A_659 : vector<16xf32>
          %parallel_loop3A_662 = arith.addf %parallel_loop3A_656, %parallel_loop3A_661 : vector<16xf32>
          scf.yield %parallel_loop3A_660, %parallel_loop3A_662 : vector<16xf32>, vector<16xf32>
        } {sc.loop_unroll_factor = 8 : i64, sc.parallel_access}
        %mul3A_614 = arith.constant 1.562500e-02 : f32
        %mul3A_615 = vector.broadcast %mul3A_614 : f32 to vector<16xf32>
        %mul3A_616 = arith.mulf %parallel_loop3A_613#0, %mul3A_615 : vector<16xf32>
        %mul3A_617 = arith.constant 1.562500e-02 : f32
        %mul3A_618 = vector.broadcast %mul3A_617 : f32 to vector<16xf32>
        %mul3A_619 = arith.mulf %parallel_loop3A_613#1, %mul3A_618 : vector<16xf32>
        %mul3A_620 = arith.mulf %mul3A_616, %mul3A_616 : vector<16xf32>
        %sub3A = arith.subf %mul3A_619, %mul3A_620 : vector<16xf32>
        %add3A_621 = arith.constant 9.99999974E-6 : f32
        %add3A_622 = vector.broadcast %add3A_621 : f32 to vector<16xf32>
        %add3A_623 = arith.addf %sub3A, %add3A_622 : vector<16xf32>
        %bitcast3A = vector.bitcast %add3A_623 : vector<16xf32> to vector<16xi32>
        %shift_right_logical3A = arith.constant 1 : i32
        %shift_right_logical3A_624 = vector.broadcast %shift_right_logical3A : i32 to vector<16xi32>
        %shift_right_logical3A_625 = arith.shrui %bitcast3A, %shift_right_logical3A_624 : vector<16xi32>
        %sub3A_626 = arith.constant 1597463007 : i32
        %sub3A_627 = vector.broadcast %sub3A_626 : i32 to vector<16xi32>
        %sub3A_628 = arith.subi %sub3A_627, %shift_right_logical3A_625 : vector<16xi32>
        %bitcast3A_629 = vector.bitcast %sub3A_628 : vector<16xi32> to vector<16xf32>
        %mul3A_630 = arith.constant 5.000000e-01 : f32
        %mul3A_631 = vector.broadcast %mul3A_630 : f32 to vector<16xf32>
        %mul3A_632 = arith.mulf %add3A_623, %mul3A_631 : vector<16xf32>
        %mul3A_633 = arith.mulf %mul3A_632, %bitcast3A_629 : vector<16xf32>
        %mul3A_634 = arith.mulf %mul3A_633, %bitcast3A_629 : vector<16xf32>
        %sub3A_635 = arith.constant 1.500000e+00 : f32
        %sub3A_636 = vector.broadcast %sub3A_635 : f32 to vector<16xf32>
        %sub3A_637 = arith.subf %sub3A_636, %mul3A_634 : vector<16xf32>
        %mul3A_638 = arith.mulf %bitcast3A_629, %sub3A_637 : vector<16xf32>
        %mul3A_639 = arith.mulf %mul3A_632, %mul3A_638 : vector<16xf32>
        %mul3A_640 = arith.mulf %mul3A_639, %mul3A_638 : vector<16xf32>
        %sub3A_641 = arith.constant 1.500000e+00 : f32
        %sub3A_642 = vector.broadcast %sub3A_641 : f32 to vector<16xf32>
        %sub3A_643 = arith.subf %sub3A_642, %mul3A_640 : vector<16xf32>
        %mul3A_644 = arith.mulf %mul3A_638, %sub3A_643 : vector<16xf32>
        %mul3A_645 = arith.mulf %mul3A_632, %mul3A_644 : vector<16xf32>
        %mul3A_646 = arith.mulf %mul3A_645, %mul3A_644 : vector<16xf32>
        %sub3A_647 = arith.constant 1.500000e+00 : f32
        %sub3A_648 = vector.broadcast %sub3A_647 : f32 to vector<16xf32>
        %sub3A_649 = arith.subf %sub3A_648, %mul3A_646 : vector<16xf32>
        %mul3A_650 = arith.mulf %mul3A_644, %sub3A_649 : vector<16xf32>
        %parallel_loop3A_651 = arith.constant 0 : i32
        %parallel_loop3A_652 = arith.constant 64 : i32
        %parallel_loop3A_653 = arith.constant 1 : i32
        scf.for %parallel_loop3A_654 = %parallel_loop3A_651 to %parallel_loop3A_652 step %parallel_loop3A_653  : i32 {
          %parallel_loop3A_655 = vector.broadcast %parallel_loop3A_654 : i32 to vector<16xi32>
          %parallel_loop3A_656 = arith.addi %mul3A_609, %parallel_loop3A_655 : vector<16xi32>
          %parallel_loop3A_657 = tpu.vector_load_idx %arg13[%parallel_loop3A_656] : memref<26000xf32, #tpu.memory_space<vmem>>[vector<16xi32>], vector<16xf32>,
          %parallel_loop3A_658 = arith.index_cast %parallel_loop3A_654 : i32 to index
          %parallel_loop3A_659 = arith.constant 0 : index
          %parallel_loop3A_660 = tpu.vector_load %arg15[%parallel_loop3A_658, %parallel_loop3A_659] {strides = array<i32>} : memref<64x16xf32, #tpu.memory_space<vmem>>, vector<16xf32>,
          %parallel_loop3A_661 = arith.mulf %mul3A_650, %parallel_loop3A_660 : vector<16xf32>
          %parallel_loop3A_662 = arith.index_cast %parallel_loop3A_654 : i32 to index
          %parallel_loop3A_663 = arith.constant 0 : index
          %parallel_loop3A_664 = tpu.vector_load %arg16[%parallel_loop3A_662, %parallel_loop3A_663] {strides = array<i32>} : memref<64x16xf32, #tpu.memory_space<vmem>>, vector<16xf32>,
          %parallel_loop3A_665 = arith.mulf %mul3A_616, %parallel_loop3A_661 : vector<16xf32>
          %parallel_loop3A_666 = arith.subf %parallel_loop3A_664, %parallel_loop3A_665 : vector<16xf32>
          %parallel_loop3A_667 = arith.mulf %parallel_loop3A_657, %parallel_loop3A_661 : vector<16xf32>
          %parallel_loop3A_668 = arith.addf %parallel_loop3A_667, %parallel_loop3A_666 : vector<16xf32>
          tpu.vector_store_idx %arg13[%parallel_loop3A_656], %parallel_loop3A_668 : memref<26000xf32, #tpu.memory_space<vmem>>[vector<16xi32>], vector<16xf32>,
        } {sc.loop_unroll_factor = 8 : i64, sc.parallel_access}
      }
      %scan3A_387 = arith.constant 25 : i32
      %not3A = arith.constant true
      %not3A_388 = arith.xori %eq3A_271, %not3A : i1
      %convert_element_type3A_389 = arith.extui %not3A_388 : i1 to i32
      %cond3A_390 = arith.constant 0 : i32
      %cond3A_391 = arith.cmpi ne, %convert_element_type3A_389, %cond3A_390 : i32
      scf.if %cond3A_391 {
        %add3A_602 = arith.constant 0 : i32
        %add3A_603 = arith.addi %mul3A_2, %add3A_602 : i32
        %dma_wait3A_604 = arith.constant 0 : i32
        %dma_wait3A_605 = arith.constant 0 : i32
        %dma_wait3A_606 = tpu.memref_slice %arg12[%dma_wait3A_604, %dma_wait3A_605] : memref<400x64xf32, #tpu.memory_space<vmem>> -> memref<200x64xf32, #tpu.memory_space<vmem>>
        %dma_wait3A_607 = arith.constant 0 : i32
        %dma_wait3A_608 = arith.constant 0 : i32
        %dma_wait3A_609 = tpu.memref_slice %arg7[%add3A_603, %dma_wait3A_607, %dma_wait3A_608] : memref<1024x200x64xf32, #tpu.memory_space<hbm>> -> memref<1x200x64xf32, #tpu.memory_space<hbm>>
        %dma_wait3A_610 = tpu.memref_squeeze %dma_wait3A_609 : memref<1x200x64xf32, #tpu.memory_space<hbm>> -> memref<200x64xf32, #tpu.memory_space<hbm>>
        %dma_wait3A_611 = arith.constant 0 : i32
        %dma_wait3A_612 = arith.constant 0 : i32
        %dma_wait3A_613 = tpu.memref_slice %arg7[%add3A_603, %dma_wait3A_611, %dma_wait3A_612] : memref<1024x200x64xf32, #tpu.memory_space<hbm>> -> memref<1x200x64xf32, #tpu.memory_space<hbm>>
        %dma_wait3A_614 = tpu.memref_squeeze %dma_wait3A_613 : memref<1x200x64xf32, #tpu.memory_space<hbm>> -> memref<200x64xf32, #tpu.memory_space<hbm>>
        %dma_wait3A_615 = arith.constant 0 : i32
        %dma_wait3A_616 = arith.constant 0 : i32
        %dma_wait3A_617 = tpu.memref_slice %arg12[%dma_wait3A_615, %dma_wait3A_616] : memref<400x64xf32, #tpu.memory_space<vmem>> -> memref<200x64xf32, #tpu.memory_space<vmem>>
        tpu.wait_dma2 semaphore(%arg19 : memref<!tpu.dma_semaphore, #tpu.memory_space<semaphore_mem>>) src(%dma_wait3A_617 : memref<200x64xf32, #tpu.memory_space<vmem>>) dst(%dma_wait3A_614 : memref<200x64xf32, #tpu.memory_space<hbm>>)
        %add3A_618 = arith.constant 1 : i32
        %add3A_619 = arith.addi %mul3A_2, %add3A_618 : i32
        %dma_wait3A_620 = arith.constant 200 : i32
        %dma_wait3A_621 = arith.constant 0 : i32
        %dma_wait3A_622 = tpu.memref_slice %arg12[%dma_wait3A_620, %dma_wait3A_621] : memref<400x64xf32, #tpu.memory_space<vmem>> -> memref<200x64xf32, #tpu.memory_space<vmem>>
        %dma_wait3A_623 = arith.constant 0 : i32
        %dma_wait3A_624 = arith.constant 0 : i32
        %dma_wait3A_625 = tpu.memref_slice %arg7[%add3A_619, %dma_wait3A_623, %dma_wait3A_624] : memref<1024x200x64xf32, #tpu.memory_space<hbm>> -> memref<1x200x64xf32, #tpu.memory_space<hbm>>
        %dma_wait3A_626 = tpu.memref_squeeze %dma_wait3A_625 : memref<1x200x64xf32, #tpu.memory_space<hbm>> -> memref<200x64xf32, #tpu.memory_space<hbm>>
        %dma_wait3A_627 = arith.constant 0 : i32
        %dma_wait3A_628 = arith.constant 0 : i32
        %dma_wait3A_629 = tpu.memref_slice %arg7[%add3A_619, %dma_wait3A_627, %dma_wait3A_628] : memref<1024x200x64xf32, #tpu.memory_space<hbm>> -> memref<1x200x64xf32, #tpu.memory_space<hbm>>
        %dma_wait3A_630 = tpu.memref_squeeze %dma_wait3A_629 : memref<1x200x64xf32, #tpu.memory_space<hbm>> -> memref<200x64xf32, #tpu.memory_space<hbm>>
        %dma_wait3A_631 = arith.constant 200 : i32
        %dma_wait3A_632 = arith.constant 0 : i32
        %dma_wait3A_633 = tpu.memref_slice %arg12[%dma_wait3A_631, %dma_wait3A_632] : memref<400x64xf32, #tpu.memory_space<vmem>> -> memref<200x64xf32, #tpu.memory_space<vmem>>
        tpu.wait_dma2 semaphore(%arg19 : memref<!tpu.dma_semaphore, #tpu.memory_space<semaphore_mem>>) src(%dma_wait3A_633 : memref<200x64xf32, #tpu.memory_space<vmem>>) dst(%dma_wait3A_630 : memref<200x64xf32, #tpu.memory_space<hbm>>)
      } else {
      }
      %parallel_loop3A_392 = arith.constant 0 : i32
      %parallel_loop3A_393 = arith.constant 400 : i32
      %parallel_loop3A_394 = arith.constant 1 : i32
      scf.for %parallel_loop3A_602 = %parallel_loop3A_392 to %parallel_loop3A_393 step %parallel_loop3A_394  : i32 {
        %parallel_loop3A_603 = arith.constant 65 : i32
        %parallel_loop3A_604 = arith.muli %parallel_loop3A_602, %parallel_loop3A_603 : i32
        %parallel_loop3A_605 = vector.broadcast %parallel_loop3A_604 : i32 to vector<16xi32>
        %parallel_loop3A_606 = arith.addi %broadcast_in_dim3A_6, %parallel_loop3A_605 : vector<16xi32>
        %parallel_loop3A_607 = arith.addi %parallel_loop3A_606, %add3A_9 : vector<16xi32>
        %parallel_loop3A_608 = tpu.vector_load_idx %arg13[%parallel_loop3A_607] : memref<26000xf32, #tpu.memory_space<vmem>>[vector<16xi32>], vector<16xf32>,
        %parallel_loop3A_609 = arith.index_cast %parallel_loop3A_602 : i32 to index
        %parallel_loop3A_610 = arith.constant 0 : index
        %parallel_loop3A_611 = tpu.vector_load %arg12[%parallel_loop3A_609, %parallel_loop3A_610] {strides = array<i32>} : memref<400x64xf32, #tpu.memory_space<vmem>>, vector<16xf32>,
        tpu.vector_store %arg12[%parallel_loop3A_609, %parallel_loop3A_610], %parallel_loop3A_608 {strides = array<i32>} : memref<400x64xf32, #tpu.memory_space<vmem>>, vector<16xf32>,
        %parallel_loop3A_612 = arith.addi %parallel_loop3A_606, %add3A_12 : vector<16xi32>
        %parallel_loop3A_613 = tpu.vector_load_idx %arg13[%parallel_loop3A_612] : memref<26000xf32, #tpu.memory_space<vmem>>[vector<16xi32>], vector<16xf32>,
        %parallel_loop3A_614 = arith.index_cast %parallel_loop3A_602 : i32 to index
        %parallel_loop3A_615 = arith.constant 16 : index
        %parallel_loop3A_616 = tpu.vector_load %arg12[%parallel_loop3A_614, %parallel_loop3A_615] {strides = array<i32>} : memref<400x64xf32, #tpu.memory_space<vmem>>, vector<16xf32>,
        tpu.vector_store %arg12[%parallel_loop3A_614, %parallel_loop3A_615], %parallel_loop3A_613 {strides = array<i32>} : memref<400x64xf32, #tpu.memory_space<vmem>>, vector<16xf32>,
        %parallel_loop3A_617 = arith.addi %parallel_loop3A_606, %add3A_15 : vector<16xi32>
        %parallel_loop3A_618 = tpu.vector_load_idx %arg13[%parallel_loop3A_617] : memref<26000xf32, #tpu.memory_space<vmem>>[vector<16xi32>], vector<16xf32>,
        %parallel_loop3A_619 = arith.index_cast %parallel_loop3A_602 : i32 to index
        %parallel_loop3A_620 = arith.constant 32 : index
        %parallel_loop3A_621 = tpu.vector_load %arg12[%parallel_loop3A_619, %parallel_loop3A_620] {strides = array<i32>} : memref<400x64xf32, #tpu.memory_space<vmem>>, vector<16xf32>,
        tpu.vector_store %arg12[%parallel_loop3A_619, %parallel_loop3A_620], %parallel_loop3A_618 {strides = array<i32>} : memref<400x64xf32, #tpu.memory_space<vmem>>, vector<16xf32>,
        %parallel_loop3A_622 = arith.addi %parallel_loop3A_606, %add3A_18 : vector<16xi32>
        %parallel_loop3A_623 = tpu.vector_load_idx %arg13[%parallel_loop3A_622] : memref<26000xf32, #tpu.memory_space<vmem>>[vector<16xi32>], vector<16xf32>,
        %parallel_loop3A_624 = arith.index_cast %parallel_loop3A_602 : i32 to index
        %parallel_loop3A_625 = arith.constant 48 : index
        %parallel_loop3A_626 = tpu.vector_load %arg12[%parallel_loop3A_624, %parallel_loop3A_625] {strides = array<i32>} : memref<400x64xf32, #tpu.memory_space<vmem>>, vector<16xf32>,
        tpu.vector_store %arg12[%parallel_loop3A_624, %parallel_loop3A_625], %parallel_loop3A_623 {strides = array<i32>} : memref<400x64xf32, #tpu.memory_space<vmem>>, vector<16xf32>,
      } {sc.loop_unroll_factor = 4 : i64, sc.parallel_access}
      %mul3A_395 = arith.constant 2 : i32
      %mul3A_396 = arith.muli %mul3A_270, %mul3A_395 : i32
      %add3A_397 = arith.addi %mul3A_2, %mul3A_396 : i32
      %add3A_398 = arith.constant 0 : i32
      %add3A_399 = arith.addi %add3A_397, %add3A_398 : i32
      %dma_start3A_400 = arith.constant 0 : i32
      %dma_start3A_401 = arith.constant 0 : i32
      %dma_start3A_402 = tpu.memref_slice %arg12[%dma_start3A_400, %dma_start3A_401] : memref<400x64xf32, #tpu.memory_space<vmem>> -> memref<200x64xf32, #tpu.memory_space<vmem>>
      %dma_start3A_403 = arith.constant 0 : i32
      %dma_start3A_404 = arith.constant 0 : i32
      %dma_start3A_405 = tpu.memref_slice %arg7[%add3A_399, %dma_start3A_403, %dma_start3A_404] : memref<1024x200x64xf32, #tpu.memory_space<hbm>> -> memref<1x200x64xf32, #tpu.memory_space<hbm>>
      %dma_start3A_406 = tpu.memref_squeeze %dma_start3A_405 : memref<1x200x64xf32, #tpu.memory_space<hbm>> -> memref<200x64xf32, #tpu.memory_space<hbm>>
      %dma_start3A_407 = arith.constant 0 : i32
      %dma_start3A_408 = arith.constant 0 : i32
      %dma_start3A_409 = tpu.memref_slice %arg7[%add3A_399, %dma_start3A_407, %dma_start3A_408] : memref<1024x200x64xf32, #tpu.memory_space<hbm>> -> memref<1x200x64xf32, #tpu.memory_space<hbm>>
      %dma_start3A_410 = tpu.memref_squeeze %dma_start3A_409 : memref<1x200x64xf32, #tpu.memory_space<hbm>> -> memref<200x64xf32, #tpu.memory_space<hbm>>
      %dma_start3A_411 = arith.constant 0 : i32
      %dma_start3A_412 = arith.constant 0 : i32
      %dma_start3A_413 = tpu.memref_slice %arg12[%dma_start3A_411, %dma_start3A_412] : memref<400x64xf32, #tpu.memory_space<vmem>> -> memref<200x64xf32, #tpu.memory_space<vmem>>
      tpu.enqueue_dma source(%dma_start3A_413 : memref<200x64xf32, #tpu.memory_space<vmem>>) target(%dma_start3A_410 : memref<200x64xf32, #tpu.memory_space<hbm>>) target_semaphore(%arg19 : memref<!tpu.dma_semaphore, #tpu.memory_space<semaphore_mem>>)
      %mul3A_414 = arith.constant 2 : i32
      %mul3A_415 = arith.muli %mul3A_270, %mul3A_414 : i32
      %add3A_416 = arith.addi %mul3A_2, %mul3A_415 : i32
      %add3A_417 = arith.constant 1 : i32
      %add3A_418 = arith.addi %add3A_416, %add3A_417 : i32
      %dma_start3A_419 = arith.constant 200 : i32
      %dma_start3A_420 = arith.constant 0 : i32
      %dma_start3A_421 = tpu.memref_slice %arg12[%dma_start3A_419, %dma_start3A_420] : memref<400x64xf32, #tpu.memory_space<vmem>> -> memref<200x64xf32, #tpu.memory_space<vmem>>
      %dma_start3A_422 = arith.constant 0 : i32
      %dma_start3A_423 = arith.constant 0 : i32
      %dma_start3A_424 = tpu.memref_slice %arg7[%add3A_418, %dma_start3A_422, %dma_start3A_423] : memref<1024x200x64xf32, #tpu.memory_space<hbm>> -> memref<1x200x64xf32, #tpu.memory_space<hbm>>
      %dma_start3A_425 = tpu.memref_squeeze %dma_start3A_424 : memref<1x200x64xf32, #tpu.memory_space<hbm>> -> memref<200x64xf32, #tpu.memory_space<hbm>>
      %dma_start3A_426 = arith.constant 0 : i32
      %dma_start3A_427 = arith.constant 0 : i32
      %dma_start3A_428 = tpu.memref_slice %arg7[%add3A_418, %dma_start3A_426, %dma_start3A_427] : memref<1024x200x64xf32, #tpu.memory_space<hbm>> -> memref<1x200x64xf32, #tpu.memory_space<hbm>>
      %dma_start3A_429 = tpu.memref_squeeze %dma_start3A_428 : memref<1x200x64xf32, #tpu.memory_space<hbm>> -> memref<200x64xf32, #tpu.memory_space<hbm>>
      %dma_start3A_430 = arith.constant 200 : i32
      %dma_start3A_431 = arith.constant 0 : i32
      %dma_start3A_432 = tpu.memref_slice %arg12[%dma_start3A_430, %dma_start3A_431] : memref<400x64xf32, #tpu.memory_space<vmem>> -> memref<200x64xf32, #tpu.memory_space<vmem>>
      tpu.enqueue_dma source(%dma_start3A_432 : memref<200x64xf32, #tpu.memory_space<vmem>>) target(%dma_start3A_429 : memref<200x64xf32, #tpu.memory_space<hbm>>) target_semaphore(%arg19 : memref<!tpu.dma_semaphore, #tpu.memory_space<semaphore_mem>>)
      %add3A_433 = arith.constant 1 : i32
      %add3A_434 = arith.addi %mul3A_270, %add3A_433 : i32
      %dma_wait3A_435 = arith.constant 0 : i32
      %dma_wait3A_436 = arith.constant 0 : i32
      %dma_wait3A_437 = arith.constant 0 : i32
      %dma_wait3A_438 = arith.constant 0 : i32
      %dma_wait3A_439 = tpu.memref_slice %arg11[%dma_wait3A_437, %dma_wait3A_438] : memref<400x64xf32, #tpu.memory_space<vmem>> -> memref<56x64xf32, #tpu.memory_space<vmem>>
      %dma_wait3A_440 = arith.constant 0 : i32
      %dma_wait3A_441 = tpu.memref_slice %arg8[%dma_wait3A_435, %dma_wait3A_440] : memref<32x200xi32, #tpu.memory_space<vmem>> -> memref<1x56xi32, #tpu.memory_space<vmem>>
      %dma_wait3A_442 = tpu.memref_squeeze %dma_wait3A_441 : memref<1x56xi32, #tpu.memory_space<vmem>> -> memref<56xi32, #tpu.memory_space<vmem>>
      %dma_wait3A_443 = arith.constant 0 : i32
      %dma_wait3A_444 = arith.constant 0 : i32
      %dma_wait3A_445 = tpu.memref_slice %arg3[%dma_wait3A_443, %dma_wait3A_444] : memref<1000000x64xf32, #tpu.memory_space<hbm>> -> memref<1000000x64xf32, #tpu.memory_space<hbm>>
      %dma_wait3A_446 = tpu.memref_slice %arg18[%dma_wait3A_436] : memref<8x!tpu.dma_semaphore, #tpu.memory_space<semaphore_mem>> -> memref<1x!tpu.dma_semaphore, #tpu.memory_space<semaphore_mem>>
      %dma_wait3A_447 = tpu.memref_squeeze %dma_wait3A_446 : memref<1x!tpu.dma_semaphore, #tpu.memory_space<semaphore_mem>> -> memref<!tpu.dma_semaphore, #tpu.memory_space<semaphore_mem>>
      tpu.wait_indirect_dma semaphore(%dma_wait3A_447 : memref<!tpu.dma_semaphore, #tpu.memory_space<semaphore_mem>>) src(%dma_wait3A_445 : memref<1000000x64xf32, #tpu.memory_space<hbm>>) dst(%dma_wait3A_439 : memref<56x64xf32, #tpu.memory_space<vmem>>)
      %dma_wait3A_448 = arith.constant 0 : i32
      %dma_wait3A_449 = arith.constant 1 : i32
      %dma_wait3A_450 = arith.constant 56 : i32
      %dma_wait3A_451 = arith.constant 0 : i32
      %dma_wait3A_452 = tpu.memref_slice %arg11[%dma_wait3A_450, %dma_wait3A_451] : memref<400x64xf32, #tpu.memory_space<vmem>> -> memref<48x64xf32, #tpu.memory_space<vmem>>
      %dma_wait3A_453 = arith.constant 56 : i32
      %dma_wait3A_454 = tpu.memref_slice %arg8[%dma_wait3A_448, %dma_wait3A_453] : memref<32x200xi32, #tpu.memory_space<vmem>> -> memref<1x48xi32, #tpu.memory_space<vmem>>
      %dma_wait3A_455 = tpu.memref_squeeze %dma_wait3A_454 : memref<1x48xi32, #tpu.memory_space<vmem>> -> memref<48xi32, #tpu.memory_space<vmem>>
      %dma_wait3A_456 = arith.constant 0 : i32
      %dma_wait3A_457 = arith.constant 0 : i32
      %dma_wait3A_458 = tpu.memref_slice %arg3[%dma_wait3A_456, %dma_wait3A_457] : memref<1000000x64xf32, #tpu.memory_space<hbm>> -> memref<1000000x64xf32, #tpu.memory_space<hbm>>
      %dma_wait3A_459 = tpu.memref_slice %arg18[%dma_wait3A_449] : memref<8x!tpu.dma_semaphore, #tpu.memory_space<semaphore_mem>> -> memref<1x!tpu.dma_semaphore, #tpu.memory_space<semaphore_mem>>
      %dma_wait3A_460 = tpu.memref_squeeze %dma_wait3A_459 : memref<1x!tpu.dma_semaphore, #tpu.memory_space<semaphore_mem>> -> memref<!tpu.dma_semaphore, #tpu.memory_space<semaphore_mem>>
      tpu.wait_indirect_dma semaphore(%dma_wait3A_460 : memref<!tpu.dma_semaphore, #tpu.memory_space<semaphore_mem>>) src(%dma_wait3A_458 : memref<1000000x64xf32, #tpu.memory_space<hbm>>) dst(%dma_wait3A_452 : memref<48x64xf32, #tpu.memory_space<vmem>>)
      %dma_wait3A_461 = arith.constant 0 : i32
      %dma_wait3A_462 = arith.constant 2 : i32
      %dma_wait3A_463 = arith.constant 104 : i32
      %dma_wait3A_464 = arith.constant 0 : i32
      %dma_wait3A_465 = tpu.memref_slice %arg11[%dma_wait3A_463, %dma_wait3A_464] : memref<400x64xf32, #tpu.memory_space<vmem>> -> memref<48x64xf32, #tpu.memory_space<vmem>>
      %dma_wait3A_466 = arith.constant 104 : i32
      %dma_wait3A_467 = tpu.memref_slice %arg8[%dma_wait3A_461, %dma_wait3A_466] : memref<32x200xi32, #tpu.memory_space<vmem>> -> memref<1x48xi32, #tpu.memory_space<vmem>>
      %dma_wait3A_468 = tpu.memref_squeeze %dma_wait3A_467 : memref<1x48xi32, #tpu.memory_space<vmem>> -> memref<48xi32, #tpu.memory_space<vmem>>
      %dma_wait3A_469 = arith.constant 0 : i32
      %dma_wait3A_470 = arith.constant 0 : i32
      %dma_wait3A_471 = tpu.memref_slice %arg3[%dma_wait3A_469, %dma_wait3A_470] : memref<1000000x64xf32, #tpu.memory_space<hbm>> -> memref<1000000x64xf32, #tpu.memory_space<hbm>>
      %dma_wait3A_472 = tpu.memref_slice %arg18[%dma_wait3A_462] : memref<8x!tpu.dma_semaphore, #tpu.memory_space<semaphore_mem>> -> memref<1x!tpu.dma_semaphore, #tpu.memory_space<semaphore_mem>>
      %dma_wait3A_473 = tpu.memref_squeeze %dma_wait3A_472 : memref<1x!tpu.dma_semaphore, #tpu.memory_space<semaphore_mem>> -> memref<!tpu.dma_semaphore, #tpu.memory_space<semaphore_mem>>
      tpu.wait_indirect_dma semaphore(%dma_wait3A_473 : memref<!tpu.dma_semaphore, #tpu.memory_space<semaphore_mem>>) src(%dma_wait3A_471 : memref<1000000x64xf32, #tpu.memory_space<hbm>>) dst(%dma_wait3A_465 : memref<48x64xf32, #tpu.memory_space<vmem>>)
      %dma_wait3A_474 = arith.constant 0 : i32
      %dma_wait3A_475 = arith.constant 3 : i32
      %dma_wait3A_476 = arith.constant 152 : i32
      %dma_wait3A_477 = arith.constant 0 : i32
      %dma_wait3A_478 = tpu.memref_slice %arg11[%dma_wait3A_476, %dma_wait3A_477] : memref<400x64xf32, #tpu.memory_space<vmem>> -> memref<48x64xf32, #tpu.memory_space<vmem>>
      %dma_wait3A_479 = arith.constant 152 : i32
      %dma_wait3A_480 = tpu.memref_slice %arg8[%dma_wait3A_474, %dma_wait3A_479] : memref<32x200xi32, #tpu.memory_space<vmem>> -> memref<1x48xi32, #tpu.memory_space<vmem>>
      %dma_wait3A_481 = tpu.memref_squeeze %dma_wait3A_480 : memref<1x48xi32, #tpu.memory_space<vmem>> -> memref<48xi32, #tpu.memory_space<vmem>>
      %dma_wait3A_482 = arith.constant 0 : i32
      %dma_wait3A_483 = arith.constant 0 : i32
      %dma_wait3A_484 = tpu.memref_slice %arg3[%dma_wait3A_482, %dma_wait3A_483] : memref<1000000x64xf32, #tpu.memory_space<hbm>> -> memref<1000000x64xf32, #tpu.memory_space<hbm>>
      %dma_wait3A_485 = tpu.memref_slice %arg18[%dma_wait3A_475] : memref<8x!tpu.dma_semaphore, #tpu.memory_space<semaphore_mem>> -> memref<1x!tpu.dma_semaphore, #tpu.memory_space<semaphore_mem>>
      %dma_wait3A_486 = tpu.memref_squeeze %dma_wait3A_485 : memref<1x!tpu.dma_semaphore, #tpu.memory_space<semaphore_mem>> -> memref<!tpu.dma_semaphore, #tpu.memory_space<semaphore_mem>>
      tpu.wait_indirect_dma semaphore(%dma_wait3A_486 : memref<!tpu.dma_semaphore, #tpu.memory_space<semaphore_mem>>) src(%dma_wait3A_484 : memref<1000000x64xf32, #tpu.memory_space<hbm>>) dst(%dma_wait3A_478 : memref<48x64xf32, #tpu.memory_space<vmem>>)
      %dma_wait3A_487 = arith.constant 1 : i32
      %dma_wait3A_488 = arith.constant 4 : i32
      %dma_wait3A_489 = arith.constant 200 : i32
      %dma_wait3A_490 = arith.constant 0 : i32
      %dma_wait3A_491 = tpu.memref_slice %arg11[%dma_wait3A_489, %dma_wait3A_490] : memref<400x64xf32, #tpu.memory_space<vmem>> -> memref<56x64xf32, #tpu.memory_space<vmem>>
      %dma_wait3A_492 = arith.constant 0 : i32
      %dma_wait3A_493 = tpu.memref_slice %arg8[%dma_wait3A_487, %dma_wait3A_492] : memref<32x200xi32, #tpu.memory_space<vmem>> -> memref<1x56xi32, #tpu.memory_space<vmem>>
      %dma_wait3A_494 = tpu.memref_squeeze %dma_wait3A_493 : memref<1x56xi32, #tpu.memory_space<vmem>> -> memref<56xi32, #tpu.memory_space<vmem>>
      %dma_wait3A_495 = arith.constant 0 : i32
      %dma_wait3A_496 = arith.constant 0 : i32
      %dma_wait3A_497 = tpu.memref_slice %arg3[%dma_wait3A_495, %dma_wait3A_496] : memref<1000000x64xf32, #tpu.memory_space<hbm>> -> memref<1000000x64xf32, #tpu.memory_space<hbm>>
      %dma_wait3A_498 = tpu.memref_slice %arg18[%dma_wait3A_488] : memref<8x!tpu.dma_semaphore, #tpu.memory_space<semaphore_mem>> -> memref<1x!tpu.dma_semaphore, #tpu.memory_space<semaphore_mem>>
      %dma_wait3A_499 = tpu.memref_squeeze %dma_wait3A_498 : memref<1x!tpu.dma_semaphore, #tpu.memory_space<semaphore_mem>> -> memref<!tpu.dma_semaphore, #tpu.memory_space<semaphore_mem>>
      tpu.wait_indirect_dma semaphore(%dma_wait3A_499 : memref<!tpu.dma_semaphore, #tpu.memory_space<semaphore_mem>>) src(%dma_wait3A_497 : memref<1000000x64xf32, #tpu.memory_space<hbm>>) dst(%dma_wait3A_491 : memref<56x64xf32, #tpu.memory_space<vmem>>)
      %dma_wait3A_500 = arith.constant 1 : i32
      %dma_wait3A_501 = arith.constant 5 : i32
      %dma_wait3A_502 = arith.constant 256 : i32
      %dma_wait3A_503 = arith.constant 0 : i32
      %dma_wait3A_504 = tpu.memref_slice %arg11[%dma_wait3A_502, %dma_wait3A_503] : memref<400x64xf32, #tpu.memory_space<vmem>> -> memref<48x64xf32, #tpu.memory_space<vmem>>
      %dma_wait3A_505 = arith.constant 56 : i32
      %dma_wait3A_506 = tpu.memref_slice %arg8[%dma_wait3A_500, %dma_wait3A_505] : memref<32x200xi32, #tpu.memory_space<vmem>> -> memref<1x48xi32, #tpu.memory_space<vmem>>
      %dma_wait3A_507 = tpu.memref_squeeze %dma_wait3A_506 : memref<1x48xi32, #tpu.memory_space<vmem>> -> memref<48xi32, #tpu.memory_space<vmem>>
      %dma_wait3A_508 = arith.constant 0 : i32
      %dma_wait3A_509 = arith.constant 0 : i32
      %dma_wait3A_510 = tpu.memref_slice %arg3[%dma_wait3A_508, %dma_wait3A_509] : memref<1000000x64xf32, #tpu.memory_space<hbm>> -> memref<1000000x64xf32, #tpu.memory_space<hbm>>
      %dma_wait3A_511 = tpu.memref_slice %arg18[%dma_wait3A_501] : memref<8x!tpu.dma_semaphore, #tpu.memory_space<semaphore_mem>> -> memref<1x!tpu.dma_semaphore, #tpu.memory_space<semaphore_mem>>
      %dma_wait3A_512 = tpu.memref_squeeze %dma_wait3A_511 : memref<1x!tpu.dma_semaphore, #tpu.memory_space<semaphore_mem>> -> memref<!tpu.dma_semaphore, #tpu.memory_space<semaphore_mem>>
      tpu.wait_indirect_dma semaphore(%dma_wait3A_512 : memref<!tpu.dma_semaphore, #tpu.memory_space<semaphore_mem>>) src(%dma_wait3A_510 : memref<1000000x64xf32, #tpu.memory_space<hbm>>) dst(%dma_wait3A_504 : memref<48x64xf32, #tpu.memory_space<vmem>>)
      %dma_wait3A_513 = arith.constant 1 : i32
      %dma_wait3A_514 = arith.constant 6 : i32
      %dma_wait3A_515 = arith.constant 304 : i32
      %dma_wait3A_516 = arith.constant 0 : i32
      %dma_wait3A_517 = tpu.memref_slice %arg11[%dma_wait3A_515, %dma_wait3A_516] : memref<400x64xf32, #tpu.memory_space<vmem>> -> memref<48x64xf32, #tpu.memory_space<vmem>>
      %dma_wait3A_518 = arith.constant 104 : i32
      %dma_wait3A_519 = tpu.memref_slice %arg8[%dma_wait3A_513, %dma_wait3A_518] : memref<32x200xi32, #tpu.memory_space<vmem>> -> memref<1x48xi32, #tpu.memory_space<vmem>>
      %dma_wait3A_520 = tpu.memref_squeeze %dma_wait3A_519 : memref<1x48xi32, #tpu.memory_space<vmem>> -> memref<48xi32, #tpu.memory_space<vmem>>
      %dma_wait3A_521 = arith.constant 0 : i32
      %dma_wait3A_522 = arith.constant 0 : i32
      %dma_wait3A_523 = tpu.memref_slice %arg3[%dma_wait3A_521, %dma_wait3A_522] : memref<1000000x64xf32, #tpu.memory_space<hbm>> -> memref<1000000x64xf32, #tpu.memory_space<hbm>>
      %dma_wait3A_524 = tpu.memref_slice %arg18[%dma_wait3A_514] : memref<8x!tpu.dma_semaphore, #tpu.memory_space<semaphore_mem>> -> memref<1x!tpu.dma_semaphore, #tpu.memory_space<semaphore_mem>>
      %dma_wait3A_525 = tpu.memref_squeeze %dma_wait3A_524 : memref<1x!tpu.dma_semaphore, #tpu.memory_space<semaphore_mem>> -> memref<!tpu.dma_semaphore, #tpu.memory_space<semaphore_mem>>
      tpu.wait_indirect_dma semaphore(%dma_wait3A_525 : memref<!tpu.dma_semaphore, #tpu.memory_space<semaphore_mem>>) src(%dma_wait3A_523 : memref<1000000x64xf32, #tpu.memory_space<hbm>>) dst(%dma_wait3A_517 : memref<48x64xf32, #tpu.memory_space<vmem>>)
      %dma_wait3A_526 = arith.constant 1 : i32
      %dma_wait3A_527 = arith.constant 7 : i32
      %dma_wait3A_528 = arith.constant 352 : i32
      %dma_wait3A_529 = arith.constant 0 : i32
      %dma_wait3A_530 = tpu.memref_slice %arg11[%dma_wait3A_528, %dma_wait3A_529] : memref<400x64xf32, #tpu.memory_space<vmem>> -> memref<48x64xf32, #tpu.memory_space<vmem>>
      %dma_wait3A_531 = arith.constant 152 : i32
      %dma_wait3A_532 = tpu.memref_slice %arg8[%dma_wait3A_526, %dma_wait3A_531] : memref<32x200xi32, #tpu.memory_space<vmem>> -> memref<1x48xi32, #tpu.memory_space<vmem>>
      %dma_wait3A_533 = tpu.memref_squeeze %dma_wait3A_532 : memref<1x48xi32, #tpu.memory_space<vmem>> -> memref<48xi32, #tpu.memory_space<vmem>>
      %dma_wait3A_534 = arith.constant 0 : i32
      %dma_wait3A_535 = arith.constant 0 : i32
      %dma_wait3A_536 = tpu.memref_slice %arg3[%dma_wait3A_534, %dma_wait3A_535] : memref<1000000x64xf32, #tpu.memory_space<hbm>> -> memref<1000000x64xf32, #tpu.memory_space<hbm>>
      %dma_wait3A_537 = tpu.memref_slice %arg18[%dma_wait3A_527] : memref<8x!tpu.dma_semaphore, #tpu.memory_space<semaphore_mem>> -> memref<1x!tpu.dma_semaphore, #tpu.memory_space<semaphore_mem>>
      %dma_wait3A_538 = tpu.memref_squeeze %dma_wait3A_537 : memref<1x!tpu.dma_semaphore, #tpu.memory_space<semaphore_mem>> -> memref<!tpu.dma_semaphore, #tpu.memory_space<semaphore_mem>>
      tpu.wait_indirect_dma semaphore(%dma_wait3A_538 : memref<!tpu.dma_semaphore, #tpu.memory_space<semaphore_mem>>) src(%dma_wait3A_536 : memref<1000000x64xf32, #tpu.memory_space<hbm>>) dst(%dma_wait3A_530 : memref<48x64xf32, #tpu.memory_space<vmem>>)
      %parallel_loop3A_539 = arith.constant 0 : i32
      %parallel_loop3A_540 = arith.constant 400 : i32
      %parallel_loop3A_541 = arith.constant 1 : i32
      scf.for %parallel_loop3A_602 = %parallel_loop3A_539 to %parallel_loop3A_540 step %parallel_loop3A_541  : i32 {
        %parallel_loop3A_603 = arith.constant 200 : i32
        %parallel_loop3A_604 = arith.remsi %parallel_loop3A_602, %parallel_loop3A_603 : i32
        %parallel_loop3A_605 = arith.constant 65 : i32
        %parallel_loop3A_606 = arith.muli %parallel_loop3A_602, %parallel_loop3A_605 : i32
        %parallel_loop3A_607 = vector.broadcast %parallel_loop3A_606 : i32 to vector<16xi32>
        %parallel_loop3A_608 = arith.addi %broadcast_in_dim3A_6, %parallel_loop3A_607 : vector<16xi32>
        %parallel_loop3A_609 = arith.index_cast %parallel_loop3A_602 : i32 to index
        %parallel_loop3A_610 = arith.constant 0 : index
        %parallel_loop3A_611 = tpu.vector_load %arg11[%parallel_loop3A_609, %parallel_loop3A_610] {strides = array<i32>} : memref<400x64xf32, #tpu.memory_space<vmem>>, vector<16xf32>,
        %parallel_loop3A_612 = arith.index_cast %parallel_loop3A_604 : i32 to index
        %parallel_loop3A_613 = arith.constant 0 : index
        %parallel_loop3A_614 = tpu.vector_load %arg9[%parallel_loop3A_612, %parallel_loop3A_613] {strides = array<i32>} : memref<200x64xf32, #tpu.memory_space<vmem>>, vector<16xf32>,
        %parallel_loop3A_615 = arith.addi %parallel_loop3A_608, %add3A_9 : vector<16xi32>
        %parallel_loop3A_616 = arith.addf %parallel_loop3A_611, %parallel_loop3A_614 : vector<16xf32>
        tpu.vector_store_idx %arg13[%parallel_loop3A_615], %parallel_loop3A_616 : memref<26000xf32, #tpu.memory_space<vmem>>[vector<16xi32>], vector<16xf32>,
        %parallel_loop3A_617 = arith.index_cast %parallel_loop3A_602 : i32 to index
        %parallel_loop3A_618 = arith.constant 16 : index
        %parallel_loop3A_619 = tpu.vector_load %arg11[%parallel_loop3A_617, %parallel_loop3A_618] {strides = array<i32>} : memref<400x64xf32, #tpu.memory_space<vmem>>, vector<16xf32>,
        %parallel_loop3A_620 = arith.index_cast %parallel_loop3A_604 : i32 to index
        %parallel_loop3A_621 = arith.constant 16 : index
        %parallel_loop3A_622 = tpu.vector_load %arg9[%parallel_loop3A_620, %parallel_loop3A_621] {strides = array<i32>} : memref<200x64xf32, #tpu.memory_space<vmem>>, vector<16xf32>,
        %parallel_loop3A_623 = arith.addi %parallel_loop3A_608, %add3A_12 : vector<16xi32>
        %parallel_loop3A_624 = arith.addf %parallel_loop3A_619, %parallel_loop3A_622 : vector<16xf32>
        tpu.vector_store_idx %arg13[%parallel_loop3A_623], %parallel_loop3A_624 : memref<26000xf32, #tpu.memory_space<vmem>>[vector<16xi32>], vector<16xf32>,
        %parallel_loop3A_625 = arith.index_cast %parallel_loop3A_602 : i32 to index
        %parallel_loop3A_626 = arith.constant 32 : index
        %parallel_loop3A_627 = tpu.vector_load %arg11[%parallel_loop3A_625, %parallel_loop3A_626] {strides = array<i32>} : memref<400x64xf32, #tpu.memory_space<vmem>>, vector<16xf32>,
        %parallel_loop3A_628 = arith.index_cast %parallel_loop3A_604 : i32 to index
        %parallel_loop3A_629 = arith.constant 32 : index
        %parallel_loop3A_630 = tpu.vector_load %arg9[%parallel_loop3A_628, %parallel_loop3A_629] {strides = array<i32>} : memref<200x64xf32, #tpu.memory_space<vmem>>, vector<16xf32>,
        %parallel_loop3A_631 = arith.addi %parallel_loop3A_608, %add3A_15 : vector<16xi32>
        %parallel_loop3A_632 = arith.addf %parallel_loop3A_627, %parallel_loop3A_630 : vector<16xf32>
        tpu.vector_store_idx %arg13[%parallel_loop3A_631], %parallel_loop3A_632 : memref<26000xf32, #tpu.memory_space<vmem>>[vector<16xi32>], vector<16xf32>,
        %parallel_loop3A_633 = arith.index_cast %parallel_loop3A_602 : i32 to index
        %parallel_loop3A_634 = arith.constant 48 : index
        %parallel_loop3A_635 = tpu.vector_load %arg11[%parallel_loop3A_633, %parallel_loop3A_634] {strides = array<i32>} : memref<400x64xf32, #tpu.memory_space<vmem>>, vector<16xf32>,
        %parallel_loop3A_636 = arith.index_cast %parallel_loop3A_604 : i32 to index
        %parallel_loop3A_637 = arith.constant 48 : index
        %parallel_loop3A_638 = tpu.vector_load %arg9[%parallel_loop3A_636, %parallel_loop3A_637] {strides = array<i32>} : memref<200x64xf32, #tpu.memory_space<vmem>>, vector<16xf32>,
        %parallel_loop3A_639 = arith.addi %parallel_loop3A_608, %add3A_18 : vector<16xi32>
        %parallel_loop3A_640 = arith.addf %parallel_loop3A_635, %parallel_loop3A_638 : vector<16xf32>
        tpu.vector_store_idx %arg13[%parallel_loop3A_639], %parallel_loop3A_640 : memref<26000xf32, #tpu.memory_space<vmem>>[vector<16xi32>], vector<16xf32>,
      } {sc.loop_unroll_factor = 4 : i64, sc.parallel_access}
      %add3A_542 = arith.constant 2 : i32
      %add3A_543 = arith.addi %add3A_434, %add3A_542 : i32
      %lt3A_544 = arith.constant 16 : i32
      %lt3A_545 = arith.cmpi slt, %add3A_543, %lt3A_544 : i32
      %convert_element_type3A_546 = arith.extui %lt3A_545 : i1 to i32
      %cond3A_547 = arith.constant 0 : i32
      %cond3A_548 = arith.cmpi ne, %convert_element_type3A_546, %cond3A_547 : i32
      scf.if %cond3A_548 {
        %add3A_602 = arith.constant 2 : i32
        %add3A_603 = arith.addi %add3A_434, %add3A_602 : i32
        %mul3A_604 = arith.constant 2 : i32
        %mul3A_605 = arith.muli %add3A_603, %mul3A_604 : i32
        %add3A_606 = arith.constant 0 : i32
        %add3A_607 = arith.addi %mul3A_605, %add3A_606 : i32
        %dma_start3A_608 = arith.constant 0 : i32
        %dma_start3A_609 = arith.constant 0 : i32
        %dma_start3A_610 = arith.constant 0 : i32
        %dma_start3A_611 = tpu.memref_slice %arg11[%dma_start3A_609, %dma_start3A_610] : memref<400x64xf32, #tpu.memory_space<vmem>> -> memref<56x64xf32, #tpu.memory_space<vmem>>
        %dma_start3A_612 = arith.constant 0 : i32
        %dma_start3A_613 = tpu.memref_slice %arg8[%add3A_607, %dma_start3A_612] : memref<32x200xi32, #tpu.memory_space<vmem>> -> memref<1x56xi32, #tpu.memory_space<vmem>>
        %dma_start3A_614 = tpu.memref_squeeze %dma_start3A_613 : memref<1x56xi32, #tpu.memory_space<vmem>> -> memref<56xi32, #tpu.memory_space<vmem>>
        %dma_start3A_615 = arith.constant 0 : i32
        %dma_start3A_616 = arith.constant 0 : i32
        %dma_start3A_617 = tpu.memref_slice %arg3[%dma_start3A_615, %dma_start3A_616] : memref<1000000x64xf32, #tpu.memory_space<hbm>> -> memref<1000000x64xf32, #tpu.memory_space<hbm>>
        %dma_start3A_618 = tpu.memref_slice %arg18[%dma_start3A_608] : memref<8x!tpu.dma_semaphore, #tpu.memory_space<semaphore_mem>> -> memref<1x!tpu.dma_semaphore, #tpu.memory_space<semaphore_mem>>
        %dma_start3A_619 = tpu.memref_squeeze %dma_start3A_618 : memref<1x!tpu.dma_semaphore, #tpu.memory_space<semaphore_mem>> -> memref<!tpu.dma_semaphore, #tpu.memory_space<semaphore_mem>>
        tpu.enqueue_indirect_dma source(%dma_start3A_617 : memref<1000000x64xf32, #tpu.memory_space<hbm>>) target(%dma_start3A_611 : memref<56x64xf32, #tpu.memory_space<vmem>>) offsets(%dma_start3A_614 : memref<56xi32, #tpu.memory_space<vmem>>) semaphore(%dma_start3A_619 : memref<!tpu.dma_semaphore, #tpu.memory_space<semaphore_mem>>)
        %mul3A_620 = arith.constant 2 : i32
        %mul3A_621 = arith.muli %add3A_603, %mul3A_620 : i32
        %add3A_622 = arith.constant 0 : i32
        %add3A_623 = arith.addi %mul3A_621, %add3A_622 : i32
        %dma_start3A_624 = arith.constant 1 : i32
        %dma_start3A_625 = arith.constant 56 : i32
        %dma_start3A_626 = arith.constant 0 : i32
        %dma_start3A_627 = tpu.memref_slice %arg11[%dma_start3A_625, %dma_start3A_626] : memref<400x64xf32, #tpu.memory_space<vmem>> -> memref<48x64xf32, #tpu.memory_space<vmem>>
        %dma_start3A_628 = arith.constant 56 : i32
        %dma_start3A_629 = tpu.memref_slice %arg8[%add3A_623, %dma_start3A_628] : memref<32x200xi32, #tpu.memory_space<vmem>> -> memref<1x48xi32, #tpu.memory_space<vmem>>
        %dma_start3A_630 = tpu.memref_squeeze %dma_start3A_629 : memref<1x48xi32, #tpu.memory_space<vmem>> -> memref<48xi32, #tpu.memory_space<vmem>>
        %dma_start3A_631 = arith.constant 0 : i32
        %dma_start3A_632 = arith.constant 0 : i32
        %dma_start3A_633 = tpu.memref_slice %arg3[%dma_start3A_631, %dma_start3A_632] : memref<1000000x64xf32, #tpu.memory_space<hbm>> -> memref<1000000x64xf32, #tpu.memory_space<hbm>>
        %dma_start3A_634 = tpu.memref_slice %arg18[%dma_start3A_624] : memref<8x!tpu.dma_semaphore, #tpu.memory_space<semaphore_mem>> -> memref<1x!tpu.dma_semaphore, #tpu.memory_space<semaphore_mem>>
        %dma_start3A_635 = tpu.memref_squeeze %dma_start3A_634 : memref<1x!tpu.dma_semaphore, #tpu.memory_space<semaphore_mem>> -> memref<!tpu.dma_semaphore, #tpu.memory_space<semaphore_mem>>
        tpu.enqueue_indirect_dma source(%dma_start3A_633 : memref<1000000x64xf32, #tpu.memory_space<hbm>>) target(%dma_start3A_627 : memref<48x64xf32, #tpu.memory_space<vmem>>) offsets(%dma_start3A_630 : memref<48xi32, #tpu.memory_space<vmem>>) semaphore(%dma_start3A_635 : memref<!tpu.dma_semaphore, #tpu.memory_space<semaphore_mem>>)
        %mul3A_636 = arith.constant 2 : i32
        %mul3A_637 = arith.muli %add3A_603, %mul3A_636 : i32
        %add3A_638 = arith.constant 0 : i32
        %add3A_639 = arith.addi %mul3A_637, %add3A_638 : i32
        %dma_start3A_640 = arith.constant 2 : i32
        %dma_start3A_641 = arith.constant 104 : i32
        %dma_start3A_642 = arith.constant 0 : i32
        %dma_start3A_643 = tpu.memref_slice %arg11[%dma_start3A_641, %dma_start3A_642] : memref<400x64xf32, #tpu.memory_space<vmem>> -> memref<48x64xf32, #tpu.memory_space<vmem>>
        %dma_start3A_644 = arith.constant 104 : i32
        %dma_start3A_645 = tpu.memref_slice %arg8[%add3A_639, %dma_start3A_644] : memref<32x200xi32, #tpu.memory_space<vmem>> -> memref<1x48xi32, #tpu.memory_space<vmem>>
        %dma_start3A_646 = tpu.memref_squeeze %dma_start3A_645 : memref<1x48xi32, #tpu.memory_space<vmem>> -> memref<48xi32, #tpu.memory_space<vmem>>
        %dma_start3A_647 = arith.constant 0 : i32
        %dma_start3A_648 = arith.constant 0 : i32
        %dma_start3A_649 = tpu.memref_slice %arg3[%dma_start3A_647, %dma_start3A_648] : memref<1000000x64xf32, #tpu.memory_space<hbm>> -> memref<1000000x64xf32, #tpu.memory_space<hbm>>
        %dma_start3A_650 = tpu.memref_slice %arg18[%dma_start3A_640] : memref<8x!tpu.dma_semaphore, #tpu.memory_space<semaphore_mem>> -> memref<1x!tpu.dma_semaphore, #tpu.memory_space<semaphore_mem>>
        %dma_start3A_651 = tpu.memref_squeeze %dma_start3A_650 : memref<1x!tpu.dma_semaphore, #tpu.memory_space<semaphore_mem>> -> memref<!tpu.dma_semaphore, #tpu.memory_space<semaphore_mem>>
        tpu.enqueue_indirect_dma source(%dma_start3A_649 : memref<1000000x64xf32, #tpu.memory_space<hbm>>) target(%dma_start3A_643 : memref<48x64xf32, #tpu.memory_space<vmem>>) offsets(%dma_start3A_646 : memref<48xi32, #tpu.memory_space<vmem>>) semaphore(%dma_start3A_651 : memref<!tpu.dma_semaphore, #tpu.memory_space<semaphore_mem>>)
        %mul3A_652 = arith.constant 2 : i32
        %mul3A_653 = arith.muli %add3A_603, %mul3A_652 : i32
        %add3A_654 = arith.constant 0 : i32
        %add3A_655 = arith.addi %mul3A_653, %add3A_654 : i32
        %dma_start3A_656 = arith.constant 3 : i32
        %dma_start3A_657 = arith.constant 152 : i32
        %dma_start3A_658 = arith.constant 0 : i32
        %dma_start3A_659 = tpu.memref_slice %arg11[%dma_start3A_657, %dma_start3A_658] : memref<400x64xf32, #tpu.memory_space<vmem>> -> memref<48x64xf32, #tpu.memory_space<vmem>>
        %dma_start3A_660 = arith.constant 152 : i32
        %dma_start3A_661 = tpu.memref_slice %arg8[%add3A_655, %dma_start3A_660] : memref<32x200xi32, #tpu.memory_space<vmem>> -> memref<1x48xi32, #tpu.memory_space<vmem>>
        %dma_start3A_662 = tpu.memref_squeeze %dma_start3A_661 : memref<1x48xi32, #tpu.memory_space<vmem>> -> memref<48xi32, #tpu.memory_space<vmem>>
        %dma_start3A_663 = arith.constant 0 : i32
        %dma_start3A_664 = arith.constant 0 : i32
        %dma_start3A_665 = tpu.memref_slice %arg3[%dma_start3A_663, %dma_start3A_664] : memref<1000000x64xf32, #tpu.memory_space<hbm>> -> memref<1000000x64xf32, #tpu.memory_space<hbm>>
        %dma_start3A_666 = tpu.memref_slice %arg18[%dma_start3A_656] : memref<8x!tpu.dma_semaphore, #tpu.memory_space<semaphore_mem>> -> memref<1x!tpu.dma_semaphore, #tpu.memory_space<semaphore_mem>>
        %dma_start3A_667 = tpu.memref_squeeze %dma_start3A_666 : memref<1x!tpu.dma_semaphore, #tpu.memory_space<semaphore_mem>> -> memref<!tpu.dma_semaphore, #tpu.memory_space<semaphore_mem>>
        tpu.enqueue_indirect_dma source(%dma_start3A_665 : memref<1000000x64xf32, #tpu.memory_space<hbm>>) target(%dma_start3A_659 : memref<48x64xf32, #tpu.memory_space<vmem>>) offsets(%dma_start3A_662 : memref<48xi32, #tpu.memory_space<vmem>>) semaphore(%dma_start3A_667 : memref<!tpu.dma_semaphore, #tpu.memory_space<semaphore_mem>>)
        %mul3A_668 = arith.constant 2 : i32
        %mul3A_669 = arith.muli %add3A_603, %mul3A_668 : i32
        %add3A_670 = arith.constant 1 : i32
        %add3A_671 = arith.addi %mul3A_669, %add3A_670 : i32
        %dma_start3A_672 = arith.constant 4 : i32
        %dma_start3A_673 = arith.constant 200 : i32
        %dma_start3A_674 = arith.constant 0 : i32
        %dma_start3A_675 = tpu.memref_slice %arg11[%dma_start3A_673, %dma_start3A_674] : memref<400x64xf32, #tpu.memory_space<vmem>> -> memref<56x64xf32, #tpu.memory_space<vmem>>
        %dma_start3A_676 = arith.constant 0 : i32
        %dma_start3A_677 = tpu.memref_slice %arg8[%add3A_671, %dma_start3A_676] : memref<32x200xi32, #tpu.memory_space<vmem>> -> memref<1x56xi32, #tpu.memory_space<vmem>>
        %dma_start3A_678 = tpu.memref_squeeze %dma_start3A_677 : memref<1x56xi32, #tpu.memory_space<vmem>> -> memref<56xi32, #tpu.memory_space<vmem>>
        %dma_start3A_679 = arith.constant 0 : i32
        %dma_start3A_680 = arith.constant 0 : i32
        %dma_start3A_681 = tpu.memref_slice %arg3[%dma_start3A_679, %dma_start3A_680] : memref<1000000x64xf32, #tpu.memory_space<hbm>> -> memref<1000000x64xf32, #tpu.memory_space<hbm>>
        %dma_start3A_682 = tpu.memref_slice %arg18[%dma_start3A_672] : memref<8x!tpu.dma_semaphore, #tpu.memory_space<semaphore_mem>> -> memref<1x!tpu.dma_semaphore, #tpu.memory_space<semaphore_mem>>
        %dma_start3A_683 = tpu.memref_squeeze %dma_start3A_682 : memref<1x!tpu.dma_semaphore, #tpu.memory_space<semaphore_mem>> -> memref<!tpu.dma_semaphore, #tpu.memory_space<semaphore_mem>>
        tpu.enqueue_indirect_dma source(%dma_start3A_681 : memref<1000000x64xf32, #tpu.memory_space<hbm>>) target(%dma_start3A_675 : memref<56x64xf32, #tpu.memory_space<vmem>>) offsets(%dma_start3A_678 : memref<56xi32, #tpu.memory_space<vmem>>) semaphore(%dma_start3A_683 : memref<!tpu.dma_semaphore, #tpu.memory_space<semaphore_mem>>)
        %mul3A_684 = arith.constant 2 : i32
        %mul3A_685 = arith.muli %add3A_603, %mul3A_684 : i32
        %add3A_686 = arith.constant 1 : i32
        %add3A_687 = arith.addi %mul3A_685, %add3A_686 : i32
        %dma_start3A_688 = arith.constant 5 : i32
        %dma_start3A_689 = arith.constant 256 : i32
        %dma_start3A_690 = arith.constant 0 : i32
        %dma_start3A_691 = tpu.memref_slice %arg11[%dma_start3A_689, %dma_start3A_690] : memref<400x64xf32, #tpu.memory_space<vmem>> -> memref<48x64xf32, #tpu.memory_space<vmem>>
        %dma_start3A_692 = arith.constant 56 : i32
        %dma_start3A_693 = tpu.memref_slice %arg8[%add3A_687, %dma_start3A_692] : memref<32x200xi32, #tpu.memory_space<vmem>> -> memref<1x48xi32, #tpu.memory_space<vmem>>
        %dma_start3A_694 = tpu.memref_squeeze %dma_start3A_693 : memref<1x48xi32, #tpu.memory_space<vmem>> -> memref<48xi32, #tpu.memory_space<vmem>>
        %dma_start3A_695 = arith.constant 0 : i32
        %dma_start3A_696 = arith.constant 0 : i32
        %dma_start3A_697 = tpu.memref_slice %arg3[%dma_start3A_695, %dma_start3A_696] : memref<1000000x64xf32, #tpu.memory_space<hbm>> -> memref<1000000x64xf32, #tpu.memory_space<hbm>>
        %dma_start3A_698 = tpu.memref_slice %arg18[%dma_start3A_688] : memref<8x!tpu.dma_semaphore, #tpu.memory_space<semaphore_mem>> -> memref<1x!tpu.dma_semaphore, #tpu.memory_space<semaphore_mem>>
        %dma_start3A_699 = tpu.memref_squeeze %dma_start3A_698 : memref<1x!tpu.dma_semaphore, #tpu.memory_space<semaphore_mem>> -> memref<!tpu.dma_semaphore, #tpu.memory_space<semaphore_mem>>
        tpu.enqueue_indirect_dma source(%dma_start3A_697 : memref<1000000x64xf32, #tpu.memory_space<hbm>>) target(%dma_start3A_691 : memref<48x64xf32, #tpu.memory_space<vmem>>) offsets(%dma_start3A_694 : memref<48xi32, #tpu.memory_space<vmem>>) semaphore(%dma_start3A_699 : memref<!tpu.dma_semaphore, #tpu.memory_space<semaphore_mem>>)
        %mul3A_700 = arith.constant 2 : i32
        %mul3A_701 = arith.muli %add3A_603, %mul3A_700 : i32
        %add3A_702 = arith.constant 1 : i32
        %add3A_703 = arith.addi %mul3A_701, %add3A_702 : i32
        %dma_start3A_704 = arith.constant 6 : i32
        %dma_start3A_705 = arith.constant 304 : i32
        %dma_start3A_706 = arith.constant 0 : i32
        %dma_start3A_707 = tpu.memref_slice %arg11[%dma_start3A_705, %dma_start3A_706] : memref<400x64xf32, #tpu.memory_space<vmem>> -> memref<48x64xf32, #tpu.memory_space<vmem>>
        %dma_start3A_708 = arith.constant 104 : i32
        %dma_start3A_709 = tpu.memref_slice %arg8[%add3A_703, %dma_start3A_708] : memref<32x200xi32, #tpu.memory_space<vmem>> -> memref<1x48xi32, #tpu.memory_space<vmem>>
        %dma_start3A_710 = tpu.memref_squeeze %dma_start3A_709 : memref<1x48xi32, #tpu.memory_space<vmem>> -> memref<48xi32, #tpu.memory_space<vmem>>
        %dma_start3A_711 = arith.constant 0 : i32
        %dma_start3A_712 = arith.constant 0 : i32
        %dma_start3A_713 = tpu.memref_slice %arg3[%dma_start3A_711, %dma_start3A_712] : memref<1000000x64xf32, #tpu.memory_space<hbm>> -> memref<1000000x64xf32, #tpu.memory_space<hbm>>
        %dma_start3A_714 = tpu.memref_slice %arg18[%dma_start3A_704] : memref<8x!tpu.dma_semaphore, #tpu.memory_space<semaphore_mem>> -> memref<1x!tpu.dma_semaphore, #tpu.memory_space<semaphore_mem>>
        %dma_start3A_715 = tpu.memref_squeeze %dma_start3A_714 : memref<1x!tpu.dma_semaphore, #tpu.memory_space<semaphore_mem>> -> memref<!tpu.dma_semaphore, #tpu.memory_space<semaphore_mem>>
        tpu.enqueue_indirect_dma source(%dma_start3A_713 : memref<1000000x64xf32, #tpu.memory_space<hbm>>) target(%dma_start3A_707 : memref<48x64xf32, #tpu.memory_space<vmem>>) offsets(%dma_start3A_710 : memref<48xi32, #tpu.memory_space<vmem>>) semaphore(%dma_start3A_715 : memref<!tpu.dma_semaphore, #tpu.memory_space<semaphore_mem>>)
        %mul3A_716 = arith.constant 2 : i32
        %mul3A_717 = arith.muli %add3A_603, %mul3A_716 : i32
        %add3A_718 = arith.constant 1 : i32
        %add3A_719 = arith.addi %mul3A_717, %add3A_718 : i32
        %dma_start3A_720 = arith.constant 7 : i32
        %dma_start3A_721 = arith.constant 352 : i32
        %dma_start3A_722 = arith.constant 0 : i32
        %dma_start3A_723 = tpu.memref_slice %arg11[%dma_start3A_721, %dma_start3A_722] : memref<400x64xf32, #tpu.memory_space<vmem>> -> memref<48x64xf32, #tpu.memory_space<vmem>>
        %dma_start3A_724 = arith.constant 152 : i32
        %dma_start3A_725 = tpu.memref_slice %arg8[%add3A_719, %dma_start3A_724] : memref<32x200xi32, #tpu.memory_space<vmem>> -> memref<1x48xi32, #tpu.memory_space<vmem>>
        %dma_start3A_726 = tpu.memref_squeeze %dma_start3A_725 : memref<1x48xi32, #tpu.memory_space<vmem>> -> memref<48xi32, #tpu.memory_space<vmem>>
        %dma_start3A_727 = arith.constant 0 : i32
        %dma_start3A_728 = arith.constant 0 : i32
        %dma_start3A_729 = tpu.memref_slice %arg3[%dma_start3A_727, %dma_start3A_728] : memref<1000000x64xf32, #tpu.memory_space<hbm>> -> memref<1000000x64xf32, #tpu.memory_space<hbm>>
        %dma_start3A_730 = tpu.memref_slice %arg18[%dma_start3A_720] : memref<8x!tpu.dma_semaphore, #tpu.memory_space<semaphore_mem>> -> memref<1x!tpu.dma_semaphore, #tpu.memory_space<semaphore_mem>>
        %dma_start3A_731 = tpu.memref_squeeze %dma_start3A_730 : memref<1x!tpu.dma_semaphore, #tpu.memory_space<semaphore_mem>> -> memref<!tpu.dma_semaphore, #tpu.memory_space<semaphore_mem>>
        tpu.enqueue_indirect_dma source(%dma_start3A_729 : memref<1000000x64xf32, #tpu.memory_space<hbm>>) target(%dma_start3A_723 : memref<48x64xf32, #tpu.memory_space<vmem>>) offsets(%dma_start3A_726 : memref<48xi32, #tpu.memory_space<vmem>>) semaphore(%dma_start3A_731 : memref<!tpu.dma_semaphore, #tpu.memory_space<semaphore_mem>>)
      } else {
      }
      %scan3A_549 = arith.constant 0 : i32
      %scan3A_550 = arith.constant 0 : i32
      %scan3A_551 = arith.constant 25 : i32
      %scan3A_552 = arith.addi %scan3A_550, %scan3A_551 : i32
      %scan3A_553 = arith.constant 1 : i32
      scf.for %scan3A_602 = %scan3A_550 to %scan3A_552 step %scan3A_553  : i32 {
        %mul3A_603 = arith.constant 16 : i32
        %mul3A_604 = arith.muli %scan3A_602, %mul3A_603 : i32
        %add3A_605 = vector.broadcast %mul3A_604 : i32 to vector<16xi32>
        %add3A_606 = arith.addi %add3A_605, %iota3A : vector<16xi32>
        %mul3A_607 = arith.constant 65 : i32
        %mul3A_608 = vector.broadcast %mul3A_607 : i32 to vector<16xi32>
        %mul3A_609 = arith.muli %add3A_606, %mul3A_608 : vector<16xi32>
        %parallel_loop3A_610 = arith.constant 0 : i32
        %parallel_loop3A_611 = arith.constant 64 : i32
        %parallel_loop3A_612 = arith.constant 1 : i32
        %parallel_loop3A_613:2 = scf.for %parallel_loop3A_654 = %parallel_loop3A_610 to %parallel_loop3A_611 step %parallel_loop3A_612 iter_args(%parallel_loop3A_655 = %broadcast_in_dim3A_4, %parallel_loop3A_656 = %broadcast_in_dim3A_4) -> (vector<16xf32>, vector<16xf32>)  : i32 {
          %parallel_loop3A_657 = vector.broadcast %parallel_loop3A_654 : i32 to vector<16xi32>
          %parallel_loop3A_658 = arith.addi %mul3A_609, %parallel_loop3A_657 : vector<16xi32>
          %parallel_loop3A_659 = tpu.vector_load_idx %arg13[%parallel_loop3A_658] : memref<26000xf32, #tpu.memory_space<vmem>>[vector<16xi32>], vector<16xf32>,
          %parallel_loop3A_660 = arith.addf %parallel_loop3A_655, %parallel_loop3A_659 : vector<16xf32>
          %parallel_loop3A_661 = arith.mulf %parallel_loop3A_659, %parallel_loop3A_659 : vector<16xf32>
          %parallel_loop3A_662 = arith.addf %parallel_loop3A_656, %parallel_loop3A_661 : vector<16xf32>
          scf.yield %parallel_loop3A_660, %parallel_loop3A_662 : vector<16xf32>, vector<16xf32>
        } {sc.loop_unroll_factor = 8 : i64, sc.parallel_access}
        %mul3A_614 = arith.constant 1.562500e-02 : f32
        %mul3A_615 = vector.broadcast %mul3A_614 : f32 to vector<16xf32>
        %mul3A_616 = arith.mulf %parallel_loop3A_613#0, %mul3A_615 : vector<16xf32>
        %mul3A_617 = arith.constant 1.562500e-02 : f32
        %mul3A_618 = vector.broadcast %mul3A_617 : f32 to vector<16xf32>
        %mul3A_619 = arith.mulf %parallel_loop3A_613#1, %mul3A_618 : vector<16xf32>
        %mul3A_620 = arith.mulf %mul3A_616, %mul3A_616 : vector<16xf32>
        %sub3A = arith.subf %mul3A_619, %mul3A_620 : vector<16xf32>
        %add3A_621 = arith.constant 9.99999974E-6 : f32
        %add3A_622 = vector.broadcast %add3A_621 : f32 to vector<16xf32>
        %add3A_623 = arith.addf %sub3A, %add3A_622 : vector<16xf32>
        %bitcast3A = vector.bitcast %add3A_623 : vector<16xf32> to vector<16xi32>
        %shift_right_logical3A = arith.constant 1 : i32
        %shift_right_logical3A_624 = vector.broadcast %shift_right_logical3A : i32 to vector<16xi32>
        %shift_right_logical3A_625 = arith.shrui %bitcast3A, %shift_right_logical3A_624 : vector<16xi32>
        %sub3A_626 = arith.constant 1597463007 : i32
        %sub3A_627 = vector.broadcast %sub3A_626 : i32 to vector<16xi32>
        %sub3A_628 = arith.subi %sub3A_627, %shift_right_logical3A_625 : vector<16xi32>
        %bitcast3A_629 = vector.bitcast %sub3A_628 : vector<16xi32> to vector<16xf32>
        %mul3A_630 = arith.constant 5.000000e-01 : f32
        %mul3A_631 = vector.broadcast %mul3A_630 : f32 to vector<16xf32>
        %mul3A_632 = arith.mulf %add3A_623, %mul3A_631 : vector<16xf32>
        %mul3A_633 = arith.mulf %mul3A_632, %bitcast3A_629 : vector<16xf32>
        %mul3A_634 = arith.mulf %mul3A_633, %bitcast3A_629 : vector<16xf32>
        %sub3A_635 = arith.constant 1.500000e+00 : f32
        %sub3A_636 = vector.broadcast %sub3A_635 : f32 to vector<16xf32>
        %sub3A_637 = arith.subf %sub3A_636, %mul3A_634 : vector<16xf32>
        %mul3A_638 = arith.mulf %bitcast3A_629, %sub3A_637 : vector<16xf32>
        %mul3A_639 = arith.mulf %mul3A_632, %mul3A_638 : vector<16xf32>
        %mul3A_640 = arith.mulf %mul3A_639, %mul3A_638 : vector<16xf32>
        %sub3A_641 = arith.constant 1.500000e+00 : f32
        %sub3A_642 = vector.broadcast %sub3A_641 : f32 to vector<16xf32>
        %sub3A_643 = arith.subf %sub3A_642, %mul3A_640 : vector<16xf32>
        %mul3A_644 = arith.mulf %mul3A_638, %sub3A_643 : vector<16xf32>
        %mul3A_645 = arith.mulf %mul3A_632, %mul3A_644 : vector<16xf32>
        %mul3A_646 = arith.mulf %mul3A_645, %mul3A_644 : vector<16xf32>
        %sub3A_647 = arith.constant 1.500000e+00 : f32
        %sub3A_648 = vector.broadcast %sub3A_647 : f32 to vector<16xf32>
        %sub3A_649 = arith.subf %sub3A_648, %mul3A_646 : vector<16xf32>
        %mul3A_650 = arith.mulf %mul3A_644, %sub3A_649 : vector<16xf32>
        %parallel_loop3A_651 = arith.constant 0 : i32
        %parallel_loop3A_652 = arith.constant 64 : i32
        %parallel_loop3A_653 = arith.constant 1 : i32
        scf.for %parallel_loop3A_654 = %parallel_loop3A_651 to %parallel_loop3A_652 step %parallel_loop3A_653  : i32 {
          %parallel_loop3A_655 = vector.broadcast %parallel_loop3A_654 : i32 to vector<16xi32>
          %parallel_loop3A_656 = arith.addi %mul3A_609, %parallel_loop3A_655 : vector<16xi32>
          %parallel_loop3A_657 = tpu.vector_load_idx %arg13[%parallel_loop3A_656] : memref<26000xf32, #tpu.memory_space<vmem>>[vector<16xi32>], vector<16xf32>,
          %parallel_loop3A_658 = arith.index_cast %parallel_loop3A_654 : i32 to index
          %parallel_loop3A_659 = arith.constant 0 : index
          %parallel_loop3A_660 = tpu.vector_load %arg15[%parallel_loop3A_658, %parallel_loop3A_659] {strides = array<i32>} : memref<64x16xf32, #tpu.memory_space<vmem>>, vector<16xf32>,
          %parallel_loop3A_661 = arith.mulf %mul3A_650, %parallel_loop3A_660 : vector<16xf32>
          %parallel_loop3A_662 = arith.index_cast %parallel_loop3A_654 : i32 to index
          %parallel_loop3A_663 = arith.constant 0 : index
          %parallel_loop3A_664 = tpu.vector_load %arg16[%parallel_loop3A_662, %parallel_loop3A_663] {strides = array<i32>} : memref<64x16xf32, #tpu.memory_space<vmem>>, vector<16xf32>,
          %parallel_loop3A_665 = arith.mulf %mul3A_616, %parallel_loop3A_661 : vector<16xf32>
          %parallel_loop3A_666 = arith.subf %parallel_loop3A_664, %parallel_loop3A_665 : vector<16xf32>
          %parallel_loop3A_667 = arith.mulf %parallel_loop3A_657, %parallel_loop3A_661 : vector<16xf32>
          %parallel_loop3A_668 = arith.addf %parallel_loop3A_667, %parallel_loop3A_666 : vector<16xf32>
          tpu.vector_store_idx %arg13[%parallel_loop3A_656], %parallel_loop3A_668 : memref<26000xf32, #tpu.memory_space<vmem>>[vector<16xi32>], vector<16xf32>,
        } {sc.loop_unroll_factor = 8 : i64, sc.parallel_access}
      }
      %scan3A_554 = arith.constant 25 : i32
      %not3A_555 = arith.constant false
      %not3A_556 = arith.constant true
      %not3A_557 = arith.xori %not3A_555, %not3A_556 : i1
      %convert_element_type3A_558 = arith.extui %not3A_557 : i1 to i32
      %cond3A_559 = arith.constant 0 : i32
      %cond3A_560 = arith.cmpi ne, %convert_element_type3A_558, %cond3A_559 : i32
      scf.if %cond3A_560 {
        %add3A_602 = arith.constant 0 : i32
        %add3A_603 = arith.addi %mul3A_2, %add3A_602 : i32
        %dma_wait3A_604 = arith.constant 0 : i32
        %dma_wait3A_605 = arith.constant 0 : i32
        %dma_wait3A_606 = tpu.memref_slice %arg12[%dma_wait3A_604, %dma_wait3A_605] : memref<400x64xf32, #tpu.memory_space<vmem>> -> memref<200x64xf32, #tpu.memory_space<vmem>>
        %dma_wait3A_607 = arith.constant 0 : i32
        %dma_wait3A_608 = arith.constant 0 : i32
        %dma_wait3A_609 = tpu.memref_slice %arg7[%add3A_603, %dma_wait3A_607, %dma_wait3A_608] : memref<1024x200x64xf32, #tpu.memory_space<hbm>> -> memref<1x200x64xf32, #tpu.memory_space<hbm>>
        %dma_wait3A_610 = tpu.memref_squeeze %dma_wait3A_609 : memref<1x200x64xf32, #tpu.memory_space<hbm>> -> memref<200x64xf32, #tpu.memory_space<hbm>>
        %dma_wait3A_611 = arith.constant 0 : i32
        %dma_wait3A_612 = arith.constant 0 : i32
        %dma_wait3A_613 = tpu.memref_slice %arg7[%add3A_603, %dma_wait3A_611, %dma_wait3A_612] : memref<1024x200x64xf32, #tpu.memory_space<hbm>> -> memref<1x200x64xf32, #tpu.memory_space<hbm>>
        %dma_wait3A_614 = tpu.memref_squeeze %dma_wait3A_613 : memref<1x200x64xf32, #tpu.memory_space<hbm>> -> memref<200x64xf32, #tpu.memory_space<hbm>>
        %dma_wait3A_615 = arith.constant 0 : i32
        %dma_wait3A_616 = arith.constant 0 : i32
        %dma_wait3A_617 = tpu.memref_slice %arg12[%dma_wait3A_615, %dma_wait3A_616] : memref<400x64xf32, #tpu.memory_space<vmem>> -> memref<200x64xf32, #tpu.memory_space<vmem>>
        tpu.wait_dma2 semaphore(%arg19 : memref<!tpu.dma_semaphore, #tpu.memory_space<semaphore_mem>>) src(%dma_wait3A_617 : memref<200x64xf32, #tpu.memory_space<vmem>>) dst(%dma_wait3A_614 : memref<200x64xf32, #tpu.memory_space<hbm>>)
        %add3A_618 = arith.constant 1 : i32
        %add3A_619 = arith.addi %mul3A_2, %add3A_618 : i32
        %dma_wait3A_620 = arith.constant 200 : i32
        %dma_wait3A_621 = arith.constant 0 : i32
        %dma_wait3A_622 = tpu.memref_slice %arg12[%dma_wait3A_620, %dma_wait3A_621] : memref<400x64xf32, #tpu.memory_space<vmem>> -> memref<200x64xf32, #tpu.memory_space<vmem>>
        %dma_wait3A_623 = arith.constant 0 : i32
        %dma_wait3A_624 = arith.constant 0 : i32
        %dma_wait3A_625 = tpu.memref_slice %arg7[%add3A_619, %dma_wait3A_623, %dma_wait3A_624] : memref<1024x200x64xf32, #tpu.memory_space<hbm>> -> memref<1x200x64xf32, #tpu.memory_space<hbm>>
        %dma_wait3A_626 = tpu.memref_squeeze %dma_wait3A_625 : memref<1x200x64xf32, #tpu.memory_space<hbm>> -> memref<200x64xf32, #tpu.memory_space<hbm>>
        %dma_wait3A_627 = arith.constant 0 : i32
        %dma_wait3A_628 = arith.constant 0 : i32
        %dma_wait3A_629 = tpu.memref_slice %arg7[%add3A_619, %dma_wait3A_627, %dma_wait3A_628] : memref<1024x200x64xf32, #tpu.memory_space<hbm>> -> memref<1x200x64xf32, #tpu.memory_space<hbm>>
        %dma_wait3A_630 = tpu.memref_squeeze %dma_wait3A_629 : memref<1x200x64xf32, #tpu.memory_space<hbm>> -> memref<200x64xf32, #tpu.memory_space<hbm>>
        %dma_wait3A_631 = arith.constant 200 : i32
        %dma_wait3A_632 = arith.constant 0 : i32
        %dma_wait3A_633 = tpu.memref_slice %arg12[%dma_wait3A_631, %dma_wait3A_632] : memref<400x64xf32, #tpu.memory_space<vmem>> -> memref<200x64xf32, #tpu.memory_space<vmem>>
        tpu.wait_dma2 semaphore(%arg19 : memref<!tpu.dma_semaphore, #tpu.memory_space<semaphore_mem>>) src(%dma_wait3A_633 : memref<200x64xf32, #tpu.memory_space<vmem>>) dst(%dma_wait3A_630 : memref<200x64xf32, #tpu.memory_space<hbm>>)
      } else {
      }
      %parallel_loop3A_561 = arith.constant 0 : i32
      %parallel_loop3A_562 = arith.constant 400 : i32
      %parallel_loop3A_563 = arith.constant 1 : i32
      scf.for %parallel_loop3A_602 = %parallel_loop3A_561 to %parallel_loop3A_562 step %parallel_loop3A_563  : i32 {
        %parallel_loop3A_603 = arith.constant 65 : i32
        %parallel_loop3A_604 = arith.muli %parallel_loop3A_602, %parallel_loop3A_603 : i32
        %parallel_loop3A_605 = vector.broadcast %parallel_loop3A_604 : i32 to vector<16xi32>
        %parallel_loop3A_606 = arith.addi %broadcast_in_dim3A_6, %parallel_loop3A_605 : vector<16xi32>
        %parallel_loop3A_607 = arith.addi %parallel_loop3A_606, %add3A_9 : vector<16xi32>
        %parallel_loop3A_608 = tpu.vector_load_idx %arg13[%parallel_loop3A_607] : memref<26000xf32, #tpu.memory_space<vmem>>[vector<16xi32>], vector<16xf32>,
        %parallel_loop3A_609 = arith.index_cast %parallel_loop3A_602 : i32 to index
        %parallel_loop3A_610 = arith.constant 0 : index
        %parallel_loop3A_611 = tpu.vector_load %arg12[%parallel_loop3A_609, %parallel_loop3A_610] {strides = array<i32>} : memref<400x64xf32, #tpu.memory_space<vmem>>, vector<16xf32>,
        tpu.vector_store %arg12[%parallel_loop3A_609, %parallel_loop3A_610], %parallel_loop3A_608 {strides = array<i32>} : memref<400x64xf32, #tpu.memory_space<vmem>>, vector<16xf32>,
        %parallel_loop3A_612 = arith.addi %parallel_loop3A_606, %add3A_12 : vector<16xi32>
        %parallel_loop3A_613 = tpu.vector_load_idx %arg13[%parallel_loop3A_612] : memref<26000xf32, #tpu.memory_space<vmem>>[vector<16xi32>], vector<16xf32>,
        %parallel_loop3A_614 = arith.index_cast %parallel_loop3A_602 : i32 to index
        %parallel_loop3A_615 = arith.constant 16 : index
        %parallel_loop3A_616 = tpu.vector_load %arg12[%parallel_loop3A_614, %parallel_loop3A_615] {strides = array<i32>} : memref<400x64xf32, #tpu.memory_space<vmem>>, vector<16xf32>,
        tpu.vector_store %arg12[%parallel_loop3A_614, %parallel_loop3A_615], %parallel_loop3A_613 {strides = array<i32>} : memref<400x64xf32, #tpu.memory_space<vmem>>, vector<16xf32>,
        %parallel_loop3A_617 = arith.addi %parallel_loop3A_606, %add3A_15 : vector<16xi32>
        %parallel_loop3A_618 = tpu.vector_load_idx %arg13[%parallel_loop3A_617] : memref<26000xf32, #tpu.memory_space<vmem>>[vector<16xi32>], vector<16xf32>,
        %parallel_loop3A_619 = arith.index_cast %parallel_loop3A_602 : i32 to index
        %parallel_loop3A_620 = arith.constant 32 : index
        %parallel_loop3A_621 = tpu.vector_load %arg12[%parallel_loop3A_619, %parallel_loop3A_620] {strides = array<i32>} : memref<400x64xf32, #tpu.memory_space<vmem>>, vector<16xf32>,
        tpu.vector_store %arg12[%parallel_loop3A_619, %parallel_loop3A_620], %parallel_loop3A_618 {strides = array<i32>} : memref<400x64xf32, #tpu.memory_space<vmem>>, vector<16xf32>,
        %parallel_loop3A_622 = arith.addi %parallel_loop3A_606, %add3A_18 : vector<16xi32>
        %parallel_loop3A_623 = tpu.vector_load_idx %arg13[%parallel_loop3A_622] : memref<26000xf32, #tpu.memory_space<vmem>>[vector<16xi32>], vector<16xf32>,
        %parallel_loop3A_624 = arith.index_cast %parallel_loop3A_602 : i32 to index
        %parallel_loop3A_625 = arith.constant 48 : index
        %parallel_loop3A_626 = tpu.vector_load %arg12[%parallel_loop3A_624, %parallel_loop3A_625] {strides = array<i32>} : memref<400x64xf32, #tpu.memory_space<vmem>>, vector<16xf32>,
        tpu.vector_store %arg12[%parallel_loop3A_624, %parallel_loop3A_625], %parallel_loop3A_623 {strides = array<i32>} : memref<400x64xf32, #tpu.memory_space<vmem>>, vector<16xf32>,
      } {sc.loop_unroll_factor = 4 : i64, sc.parallel_access}
      %mul3A_564 = arith.constant 2 : i32
      %mul3A_565 = arith.muli %add3A_434, %mul3A_564 : i32
      %add3A_566 = arith.addi %mul3A_2, %mul3A_565 : i32
      %add3A_567 = arith.constant 0 : i32
      %add3A_568 = arith.addi %add3A_566, %add3A_567 : i32
      %dma_start3A_569 = arith.constant 0 : i32
      %dma_start3A_570 = arith.constant 0 : i32
      %dma_start3A_571 = tpu.memref_slice %arg12[%dma_start3A_569, %dma_start3A_570] : memref<400x64xf32, #tpu.memory_space<vmem>> -> memref<200x64xf32, #tpu.memory_space<vmem>>
      %dma_start3A_572 = arith.constant 0 : i32
      %dma_start3A_573 = arith.constant 0 : i32
      %dma_start3A_574 = tpu.memref_slice %arg7[%add3A_568, %dma_start3A_572, %dma_start3A_573] : memref<1024x200x64xf32, #tpu.memory_space<hbm>> -> memref<1x200x64xf32, #tpu.memory_space<hbm>>
      %dma_start3A_575 = tpu.memref_squeeze %dma_start3A_574 : memref<1x200x64xf32, #tpu.memory_space<hbm>> -> memref<200x64xf32, #tpu.memory_space<hbm>>
      %dma_start3A_576 = arith.constant 0 : i32
      %dma_start3A_577 = arith.constant 0 : i32
      %dma_start3A_578 = tpu.memref_slice %arg7[%add3A_568, %dma_start3A_576, %dma_start3A_577] : memref<1024x200x64xf32, #tpu.memory_space<hbm>> -> memref<1x200x64xf32, #tpu.memory_space<hbm>>
      %dma_start3A_579 = tpu.memref_squeeze %dma_start3A_578 : memref<1x200x64xf32, #tpu.memory_space<hbm>> -> memref<200x64xf32, #tpu.memory_space<hbm>>
      %dma_start3A_580 = arith.constant 0 : i32
      %dma_start3A_581 = arith.constant 0 : i32
      %dma_start3A_582 = tpu.memref_slice %arg12[%dma_start3A_580, %dma_start3A_581] : memref<400x64xf32, #tpu.memory_space<vmem>> -> memref<200x64xf32, #tpu.memory_space<vmem>>
      tpu.enqueue_dma source(%dma_start3A_582 : memref<200x64xf32, #tpu.memory_space<vmem>>) target(%dma_start3A_579 : memref<200x64xf32, #tpu.memory_space<hbm>>) target_semaphore(%arg19 : memref<!tpu.dma_semaphore, #tpu.memory_space<semaphore_mem>>)
      %mul3A_583 = arith.constant 2 : i32
      %mul3A_584 = arith.muli %add3A_434, %mul3A_583 : i32
      %add3A_585 = arith.addi %mul3A_2, %mul3A_584 : i32
      %add3A_586 = arith.constant 1 : i32
      %add3A_587 = arith.addi %add3A_585, %add3A_586 : i32
      %dma_start3A_588 = arith.constant 200 : i32
      %dma_start3A_589 = arith.constant 0 : i32
      %dma_start3A_590 = tpu.memref_slice %arg12[%dma_start3A_588, %dma_start3A_589] : memref<400x64xf32, #tpu.memory_space<vmem>> -> memref<200x64xf32, #tpu.memory_space<vmem>>
      %dma_start3A_591 = arith.constant 0 : i32
      %dma_start3A_592 = arith.constant 0 : i32
      %dma_start3A_593 = tpu.memref_slice %arg7[%add3A_587, %dma_start3A_591, %dma_start3A_592] : memref<1024x200x64xf32, #tpu.memory_space<hbm>> -> memref<1x200x64xf32, #tpu.memory_space<hbm>>
      %dma_start3A_594 = tpu.memref_squeeze %dma_start3A_593 : memref<1x200x64xf32, #tpu.memory_space<hbm>> -> memref<200x64xf32, #tpu.memory_space<hbm>>
      %dma_start3A_595 = arith.constant 0 : i32
      %dma_start3A_596 = arith.constant 0 : i32
      %dma_start3A_597 = tpu.memref_slice %arg7[%add3A_587, %dma_start3A_595, %dma_start3A_596] : memref<1024x200x64xf32, #tpu.memory_space<hbm>> -> memref<1x200x64xf32, #tpu.memory_space<hbm>>
      %dma_start3A_598 = tpu.memref_squeeze %dma_start3A_597 : memref<1x200x64xf32, #tpu.memory_space<hbm>> -> memref<200x64xf32, #tpu.memory_space<hbm>>
      %dma_start3A_599 = arith.constant 200 : i32
      %dma_start3A_600 = arith.constant 0 : i32
      %dma_start3A_601 = tpu.memref_slice %arg12[%dma_start3A_599, %dma_start3A_600] : memref<400x64xf32, #tpu.memory_space<vmem>> -> memref<200x64xf32, #tpu.memory_space<vmem>>
      tpu.enqueue_dma source(%dma_start3A_601 : memref<200x64xf32, #tpu.memory_space<vmem>>) target(%dma_start3A_598 : memref<200x64xf32, #tpu.memory_space<hbm>>) target_semaphore(%arg19 : memref<!tpu.dma_semaphore, #tpu.memory_space<semaphore_mem>>)
    }
    %scan3A_236 = arith.constant 8 : i32
    %add3A_237 = arith.constant 0 : i32
    %add3A_238 = arith.addi %mul3A_2, %add3A_237 : i32
    %dma_wait3A = arith.constant 0 : i32
    %dma_wait3A_239 = arith.constant 0 : i32
    %dma_wait3A_240 = tpu.memref_slice %arg12[%dma_wait3A, %dma_wait3A_239] : memref<400x64xf32, #tpu.memory_space<vmem>> -> memref<200x64xf32, #tpu.memory_space<vmem>>
    %dma_wait3A_241 = arith.constant 0 : i32
    %dma_wait3A_242 = arith.constant 0 : i32
    %dma_wait3A_243 = tpu.memref_slice %arg7[%add3A_238, %dma_wait3A_241, %dma_wait3A_242] : memref<1024x200x64xf32, #tpu.memory_space<hbm>> -> memref<1x200x64xf32, #tpu.memory_space<hbm>>
    %dma_wait3A_244 = tpu.memref_squeeze %dma_wait3A_243 : memref<1x200x64xf32, #tpu.memory_space<hbm>> -> memref<200x64xf32, #tpu.memory_space<hbm>>
    %dma_wait3A_245 = arith.constant 0 : i32
    %dma_wait3A_246 = arith.constant 0 : i32
    %dma_wait3A_247 = tpu.memref_slice %arg7[%add3A_238, %dma_wait3A_245, %dma_wait3A_246] : memref<1024x200x64xf32, #tpu.memory_space<hbm>> -> memref<1x200x64xf32, #tpu.memory_space<hbm>>
    %dma_wait3A_248 = tpu.memref_squeeze %dma_wait3A_247 : memref<1x200x64xf32, #tpu.memory_space<hbm>> -> memref<200x64xf32, #tpu.memory_space<hbm>>
    %dma_wait3A_249 = arith.constant 0 : i32
    %dma_wait3A_250 = arith.constant 0 : i32
    %dma_wait3A_251 = tpu.memref_slice %arg12[%dma_wait3A_249, %dma_wait3A_250] : memref<400x64xf32, #tpu.memory_space<vmem>> -> memref<200x64xf32, #tpu.memory_space<vmem>>
    tpu.wait_dma2 semaphore(%arg19 : memref<!tpu.dma_semaphore, #tpu.memory_space<semaphore_mem>>) src(%dma_wait3A_251 : memref<200x64xf32, #tpu.memory_space<vmem>>) dst(%dma_wait3A_248 : memref<200x64xf32, #tpu.memory_space<hbm>>)
    %add3A_252 = arith.constant 1 : i32
    %add3A_253 = arith.addi %mul3A_2, %add3A_252 : i32
    %dma_wait3A_254 = arith.constant 200 : i32
    %dma_wait3A_255 = arith.constant 0 : i32
    %dma_wait3A_256 = tpu.memref_slice %arg12[%dma_wait3A_254, %dma_wait3A_255] : memref<400x64xf32, #tpu.memory_space<vmem>> -> memref<200x64xf32, #tpu.memory_space<vmem>>
    %dma_wait3A_257 = arith.constant 0 : i32
    %dma_wait3A_258 = arith.constant 0 : i32
    %dma_wait3A_259 = tpu.memref_slice %arg7[%add3A_253, %dma_wait3A_257, %dma_wait3A_258] : memref<1024x200x64xf32, #tpu.memory_space<hbm>> -> memref<1x200x64xf32, #tpu.memory_space<hbm>>
    %dma_wait3A_260 = tpu.memref_squeeze %dma_wait3A_259 : memref<1x200x64xf32, #tpu.memory_space<hbm>> -> memref<200x64xf32, #tpu.memory_space<hbm>>
    %dma_wait3A_261 = arith.constant 0 : i32
    %dma_wait3A_262 = arith.constant 0 : i32
    %dma_wait3A_263 = tpu.memref_slice %arg7[%add3A_253, %dma_wait3A_261, %dma_wait3A_262] : memref<1024x200x64xf32, #tpu.memory_space<hbm>> -> memref<1x200x64xf32, #tpu.memory_space<hbm>>
    %dma_wait3A_264 = tpu.memref_squeeze %dma_wait3A_263 : memref<1x200x64xf32, #tpu.memory_space<hbm>> -> memref<200x64xf32, #tpu.memory_space<hbm>>
    %dma_wait3A_265 = arith.constant 200 : i32
    %dma_wait3A_266 = arith.constant 0 : i32
    %dma_wait3A_267 = tpu.memref_slice %arg12[%dma_wait3A_265, %dma_wait3A_266] : memref<400x64xf32, #tpu.memory_space<vmem>> -> memref<200x64xf32, #tpu.memory_space<vmem>>
    tpu.wait_dma2 semaphore(%arg19 : memref<!tpu.dma_semaphore, #tpu.memory_space<semaphore_mem>>) src(%dma_wait3A_267 : memref<200x64xf32, #tpu.memory_space<vmem>>) dst(%dma_wait3A_264 : memref<200x64xf32, #tpu.memory_space<hbm>>)
    return
  }
}

</mosaic_0001>

<sc_bundles>
// kernel: kernel.3.cloned.1.call-start
scs
__scs_entry_jumppad:
0x0: {  	(pc) =	sbr.rel $0x88, $3  }
0x1: {  	(tag) =	ssettag $0x0;
	lr =	simm.s32 $0x1  }
0x2: {  	[smem:$0x3F9C] =	sst lr;
	_ =	strace $0xD0000000  }
0x3: {  	_ = 	snop  }
0x4: {  	_ = 	snop  }
0x5: {  	_ = 	snop  }
0x6: {  	_ = 	snop  }
0x7: {  	_ = 	snop  }
__scs_overlays_trampoline_lowered:
0x8: {  	[smem:$0x3FAB] =	sst s0  }
0x9: {  	[smem:$0x3FAC] =	sst s1  }
0xa: {  	[smem:$0x3FAD] =	sst s2  }
0xb: {  	[smem:$0x3FAE] =	sst s3  }
0xc: {  	[smem:$0x3FAF] =	sst s4  }
0xd: {  	[smem:$0x3FB0] =	sst s5  }
0xe: {  	[smem:$0x3FB1] =	sst s6  }
0xf: {  	[smem:$0x3FB2] =	sst s7  }
0x10: {  	[smem:$0x3FB3] =	sst s8  }
0x11: {  	[smem:$0x3FB4] =	sst s9;
	s0 =	simm.s32 @!p0 $0x0  }
0x12: {  	s1 =	sld [smem:$0x3F9A];
	s0 =	simm.s32 @p0 $0x1  }
0x13: {  	[smem:$0x3FB5] =	sst s0;
	s0 =	simm.s32 @!p1 $0x0  }
0x14: {  	s2 =	sld [smem:$0x3F99];
	s0 =	simm.s32 @p1 $0x1  }
0x15: {  	[smem:$0x3FB6] =	sst s0;
	s0 =	simm.s32 @!p2 $0x0  }
0x16: {  	s3 =	sld [smem:$0x3FDB];
	s0 =	simm.s32 @p2 $0x1  }
0x17: {  	s4 =	simm.s32 $0x1BF5;
	[smem:$0x3FB8] =	sst s0  }
0x18: {  	s0 =	sld [smem:$0x3F9B];
	_ =	swait.ge [sflag:s4], $0x0  }
0x19: {  	s7 =	sld [smem:$0x3F9C]  }
0x1a: {  	s8 =	sadd.s32 $0xFFFFE003, lr  }
0x1b: {  	s9 =	sadd.s32 $0xFFFFFEF7, lr;
	s5 =	simm.s32 $0xFFFFFFFF;
	p2 =	slt.u32 s8, $0xFFFFF086  }
0x1c: {  	p1 =	slt.u32 s9, $0xF7A;
	s5 =	simm.s32 @!p2 $0x0  }
0x1d: {  	s5 =	simm.s32 @p1 $0x1;
	p0 =	seq.s32 s7, s2  }
0x1e: {  	s7 =	smul.u32 @!p0 $0xF7A, s2;
	p2 =	seq.s32 @!p0 s5, $0x0  }
0x1f: {  	s9 =	smul.u32 $0xF7A, s1;
	s8 =	simm.s32 @!p0 $0x1BF5;
	p2 =	por !p2, p0  }
0x20: {  	[sflag:s8] =	ssyncset.s32 @!p0 $0xFFFFF086;
	s6 =	sadd.s32 @!p0 s3, s7;
	s7 =	simm.s32 @!p0 $0x108  }
0x21: {  	s3 =	sadd.s32 s3, s9;
	s6 =	sadd.s32 @!p0 $0x88, s6;
	s7 =	simm.s32 @p2 $0x1082  }
0x22: {  	[simem:s7], [sflag:s8] =	dma.local @!p0 [hbm:s6], $0xF7A  }
0x23: {  	s9 =	sor.u32 $0xD0000000, s2;
	s6 =	simm.s32 $0x108;
	_ =	swait.ge @!p0 [sflag:s8], $0x0  }
0x24: {  	s3 =	sadd.s32 $0x88, s3;
	s6 =	simm.s32 @!p1 $0x1082;
	[sflag:s4] =	ssyncset.s32 $0xFFFFF086  }
0x25: {  	[simem:s6], [sflag:s4] =	dma.local [hbm:s3], $0xF7A  }
0x26: {  	[smem:$0x3F9C] =	sst s1;
	(tag) =	ssettag s2;
	_ =	strace s9  }
0x27: {  	s1 =	sld [smem:$0x3FAC]  }
0x28: {  	s2 =	sld [smem:$0x3FAD]  }
0x29: {  	s4 =	sld [smem:$0x3FAF]  }
0x2a: {  	p0 =	seq.s32 s5, $0x0;
	s5 =	sld [smem:$0x3FB0]  }
0x2b: {  	s6 =	sld [smem:$0x3FB1]  }
0x2c: {  	s7 =	sld [smem:$0x3FB2]  }
0x2d: {  	s3 =	simm.s32 $0x108;
	s8 =	sld [smem:$0x3FB3]  }
0x2e: {  	s3 =	simm.s32 @!p0 $0x1082;
	s9 =	sld [smem:$0x3FB4]  }
0x2f: {  	lr =	sadd.s32 s0, s3;
	s0 =	sld [smem:$0x3FAB]  }
0x30: {  	s3 =	sld [smem:$0x3FAE]  }
0x31: {  	[smem:$0x3FB7] =	sst s10  }
0x32: {  	s10 =	sld [smem:$0x3FB5];
	_ =	sdelay $0x3  }
0x33: {  	p0 =	seq.s32 s10, $0x1;
	s10 =	sld [smem:$0x3FB7];
	_ =	sdelay $0x3  }
0x34: {  	[smem:$0x3FB7] =	sst s10  }
0x35: {  	s10 =	sld [smem:$0x3FB6];
	_ =	sdelay $0x3  }
0x36: {  	p1 =	seq.s32 s10, $0x1;
	s10 =	sld [smem:$0x3FB7];
	_ =	sdelay $0x3  }
0x37: {  	[smem:$0x3FB7] =	sst s10  }
0x38: {  	s10 =	sld [smem:$0x3FB8]  }
0x39: {  	_ = 	snop;
	(pc) =	sbr.ind lr, $3  }
0x3a: {  	_ = 	snop  }
0x3b: {  	_ = 	snop  }
0x3c: {  	p2 =	seq.s32 s10, $0x1;
	s10 =	sld [smem:$0x3FB7]  }
0x3d: {  	_ =	shalt  }
0x3e: {  	_ =	shalt  }
0x3f: {  	_ =	shalt  }
0x40: {  	_ =	shalt  }
0x41: {  	_ =	shalt  }
0x42: {  	_ =	shalt  }
0x43: {  	_ =	shalt  }
0x44: {  	_ =	shalt  }
0x45: {  	_ =	shalt  }
0x46: {  	_ =	shalt  }
0x47: {  	_ =	shalt  }
0x48: {  	_ =	shalt  }
0x49: {  	_ =	shalt  }
0x4a: {  	_ =	shalt  }
0x4b: {  	_ =	shalt  }
0x4c: {  	_ =	shalt  }
0x4d: {  	_ =	shalt  }
0x4e: {  	_ =	shalt  }
0x4f: {  	_ =	shalt  }
0x50: {  	_ =	shalt  }
0x51: {  	_ =	shalt  }
0x52: {  	_ =	shalt  }
0x53: {  	_ =	shalt  }
0x54: {  	_ =	shalt  }
0x55: {  	_ =	shalt  }
0x56: {  	_ =	shalt  }
0x57: {  	_ =	shalt  }
0x58: {  	_ =	shalt  }
0x59: {  	_ =	shalt  }
0x5a: {  	_ =	shalt  }
0x5b: {  	_ =	shalt  }
0x5c: {  	_ =	shalt  }
0x5d: {  	_ =	shalt  }
0x5e: {  	_ =	shalt  }
0x5f: {  	_ =	shalt  }
0x60: {  	_ =	shalt  }
0x61: {  	_ =	shalt  }
0x62: {  	_ =	shalt  }
0x63: {  	_ =	shalt  }
0x64: {  	_ =	shalt  }
0x65: {  	_ =	shalt  }
0x66: {  	_ =	shalt  }
0x67: {  	_ =	shalt  }
0x68: {  	_ =	shalt  }
0x69: {  	_ =	shalt  }
0x6a: {  	_ =	shalt  }
0x6b: {  	_ =	shalt  }
0x6c: {  	_ =	shalt  }
0x6d: {  	_ =	shalt  }
0x6e: {  	_ =	shalt  }
0x6f: {  	_ =	shalt  }
0x70: {  	_ =	shalt  }
0x71: {  	_ =	shalt  }
0x72: {  	_ =	shalt  }
0x73: {  	_ =	shalt  }
0x74: {  	_ =	shalt  }
0x75: {  	_ =	shalt  }
0x76: {  	_ =	shalt  }
0x77: {  	_ =	shalt  }
0x78: {  	_ =	shalt  }
0x79: {  	_ =	shalt  }
0x7a: {  	_ =	shalt  }
0x7b: {  	_ =	shalt  }
0x7c: {  	_ =	shalt  }
0x7d: {  	_ =	shalt  }
0x7e: {  	_ =	shalt  }
0x7f: {  	_ =	shalt  }
0x80: {  	_ =	shalt  }
0x81: {  	_ =	shalt  }
0x82: {  	_ =	shalt  }
0x83: {  	_ =	shalt  }
0x84: {  	_ =	shalt  }
0x85: {  	_ =	shalt  }
0x86: {  	_ =	shalt  }
0x87: {  	_ =	shalt  }
.Lfunc_end0:
.L_simem_size_0:
called_computation.1_lowered:
.L_overlay_start_0:
0x88: {  	s2 =	sld [smem:$0x3FD9]  }
0x89: {  	s3 =	sld [smem:$0x3FFE];
	_ =	sdelay $0x1  }
0x8a: {  	s1 =	srdreg.scid  }
0x8b: {  	s0 =	sand.u32 $0x1, s1  }
0x8c: {  	s17 =	sshll.u32 s0, $0xA;
	s2 =	sadd.s32 s3, s2  }
0x8d: {  	s2 =	sadd.s32 s2, s17  }
0x8e: {  	[smem:$0x3FC3] =	sst s2  }
0x8f: {  	_ = 	snop  }
0x90: {  	s2 =	sld [smem:$0x3FC6]  }
0x91: {  	s18 =	sld [smem:$0x3FC5]  }
0x92: {  	s4 =	sld [smem:$0x3FD0];
	(tm) =	ssettm $0x1  }
0x93: {  	s5 =	sld [smem:$0x3FFB];
	_ =	sdelay $0x3  }
0x94: {  	_ =	strace s5  }
0x95: {  	s5 =	sld [smem:$0x3FFC];
	_ =	sdelay $0x3  }
0x96: {  	_ =	strace s5  }
0x97: {  	s5 =	sld [smem:$0x3FFD];
	_ =	sdelay $0x3  }
0x98: {  	_ =	strace s5  }
0x99: {  	_ =	strace $0x8FFFFFFF  }
0x9a: {  	s19 =	sld [smem:$0x3FDB];
	_ =	sdelay $0x1  }
0x9b: {  	s6 =	simm.s32 $_scs_section_size  }
0x9c: {  	s7 =	simm.s32 $_size__tile_overlayer_lowered;
	s8 =	simm.s32 $_tile_overlayer_lowered  }
0x9d: {  	s22 =	simm.s32 $0x1BFF;
	s21 =	sshll.u32 s8, $0x1;
	s5 =	sadd.s32 s6, s19  }
0x9e: {  	s9 =	simm.s32 $0x0;
	s20 =	sshll.u32 s7, $0x1;
	s7 =	sadd.s32 s21, s5  }
0x9f: {  	[timem:s9], [sflag:s22] =	dma.local [hbm:s7], s20  }
0xa0: {  	_ =	swait.ge [sflag:s22], s20  }
0xa1: {  	s6 =	ssub.s32 $0x0, s20;
	[sflag:s22] =	ssyncset.done $0x0  }
0xa2: {  	[sflag:s22] =	ssyncadd.s32 s6;
	_ =	sdelay $0x1  }
0xa3: {  	s23 =	simm.s32 $0x1B8B  }
0xa4: {  	_ =	swait.ge [sflag:s23], $0x1  }
0xa5: {  	[sflag:s23] =	ssyncset.done $0x0  }
0xa6: {  	s25 =	simm.s32 $0x1B8E;
	s24 =	sld [smem:$0x3FFE];
	[sflag:s23] =	ssyncadd.s32 $0xFFFFFFFF  }
0xa7: {  	s26 =	simm.s32 $execute0_lowered;
	[smem:$0x3FD2] =	sst s25  }
0xa8: {  	s7 =	sshll.u32 s26, $0x1;
	_ =	strace $0x80000046;
	[dreg:$0x1] =	wrdreg $0xFFFFFFFF  }
0xa9: {  	s28 =	simm.s32 $_size_execute0_lowered;
	s5 =	sadd.s32 s5, s7;
	[dreg:$0x0] =	wrdreg $0x0  }
0xaa: {  	s7 =	sshll.u32 s28, $0x1;
	[dreg:$0x2] =	wrdreg s5  }
0xab: {  	[dreg:$0x3] =	wrdreg s7  }
0xac: {  	[dreg:$0x4] =	wrdreg $0xC0  }
0xad: {  	_ =	task [dreg:s9], $0x5FFFF  }
0xae: {  	[dreg:$0x1] =	wrdreg $0xFFFFFFFF  }
0xaf: {  	[dreg:$0x0] =	wrdreg $0x60  }
0xb0: {  	[dreg:$0x2] =	wrdreg s24  }
0xb1: {  	[dreg:$0x3] =	wrdreg s2  }
0xb2: {  	[dreg:$0x4] =	wrdreg s18  }
0xb3: {  	[dreg:$0x5] =	wrdreg s4  }
0xb4: {  	[dreg:$0x6] =	wrdreg $0x9  }
0xb5: {  	_ =	task.clear_ibuf [dreg:s9], $0x7FFFF;
	_ =	strace $0x90000046  }
0xb6: {  	s29 =	simm.s32 $0x9;
	_ =	strace $0x80000048  }
0xb7: {  	_ =	swait.ge [sflag:s29], $0x1  }
0xb8: {  	[sflag:s29] =	ssyncadd.s32 $0xFFFFFFFF  }
0xb9: {  	_ =	strace $0x90000048  }
0xba: {  	_ =	sfence  }
0xbb: {  	s30 =	sld [smem:$0x0];
	_ =	sdelay $0x2  }
0xbc: {  	s31 =	sshll.u32 s1, $0xD;
	s1 =	sshrl.u32 s1, $0x2  }
0xbd: {  	s3 =	sand.u32 $0x4000, s31;
	s1 =	sadd.s32 s1, s30  }
0xbe: {  	s0 =	sor.u32 s3, s0;
	s1 =	sshll.u32 s1, $0x11  }
0xbf: {  	s0 =	sor.u32 s1, s0  }
0xc0: {  	s0 =	sadd.s32 $0x8F2B, s0  }
0xc1: {  	[sflag:s0] =	ssyncadd.remote.s32 $0x1  }
0xc2: {  	_ =	sfence.sel $0xFFFF  }
0xc3: {  	[dreg:$0x0] =	wrdreg $0xFFFFFFFF;
	(pc) =	sbr.abs _section_cstart, $3  }
0xc4: {  	[dreg:$0x1] =	wrdreg $0xFFFFFFFF  }
0xc5: {  	_ =	task.clear_ibuf [dreg:s9], $0x2FFFF;
	_ =	strace $0x9FFFFFFF  }
0xc6: {  	(tm) =	ssettm $0x7FFFFFFF  }
0xc7: {  	_ =	shalt  }
tec
execute0_lowered:
.L_overlay_start_1:
0x0: {  	(tag) =	ssettag $0x1  }
0x1: {  	s0 =	rddreg [dreg:$0x0]  }
0x2: {  	s1 =	srdreg.scid;
	s2 =	stileid.u32  }
0x3: {  	s4 =	rddreg [dreg:$0x3];
	s5 =	simm.s32 $0x0;
	s13 =	simm.s32 $0x1DC90  }
0x4: {  	s12 =	simm.s32 $0x17700;
	s20 =	simm.s32 $0x11300;
	s31 =	simm.s32 $0x14500  }
0x5: {  	s21 =	simm.s32 $0xC;
	s22 =	simm.s32 $0xD;
	s23 =	simm.s32 $0xE  }
0x6: {  	s24 =	simm.s32 $0xF;
	s25 =	simm.s32 $0x10;
	s1 =	sand.u32 $0x1, s1  }
0x7: {  	s2 =	sshll.u32 s2, $0x6;
	s3 =	sshll.u32 s1, $0x5;
	s1 =	ssub.s32 $0x2, s1  }
0x8: {  	[smem:$0x7FF] =	sst s5;
	s2 =	sor.u32 s3, s2;
	s28 =	sshrl.u32 s1, $0x1  }
0x9: {  	[dreg:$0x5] =	wrdreg s2;
	s2 =	smul.u32 $0x19, s2;
	s1 =	ssub.s32 s1, s28  }
0xa: {  	s7 =	sadd.s32 $0xF43200, s0;
	_ =	strace $0x80000047;
	s30 =	smax.u32 s1, $0x1  }
0xb: {  	v0 =	vlaneseq.u32;
	s2 =	sadd.s32 s2, s0;
	s0 =	sadd.s32 $0x7200, s0;
	[dreg:$0x8] =	wrdreg s30  }
0xc: {  	s26 =	simm.s32 $0x11;
	v1 =	vor.u32 $0x10, v0;
	v2 =	vor.u32 $0x20, v0;
	[dreg:$0x6] =	wrdreg s0;
	s29 =	sadd.s32 $0xE00, s2  }
0xd: {  	s9 =	simm.s32 $0x0;
	v3 =	vor.u32 $0x30, v0;
	v4 =	vmul.u32 $0x41, v0;
	v5 =	vand.u32 $0x7, v0;
	s1 =	simm.s32 $0x0;
	[dreg:$0x7] =	wrdreg s29  }
.LBB2_1:
0xe: {  	[dreg:$0x9] =	wrdreg s1  }
0xf: {  	s15 =	simm.s32 $0x0;
	s0 =	rddreg [dreg:$0x7];
	s2 =	simm.s32 $0x12  }
0x10: {  	[tilespmem:s15], [sflag:$0x12] =	stream.linear.gather [hbm4b:s0+s15], $0x1900, $0x38;
	[tilespmem:$0x1E510] =	vst v63  }
0x11: {  	_ =	swait.ge [sflag:s2], $0x1900  }
0x12: {  	[sflag:s2] =	ssyncset.done $0x0  }
0x13: {  	s3 =	simm.s32 $0x1900;
	s16 =	rddreg [dreg:$0x6];
	[sflag:s2] =	ssyncadd.s32 $0xFFFFE700  }
0x14: {  	[tilespmem:s3], [sflag:$0x12] =	stream.linear.gather [hbm4b:s16+s15], $0x3200, $0x38;
	[tilespmem:$0x1E510] =	vst v63  }
0x15: {  	_ =	swait.ge [sflag:s2], $0x3200  }
0x16: {  	[sflag:s2] =	ssyncset.done $0x0  }
0x17: {  	[sflag:s2] =	ssyncadd.s32 $0xFFFFCE00  }
0x18: {  	s17 =	rddreg [dreg:$0x1]  }
0x19: {  	[tilespmem:s13], [sflag:$0x12] =	stream.linear.gather [hbm4b:s17+s15], $0x40, $0x38;
	[tilespmem:$0x1E510] =	vst v63  }
0x1a: {  	_ =	swait.ge [sflag:s2], $0x40  }
0x1b: {  	[sflag:s2] =	ssyncset.done $0x0  }
0x1c: {  	[sflag:s2] =	ssyncadd.s32 $0xFFFFFFC0  }
0x1d: {  	s19 =	simm.s32 $0x1DCD0;
	v6 =	vmov s15;
	s18 =	rddreg [dreg:$0x2]  }
0x1e: {  	[tilespmem:s19], [sflag:$0x12] =	stream.linear.gather [hbm4b:s18+s15], $0x40, $0x38;
	[tilespmem:$0x1E510] =	vst v63  }
0x1f: {  	_ =	swait.ge [sflag:s2], $0x40  }
0x20: {  	[sflag:s2] =	ssyncset.done $0x0  }
0x21: {  	[sflag:s2] =	ssyncadd.s32 $0xFFFFFFC0  }
0x22: {  	v7 =	vld.idx.msk [tilespmem:v6+s13+$0x0], $0xffff  }
0x23: {  	v6 =	vor.u32 $0x40, v6;
	_ =	sdelay $0x2  }
0x24: {  	s28 =	simm.s32 $0x1DD10  }
0x25: {  	[tilespmem:s28+$0x0] =	vst v7  }
0x26: {  	s29 =	simm.s32 $0x1;
	v6 =	vld.idx.msk [tilespmem:v6+s13+$0x0], $0xffff  }
0x27: {  	v7 =	vmov s29;
	_ =	sdelay $0x2  }
0x28: {  	s0 =	simm.s32 $0x1E110  }
0x29: {  	[tilespmem:s0+$0x0] =	vst v6  }
0x2a: {  	v6 =	vld.idx.msk [tilespmem:v7+s13+$0x0], $0xffff  }
0x2b: {  	v7 =	vor.u32 $0x40, v7;
	_ =	sdelay $0x2  }
0x2c: {  	s1 =	simm.s32 $0x1DD20  }
0x2d: {  	[tilespmem:s1+$0x0] =	vst v6  }
0x2e: {  	s30 =	simm.s32 $0x2;
	v7 =	vld.idx.msk [tilespmem:v7+s13+$0x0], $0xffff  }
0x2f: {  	s2 =	simm.s32 $0x3;
	v6 =	vmov s30  }
.LBB2_2:
0x30: {  	p0 =	sne.s32 s2, $0x3F;
	_ =	sdelay $0x1  }
0x31: {  	s0 =	sadd.s32 $0x10, s0  }
0x32: {  	[tilespmem:s0+$0x0] =	vst v7  }
0x33: {  	v7 =	vld.idx.msk [tilespmem:v6+s13+$0x0], $0xffff;
	_ =	sdelay $0x1  }
0x34: {  	v6 =	vor.u32 $0x40, v6;
	_ =	sdelay $0x2  }
.Ltmp0:
0x35: {  	s1 =	sadd.s32 $0x10, s1;
	(pc) =	sbr.rel @p0 .LBB2_2-.Ltmp0, $3  }
0x36: {  	[tilespmem:s1+$0x0] =	vst v7  }
0x37: {  	v7 =	vld.idx.msk [tilespmem:v6+s13+$0x0], $0xffff;
	_ =	sdelay $0x1  }
0x38: {  	v6 =	vmov s2;
	s2 =	sadd.s32 $0x1, s2  }
0x39: {  	_ =	sdelay $0x1  }
0x3a: {  	s0 =	sadd.s32 $0x10, s0  }
0x3b: {  	[tilespmem:s0+$0x0] =	vst v7  }
0x3c: {  	v7 =	vld.idx.msk [tilespmem:v6+s13+$0x0], $0xffff  }
0x3d: {  	v6 =	vor.u32 $0x40, v6;
	_ =	sdelay $0x2  }
0x3e: {  	s1 =	sadd.s32 $0x10, s1  }
0x3f: {  	[tilespmem:s1+$0x0] =	vst v7  }
0x40: {  	v6 =	vld.idx.msk [tilespmem:v6+s13+$0x0], $0xffff;
	_ =	sdelay $0x3  }
0x41: {  	s0 =	sadd.s32 $0x10, s0  }
0x42: {  	s5 =	simm.s32 $0x4B00;
	[tilespmem:s0+$0x0] =	vst v6;
	s0 =	simm.s32 $0x38  }
0x43: {  	[tilespmem:s5], [sflag:$0x1] =	stream.indirect.gather [hbm4b:s7+s0], $0x40, s9, s0, $0xb8;
	[tilespmem:$0x1E510] =	vst v63  }
0x44: {  	s2 =	simm.s32 $0x5900;
	s1 =	simm.s32 $0x30  }
0x45: {  	[tilespmem:s2], [sflag:$0x2] =	stream.indirect.gather [hbm4b:s7+s1], $0x40, s0, s1, $0xb8;
	[tilespmem:$0x1E510] =	vst v63  }
0x46: {  	s6 =	simm.s32 $0x68;
	s3 =	simm.s32 $0x6500  }
0x47: {  	[tilespmem:s3], [sflag:$0x3] =	stream.indirect.gather [hbm4b:s7+s1], $0x40, s6, s1, $0xb8;
	[tilespmem:$0x1E510] =	vst v63  }
0x48: {  	s8 =	simm.s32 $0x98;
	s10 =	simm.s32 $0x7100  }
0x49: {  	[tilespmem:s10], [sflag:$0x4] =	stream.indirect.gather [hbm4b:s7+s1], $0x40, s8, s1, $0xb8;
	[tilespmem:$0x1E510] =	vst v63  }
0x4a: {  	s11 =	simm.s32 $0xC8;
	s14 =	simm.s32 $0x7D00  }
0x4b: {  	[tilespmem:s14], [sflag:$0x5] =	stream.indirect.gather [hbm4b:s7+s0], $0x40, s11, s0, $0xb8;
	[tilespmem:$0x1E510] =	vst v63  }
0x4c: {  	s15 =	simm.s32 $0x100;
	s16 =	simm.s32 $0x8B00  }
0x4d: {  	[tilespmem:s16], [sflag:$0x6] =	stream.indirect.gather [hbm4b:s7+s1], $0x40, s15, s1, $0xb8;
	[tilespmem:$0x1E510] =	vst v63  }
0x4e: {  	s17 =	simm.s32 $0x130;
	s18 =	simm.s32 $0x9700  }
0x4f: {  	[tilespmem:s18], [sflag:$0x7] =	stream.indirect.gather [hbm4b:s7+s1], $0x40, s17, s1, $0xb8;
	[tilespmem:$0x1E510] =	vst v63  }
0x50: {  	s19 =	simm.s32 $0x160;
	s28 =	simm.s32 $0xA300  }
0x51: {  	[tilespmem:s28], [sflag:$0x8] =	stream.indirect.gather [hbm4b:s7+s1], $0x40, s19, s1, $0xb8;
	[tilespmem:$0x1E510] =	vst v63  }
0x52: {  	s29 =	simm.s32 $0x190;
	s30 =	simm.s32 $0xAF00  }
0x53: {  	[tilespmem:s30], [sflag:$0x9] =	stream.indirect.gather [hbm4b:s7+s0], $0x40, s29, s0, $0xb8;
	[tilespmem:$0x1E510] =	vst v63  }
0x54: {  	s5 =	simm.s32 $0x1C8;
	s6 =	simm.s32 $0xBD00  }
0x55: {  	[tilespmem:s6], [sflag:$0xA] =	stream.indirect.gather [hbm4b:s7+s1], $0x40, s5, s1, $0xb8;
	[tilespmem:$0x1E510] =	vst v63  }
0x56: {  	s8 =	simm.s32 $0x1F8;
	s10 =	simm.s32 $0xC900  }
0x57: {  	[tilespmem:s10], [sflag:$0xB] =	stream.indirect.gather [hbm4b:s7+s1], $0x40, s8, s1, $0xb8;
	[tilespmem:$0x1E510] =	vst v63  }
0x58: {  	s11 =	simm.s32 $0x228;
	s14 =	simm.s32 $0xD500  }
0x59: {  	[tilespmem:s14], [sflag:$0xC] =	stream.indirect.gather [hbm4b:s7+s1], $0x40, s11, s1, $0xb8;
	[tilespmem:$0x1E510] =	vst v63  }
0x5a: {  	s15 =	simm.s32 $0x258;
	s16 =	simm.s32 $0xE100  }
0x5b: {  	[tilespmem:s16], [sflag:$0xD] =	stream.indirect.gather [hbm4b:s7+s0], $0x40, s15, s0, $0xb8;
	[tilespmem:$0x1E510] =	vst v63  }
0x5c: {  	s17 =	simm.s32 $0x290;
	s18 =	simm.s32 $0xEF00  }
0x5d: {  	[tilespmem:s18], [sflag:$0xE] =	stream.indirect.gather [hbm4b:s7+s1], $0x40, s17, s1, $0xb8;
	[tilespmem:$0x1E510] =	vst v63  }
0x5e: {  	s19 =	simm.s32 $0x2C0;
	s28 =	simm.s32 $0xFB00  }
0x5f: {  	[tilespmem:s28], [sflag:$0xF] =	stream.indirect.gather [hbm4b:s7+s1], $0x40, s19, s1, $0xb8;
	[tilespmem:$0x1E510] =	vst v63  }
0x60: {  	s29 =	simm.s32 $0x2F0;
	s30 =	simm.s32 $0x10700;
	s10 =	simm.s32 $0x0  }
0x61: {  	[tilespmem:s30], [sflag:$0x10] =	stream.indirect.gather [hbm4b:s7+s1], $0x40, s29, s1, $0xb8;
	[tilespmem:$0x1E510] =	vst v63  }
.LBB2_4:
0x62: {  	s0 =	simm.s32 $0x1  }
0x63: {  	_ =	swait.ge [sflag:s0], $0xE00  }
0x64: {  	[sflag:s0] =	ssyncset.done $0x0  }
0x65: {  	s11 =	simm.s32 $0x2;
	[sflag:s0] =	ssyncadd.s32 $0xFFFFF200  }
0x66: {  	_ =	swait.ge [sflag:s11], $0xC00  }
0x67: {  	[sflag:s11] =	ssyncset.done $0x0  }
0x68: {  	s14 =	simm.s32 $0x3;
	[sflag:s11] =	ssyncadd.s32 $0xFFFFF400  }
0x69: {  	_ =	swait.ge [sflag:s14], $0xC00  }
0x6a: {  	[sflag:s14] =	ssyncset.done $0x0  }
0x6b: {  	s15 =	simm.s32 $0x4;
	[sflag:s14] =	ssyncadd.s32 $0xFFFFF400  }
0x6c: {  	_ =	swait.ge [sflag:s15], $0xC00  }
0x6d: {  	[sflag:s15] =	ssyncset.done $0x0  }
0x6e: {  	s16 =	simm.s32 $0x5;
	[sflag:s15] =	ssyncadd.s32 $0xFFFFF400  }
0x6f: {  	_ =	swait.ge [sflag:s16], $0xE00  }
0x70: {  	[sflag:s16] =	ssyncset.done $0x0  }
0x71: {  	s17 =	simm.s32 $0x6;
	[sflag:s16] =	ssyncadd.s32 $0xFFFFF200  }
0x72: {  	_ =	swait.ge [sflag:s17], $0xC00  }
0x73: {  	[sflag:s17] =	ssyncset.done $0x0  }
0x74: {  	s18 =	simm.s32 $0x7;
	[sflag:s17] =	ssyncadd.s32 $0xFFFFF400  }
0x75: {  	_ =	swait.ge [sflag:s18], $0xC00  }
0x76: {  	[sflag:s18] =	ssyncset.done $0x0  }
0x77: {  	s2 =	simm.s32 $0x8;
	p0 =	por $0x1, $0x1;
	[sflag:s18] =	ssyncadd.s32 $0xFFFFF400  }
0x78: {  	s1 =	simm.s32 $0xFFFF3B;
	s0 =	simm.s32 $0x3;
	_ =	swait.ge [sflag:s2], $0xC00  }
0x79: {  	s1 =	smov.u32 @p0 s0;
	[sflag:s2] =	ssyncset.done $0x0  }
0x7a: {  	s0 =	sshll.u32 s1, $0x8;
	s16 =	simm.s32 $0x4B80;
	[sflag:s2] =	ssyncadd.s32 $0xFFFFF400  }
0x7b: {  	s0 =	sshra.s32 s0, $0x2;
	v6 =	vld [tilespmem:s16+$0x40]  }
0x7c: {  	v7 =	vld [tilespmem:s0+$0x1900]  }
0x7d: {  	s1 =	simm.s32 $0x1;
	s17 =	simm.s32 $0xC3;
	s2 =	simm.s32 $0xFFFF39  }
0x7e: {  	v8 =	vadd.s32 s17, v0;
	s2 =	smov.u32 @p0 s1  }
0x7f: {  	s3 =	simm.s32 $0xFFFF3A;
	s1 =	simm.s32 $0x2;
	s2 =	sshll.u32 s2, $0x8  }
0x80: {  	v10 =	vld [tilespmem:s16+$0xFFFFFFC0];
	s3 =	smov.u32 @p0 s1;
	s30 =	sshra.s32 s2, $0x2  }
0x81: {  	s1 =	sshll.u32 s3, $0x8;
	v9 =	vld [tilespmem:s30+$0x1900];
	v6 =	vadd.f32 v7, v6  }
0x82: {  	s28 =	simm.s32 $0x41;
	v12 =	vld [tilespmem:s16+$0x0];
	s19 =	sshra.s32 s1, $0x2  }
0x83: {  	v11 =	vadd.s32 s28, v0;
	v7 =	vld [tilespmem:s19+$0x1900];
	[tilespmem:v8+s12+$0x0] =	vst.idx.msk $0xffff, v6  }
0x84: {  	s29 =	simm.s32 $0x82;
	v6 =	vld [tilespmem:s16+$0x50]  }
0x85: {  	s5 =	simm.s32 $0xFFFFCE00;
	v8 =	vadd.s32 s29, v0;
	v13 =	vld [tilespmem:s0+$0x1910]  }
0x86: {  	s5 =	smov.u32 @p0 s9;
	v14 =	vld [tilespmem:s16+$0xFFFFFF80];
	v9 =	vadd.f32 v9, v10  }
0x87: {  	v15 =	vadd.s32 s17, v1;
	v10 =	vld [tilespmem:s5+$0x1900]  }
0x88: {  	v7 =	vadd.f32 v7, v12;
	[tilespmem:v11+s12+$0x0] =	vst.idx.msk $0xffff, v9  }
0x89: {  	v9 =	vadd.s32 s9, v0;
	v11 =	vld [tilespmem:s16+$0xFFFFFFD0]  }
0x8a: {  	[tilespmem:v8+s12+$0x0] =	vst.idx.msk $0xffff, v7;
	v7 =	vld [tilespmem:s30+$0x1910];
	v6 =	vadd.f32 v13, v6  }
0x8b: {  	v8 =	vld [tilespmem:s16+$0x10]  }
0x8c: {  	v10 =	vadd.f32 v10, v14;
	v13 =	vld [tilespmem:s19+$0x1910];
	[tilespmem:v15+s12+$0x0] =	vst.idx.msk $0xffff, v6  }
0x8d: {  	v12 =	vadd.s32 s28, v1;
	v6 =	vld [tilespmem:s16+$0x60]  }
0x8e: {  	[tilespmem:v9+s12+$0x0] =	vst.idx.msk $0xffff, v10;
	v9 =	vld [tilespmem:s0+$0x1920]  }
0x8f: {  	v10 =	vld [tilespmem:s16+$0xFFFFFF90]  }
0x90: {  	v7 =	vadd.f32 v7, v11;
	v11 =	vld [tilespmem:s5+$0x1910]  }
0x91: {  	s6 =	simm.s32 $0xFFFF3D;
	p0 =	por $0x1, $0x1;
	s3 =	simm.s32 $0x5;
	v15 =	vadd.s32 s17, v2  }
0x92: {  	s15 =	simm.s32 $0x4C80;
	s6 =	smov.u32 @p0 s3;
	[tilespmem:v12+s12+$0x0] =	vst.idx.msk $0xffff, v7;
	v7 =	vadd.f32 v13, v8;
	v8 =	vadd.s32 s9, v1  }
0x93: {  	v17 =	vld [tilespmem:s15+$0xFFFFFF80];
	s14 =	sshll.u32 s6, $0x8  }
0x94: {  	v22 =	vld [tilespmem:s15+$0xFFFFFFC0];
	s6 =	sshra.s32 s14, $0x2;
	v14 =	vadd.s32 s29, v1;
	v6 =	vadd.f32 v9, v6  }
0x95: {  	v18 =	vld [tilespmem:s6+$0x1900];
	v9 =	vadd.f32 v11, v10  }
0x96: {  	v12 =	vld [tilespmem:s16+$0xFFFFFFE0];
	[tilespmem:v15+s12+$0x0] =	vst.idx.msk $0xffff, v6  }
0x97: {  	s1 =	simm.s32 $0xFFFF3F;
	[tilespmem:v8+s12+$0x0] =	vst.idx.msk $0xffff, v9;
	v8 =	vld [tilespmem:s0+$0x1930];
	s0 =	simm.s32 $0x7  }
0x98: {  	v13 =	vld [tilespmem:s30+$0x1920];
	s1 =	smov.u32 @p0 s0  }
0x99: {  	[tilespmem:v14+s12+$0x0] =	vst.idx.msk $0xffff, v7;
	v14 =	vld [tilespmem:s15+$0x40];
	s1 =	sshll.u32 s1, $0x8  }
0x9a: {  	v7 =	vld [tilespmem:s16+$0x20];
	s1 =	sshra.s32 s1, $0x2  }
0x9b: {  	s8 =	simm.s32 $0xFFFF3E;
	s0 =	simm.s32 $0x6;
	v15 =	vld [tilespmem:s1+$0x1900]  }
0x9c: {  	v16 =	vadd.s32 s28, v2;
	v10 =	vld [tilespmem:s19+$0x1920];
	s8 =	smov.u32 @p0 s0;
	s0 =	simm.s32 $0x1C7  }
0x9d: {  	s11 =	simm.s32 $0xFFFFCF00;
	s14 =	simm.s32 $0x100;
	v6 =	vld [tilespmem:s16+$0x70];
	v19 =	vadd.s32 s0, v0  }
0x9e: {  	s11 =	smov.u32 @p0 s14;
	v9 =	vld [tilespmem:s16+$0xFFFFFFA0];
	s18 =	sshll.u32 s8, $0x8  }
0x9f: {  	v12 =	vadd.f32 v13, v12;
	v13 =	vld [tilespmem:s11+$0x1900];
	s8 =	sshra.s32 s18, $0x2  }
0xa0: {  	v21 =	vadd.s32 s29, v2;
	s14 =	simm.s32 $0x104;
	v20 =	vld [tilespmem:s8+$0x1900];
	v14 =	vadd.f32 v15, v14  }
0xa1: {  	s3 =	simm.s32 $0x145;
	[tilespmem:v16+s12+$0x0] =	vst.idx.msk $0xffff, v12;
	v12 =	vadd.s32 s14, v0;
	v15 =	vld [tilespmem:s15+$0x0]  }
0xa2: {  	v16 =	vadd.s32 s3, v0;
	[tilespmem:v19+s12+$0x0] =	vst.idx.msk $0xffff, v14;
	v14 =	vld [tilespmem:s30+$0x1930]  }
0xa3: {  	v7 =	vadd.f32 v10, v7;
	s30 =	simm.s32 $0x186;
	v10 =	vld [tilespmem:s15+$0x50]  }
0xa4: {  	v13 =	vadd.f32 v13, v17;
	v19 =	vadd.s32 s30, v0;
	v17 =	vld [tilespmem:s1+$0x1910]  }
0xa5: {  	v18 =	vadd.f32 v18, v22;
	v11 =	vld [tilespmem:s5+$0x1920];
	[tilespmem:v21+s12+$0x0] =	vst.idx.msk $0xffff, v7  }
0xa6: {  	v7 =	vld [tilespmem:s16+$0xFFFFFFF0];
	[tilespmem:v12+s12+$0x0] =	vst.idx.msk $0xffff, v13;
	v12 =	vadd.s32 s0, v1  }
0xa7: {  	v21 =	vld [tilespmem:s16+$0x30];
	[tilespmem:v16+s12+$0x0] =	vst.idx.msk $0xffff, v18;
	v13 =	vadd.f32 v20, v15  }
0xa8: {  	v16 =	vld [tilespmem:s15+$0xFFFFFFD0]  }
0xa9: {  	[tilespmem:v19+s12+$0x0] =	vst.idx.msk $0xffff, v13;
	v13 =	vld [tilespmem:s6+$0x1910];
	v10 =	vadd.f32 v17, v10  }
0xaa: {  	v18 =	vld [tilespmem:s15+$0x10]  }
0xab: {  	v17 =	vadd.s32 s9, v2;
	v20 =	vld [tilespmem:s8+$0x1910];
	[tilespmem:v12+s12+$0x0] =	vst.idx.msk $0xffff, v10  }
0xac: {  	v19 =	vadd.s32 s3, v1;
	v12 =	vld [tilespmem:s15+$0x60]  }
0xad: {  	v9 =	vadd.f32 v11, v9;
	v11 =	vadd.s32 s30, v1;
	v22 =	vld [tilespmem:s1+$0x1920]  }
0xae: {  	v23 =	vld [tilespmem:s11+$0x1910]  }
0xaf: {  	v15 =	vld [tilespmem:s15+$0xFFFFFF90];
	v10 =	vadd.f32 v13, v16  }
0xb0: {  	[tilespmem:v17+s12+$0x0] =	vst.idx.msk $0xffff, v9;
	v9 =	vadd.s32 s0, v2;
	v16 =	vld [tilespmem:s19+$0x1930];
	v13 =	vadd.f32 v20, v18  }
0xb1: {  	v17 =	vadd.s32 s14, v1;
	[tilespmem:v19+s12+$0x0] =	vst.idx.msk $0xffff, v10;
	v10 =	vld [tilespmem:s16+$0xFFFFFFB0]  }
0xb2: {  	v18 =	vld [tilespmem:s15+$0xFFFFFFE0];
	[tilespmem:v11+s12+$0x0] =	vst.idx.msk $0xffff, v13;
	v11 =	vadd.f32 v22, v12;
	v12 =	vadd.s32 s28, v3  }
0xb3: {  	v20 =	vld [tilespmem:s6+$0x1920]  }
0xb4: {  	v15 =	vadd.f32 v23, v15;
	v19 =	vadd.s32 s17, v3;
	v22 =	vld [tilespmem:s15+$0x20]  }
0xb5: {  	v24 =	vadd.s32 s29, v3;
	v6 =	vadd.f32 v8, v6;
	v8 =	vadd.f32 v14, v7;
	v23 =	vld [tilespmem:s8+$0x1920];
	[tilespmem:v9+s12+$0x0] =	vst.idx.msk $0xffff, v11  }
0xb6: {  	p1 =	por $0x1, $0x1;
	s2 =	simm.s32 $0x9;
	v25 =	vadd.s32 s3, v2;
	s18 =	simm.s32 $0xFFFF41;
	[tilespmem:v17+s12+$0x0] =	vst.idx.msk $0xffff, v15;
	v13 =	vld [tilespmem:s15+$0x70]  }
0xb7: {  	s29 =	simm.s32 $0xFFFF43;
	s18 =	smov.u32 @p1 s2;
	s19 =	simm.s32 $0xB;
	v14 =	vld [tilespmem:s1+$0x1930];
	[tilespmem:v12+s12+$0x0] =	vst.idx.msk $0xffff, v8;
	v12 =	vadd.s32 s30, v2  }
0xb8: {  	s2 =	sshll.u32 s18, $0x8;
	s29 =	smov.u32 @p1 s19;
	v9 =	vadd.f32 v16, v21;
	v17 =	vld [tilespmem:s15+$0xFFFFFFA0]  }
0xb9: {  	v7 =	vadd.s32 s9, v3;
	s16 =	simm.s32 $0x200;
	s17 =	simm.s32 $0xA;
	v16 =	vadd.s32 s0, v3;
	s1 =	simm.s32 $0xFFFF42;
	[tilespmem:v19+s12+$0x0] =	vst.idx.msk $0xffff, v6;
	v19 =	vadd.f32 v20, v18;
	v18 =	vld [tilespmem:s11+$0x1920]  }
0xba: {  	s19 =	sshll.u32 s29, $0x8;
	v11 =	vadd.s32 s14, v2;
	v15 =	vld [tilespmem:s5+$0x1930];
	v6 =	vadd.s32 s14, v3;
	[tilespmem:v24+s12+$0x0] =	vst.idx.msk $0xffff, v9;
	s1 =	smov.u32 @p1 s17;
	s17 =	simm.s32 $0x4D80;
	v20 =	vadd.f32 v23, v22  }
0xbb: {  	s29 =	simm.s32 $0xC;
	s28 =	simm.s32 $0xFFFFD000;
	s5 =	sshra.s32 s19, $0x2;
	v9 =	vadd.s32 s30, v3;
	v8 =	vadd.s32 s3, v3;
	[tilespmem:v25+s12+$0x0] =	vst.idx.msk $0xffff, v19;
	v19 =	vld [tilespmem:s17+$0x40]  }
.LBB2_5:
0xbc: {  	p0 =	slt.u32 s29, $0x18C;
	s0 =	sshll.u32 s1, $0x8;
	v21 =	vld [tilespmem:s5+$0x1900];
	[tilespmem:v12+s12+$0x0] =	vst.idx.msk $0xffff, v20;
	v12 =	vadd.f32 v14, v13;
	s14 =	sadd.s32 $0x104, s14  }
0xbd: {  	s1 =	sshra.s32 s2, $0x2;
	v13 =	vld [tilespmem:s17+$0xFFFFFF80];
	v14 =	vadd.s32 s14, v0;
	v20 =	vadd.s32 s14, v1;
	v22 =	vadd.s32 s14, v2;
	s0 =	sshra.s32 s0, $0x2;
	s2 =	sadd.s32 $0xC3, s14  }
0xbe: {  	s28 =	smov.u32 @p1 s16;
	v23 =	vadd.s32 s14, v3;
	s3 =	sadd.s32 $0x41, s14;
	s18 =	sadd.s32 $0x82, s14;
	v24 =	vld [tilespmem:s1+$0x1900];
	v25 =	vadd.s32 s2, v0;
	v17 =	vadd.f32 v18, v17;
	[tilespmem:v16+s12+$0x0] =	vst.idx.msk $0xffff, v12  }
0xbf: {  	s30 =	smov.u32 s11;
	s11 =	smov.u32 s28;
	v16 =	vadd.s32 s3, v0;
	v18 =	vadd.s32 s3, v1;
	v27 =	vadd.s32 s18, v0;
	v26 =	vld [tilespmem:s0+$0x1900]  }
0xc0: {  	v29 =	vadd.s32 s3, v2;
	v30 =	vadd.s32 s18, v1;
	v12 =	vadd.s32 s18, v2;
	v28 =	vld [tilespmem:s11+$0x1900];
	[tilespmem:v11+s12+$0x0] =	vst.idx.msk $0xffff, v17;
	v11 =	vmovc v22  }
0xc1: {  	v10 =	vadd.f32 v15, v10;
	v22 =	vadd.s32 s3, v3;
	v17 =	vld [tilespmem:s17+$0xFFFFFFC0];
	v19 =	vadd.f32 v21, v19  }
0xc2: {  	v21 =	vadd.s32 s18, v3;
	v15 =	vld [tilespmem:s17+$0x0]  }
0xc3: {  	[tilespmem:v25+s12+$0x0] =	vst.idx.msk $0xffff, v19;
	v19 =	vld [tilespmem:s15+$0xFFFFFFF0]  }
0xc4: {  	v25 =	vld [tilespmem:s17+$0x50];
	[tilespmem:v7+s12+$0x0] =	vst.idx.msk $0xffff, v10;
	v7 =	vmov v6;
	v6 =	vmov v23  }
0xc5: {  	v10 =	vadd.f32 v28, v13;
	v13 =	vld [tilespmem:s5+$0x1910]  }
0xc6: {  	v17 =	vadd.f32 v24, v17;
	v23 =	vld [tilespmem:s6+$0x1930];
	s6 =	smov.u32 s1  }
0xc7: {  	[tilespmem:v14+s12+$0x0] =	vst.idx.msk $0xffff, v10;
	v10 =	vadd.f32 v26, v15;
	v14 =	vadd.s32 s2, v1;
	v15 =	vld [tilespmem:s15+$0x30]  }
0xc8: {  	v24 =	vld [tilespmem:s17+$0xFFFFFF90];
	[tilespmem:v16+s12+$0x0] =	vst.idx.msk $0xffff, v17  }
0xc9: {  	v16 =	vld [tilespmem:s17+$0xFFFFFFD0];
	[tilespmem:v27+s12+$0x0] =	vst.idx.msk $0xffff, v10  }
0xca: {  	v10 =	vld [tilespmem:s6+$0x1910];
	v13 =	vadd.f32 v13, v25  }
0xcb: {  	v17 =	vld [tilespmem:s17+$0x10];
	v19 =	vadd.f32 v23, v19  }
0xcc: {  	v23 =	vld [tilespmem:s0+$0x1910];
	[tilespmem:v14+s12+$0x0] =	vst.idx.msk $0xffff, v13  }
0xcd: {  	v13 =	vld [tilespmem:s17+$0x60];
	[tilespmem:v8+s12+$0x0] =	vst.idx.msk $0xffff, v19;
	v8 =	vmov v22  }
0xce: {  	v14 =	vld [tilespmem:s5+$0x1920]  }
0xcf: {  	v19 =	vld [tilespmem:s11+$0x1910];
	v10 =	vadd.f32 v10, v16  }
0xd0: {  	v16 =	vadd.s32 s2, v2;
	v22 =	vld [tilespmem:s8+$0x1930];
	s8 =	smov.u32 s0  }
0xd1: {  	[tilespmem:v18+s12+$0x0] =	vst.idx.msk $0xffff, v10;
	v17 =	vadd.f32 v23, v17;
	v10 =	vld [tilespmem:s15+$0xFFFFFFB0];
	s15 =	smov.u32 s17  }
0xd2: {  	v18 =	vld [tilespmem:s17+$0xFFFFFFE0]  }
0xd3: {  	v23 =	vld [tilespmem:s6+$0x1920];
	[tilespmem:v30+s12+$0x0] =	vst.idx.msk $0xffff, v17;
	v13 =	vadd.f32 v14, v13  }
0xd4: {  	v14 =	vadd.f32 v19, v24;
	v19 =	vld [tilespmem:s17+$0x20]  }
0xd5: {  	v24 =	vld [tilespmem:s8+$0x1920];
	[tilespmem:v16+s12+$0x0] =	vst.idx.msk $0xffff, v13;
	v15 =	vadd.f32 v22, v15  }
0xd6: {  	s16 =	sadd.s32 $0x100, s16;
	s3 =	sadd.s32 $0xFFFF39, s29;
	s0 =	sadd.s32 $0x1, s29;
	[tilespmem:v20+s12+$0x0] =	vst.idx.msk $0xffff, v14;
	v13 =	vld [tilespmem:s17+$0x70]  }
.Ltmp1:
0xd7: {  	s18 =	sadd.s32 $0x2, s29;
	s1 =	sadd.s32 $0xFFFF3A, s29;
	v14 =	vld [tilespmem:s5+$0x1930];
	[tilespmem:v9+s12+$0x0] =	vst.idx.msk $0xffff, v15;
	(pc) =	sbr.rel @p0 .LBB2_5-.Ltmp1, $4  }
0xd8: {  	p1 =	slt.u32 s29, $0xC8;
	s19 =	sadd.s32 $0xFFFF3B, s29;
	s5 =	sadd.s32 $0x3, s29;
	v9 =	vmov v21;
	v17 =	vld [tilespmem:s17+$0xFFFFFFA0];
	v15 =	vadd.f32 v23, v18  }
0xd9: {  	s28 =	sadd.s32 $0xFFFFCE00, s16;
	s3 =	smov.u32 @p1 s0;
	v16 =	vadd.s32 s2, v3;
	s19 =	smov.u32 @p1 s5;
	v18 =	vld [tilespmem:s11+$0x1920]  }
0xda: {  	s1 =	smov.u32 @p1 s18;
	s17 =	sadd.s32 $0x100, s17;
	s0 =	sshll.u32 s19, $0x8;
	[tilespmem:v29+s12+$0x0] =	vst.idx.msk $0xffff, v15;
	v20 =	vadd.f32 v24, v19;
	v15 =	vld [tilespmem:s30+$0x1930]  }
0xdb: {  	s2 =	sshll.u32 s3, $0x8;
	s29 =	sadd.s32 $0x4, s29;
	s5 =	sshra.s32 s0, $0x2;
	v19 =	vld [tilespmem:s17+$0x40]  }
0xdc: {  	v21 =	vld [tilespmem:s5+$0x1900]  }
0xdd: {  	v22 =	vld [tilespmem:s17+$0xFFFFFF80]  }
0xde: {  	v27 =	vld [tilespmem:s17+$0xFFFFFFC0]  }
0xdf: {  	s0 =	sadd.s32 $0x104, s14;
	v28 =	vld [tilespmem:s17+$0x0]  }
0xe0: {  	s3 =	sshra.s32 s2, $0x2;
	v57 =	vld [tilespmem:s15+$0xFFFFFFF0];
	s29 =	sadd.s32 $0xC3, s0  }
0xe1: {  	s28 =	smov.u32 @p1 s16;
	v23 =	vld [tilespmem:s3+$0x1900];
	v24 =	vadd.s32 s29, v0  }
0xe2: {  	[tilespmem:v12+s12+$0x0] =	vst.idx.msk $0xffff, v20;
	v26 =	vld [tilespmem:s28+$0x1900];
	s14 =	sadd.s32 $0x41, s0  }
0xe3: {  	s1 =	sshll.u32 s1, $0x8;
	v60 =	vld [tilespmem:s15+$0x30];
	v29 =	vadd.s32 s14, v0;
	v17 =	vadd.f32 v18, v17  }
0xe4: {  	s1 =	sshra.s32 s1, $0x2;
	v39 =	vld [tilespmem:s8+$0x1930];
	v19 =	vadd.f32 v21, v19  }
0xe5: {  	v55 =	vadd.s32 s0, v0;
	v25 =	vld [tilespmem:s1+$0x1900];
	[tilespmem:v11+s12+$0x0] =	vst.idx.msk $0xffff, v17  }
0xe6: {  	s30 =	sadd.s32 $0x82, s0;
	v41 =	vld [tilespmem:s15+$0xFFFFFFB0];
	v58 =	vadd.f32 v23, v27;
	[tilespmem:v24+s12+$0x0] =	vst.idx.msk $0xffff, v19  }
0xe7: {  	v30 =	vadd.s32 s30, v0;
	v24 =	vld [tilespmem:s17+$0x50]  }
0xe8: {  	v22 =	vadd.f32 v26, v22;
	v56 =	vld [tilespmem:s5+$0x1910];
	[tilespmem:v29+s12+$0x0] =	vst.idx.msk $0xffff, v58  }
0xe9: {  	v20 =	vld [tilespmem:s17+$0xFFFFFFD0]  }
0xea: {  	v59 =	vadd.s32 s29, v1;
	v61 =	vadd.f32 v25, v28;
	[tilespmem:v55+s12+$0x0] =	vst.idx.msk $0xffff, v22;
	v63 =	vld [tilespmem:s3+$0x1910]  }
0xeb: {  	v62 =	vld [tilespmem:s17+$0xFFFFFF90]  }
0xec: {  	v33 =	vadd.s32 s14, v1;
	[tilespmem:v30+s12+$0x0] =	vst.idx.msk $0xffff, v61;
	v36 =	vld [tilespmem:s28+$0x1910]  }
0xed: {  	v32 =	vld [tilespmem:s17+$0x10];
	v24 =	vadd.f32 v56, v24  }
0xee: {  	v38 =	vadd.s32 s0, v1;
	v34 =	vld [tilespmem:s1+$0x1910]  }
0xef: {  	v51 =	vld [tilespmem:s11+$0x1930];
	v20 =	vadd.f32 v63, v20;
	[tilespmem:v59+s12+$0x0] =	vst.idx.msk $0xffff, v24  }
0xf0: {  	v35 =	vadd.s32 s30, v1;
	v21 =	vld [tilespmem:s17+$0x60]  }
0xf1: {  	v44 =	vadd.f32 v36, v62;
	v37 =	vld [tilespmem:s5+$0x1920];
	[tilespmem:v33+s12+$0x0] =	vst.idx.msk $0xffff, v20  }
0xf2: {  	v27 =	vld [tilespmem:s17+$0xFFFFFFE0]  }
0xf3: {  	v42 =	vadd.s32 s29, v2;
	v40 =	vadd.f32 v34, v32;
	[tilespmem:v38+s12+$0x0] =	vst.idx.msk $0xffff, v44;
	v43 =	vld [tilespmem:s3+$0x1920]  }
0xf4: {  	v17 =	vld [tilespmem:s17+$0xFFFFFFA0]  }
0xf5: {  	v45 =	vadd.s32 s14, v2;
	[tilespmem:v35+s12+$0x0] =	vst.idx.msk $0xffff, v40;
	v48 =	vld [tilespmem:s28+$0x1920]  }
0xf6: {  	v18 =	vld [tilespmem:s17+$0x20];
	v21 =	vadd.f32 v37, v21  }
0xf7: {  	v49 =	vadd.s32 s0, v2;
	v46 =	vld [tilespmem:s1+$0x1920]  }
0xf8: {  	v19 =	vld [tilespmem:s6+$0x1930];
	v27 =	vadd.f32 v43, v27;
	[tilespmem:v42+s12+$0x0] =	vst.idx.msk $0xffff, v21  }
0xf9: {  	v47 =	vadd.s32 s30, v2;
	v26 =	vld [tilespmem:s17+$0x70]  }
0xfa: {  	v17 =	vadd.f32 v48, v17;
	v50 =	vld [tilespmem:s5+$0x1930];
	[tilespmem:v45+s12+$0x0] =	vst.idx.msk $0xffff, v27  }
0xfb: {  	v10 =	vadd.f32 v15, v10;
	v52 =	vld [tilespmem:s17+$0xFFFFFFF0]  }
0xfc: {  	v18 =	vadd.f32 v46, v18;
	[tilespmem:v49+s12+$0x0] =	vst.idx.msk $0xffff, v17;
	v53 =	vld [tilespmem:s3+$0x1930]  }
0xfd: {  	[tilespmem:v7+s12+$0x0] =	vst.idx.msk $0xffff, v10;
	v12 =	vadd.f32 v19, v57;
	v57 =	vld [tilespmem:s17+$0xFFFFFFB0]  }
0xfe: {  	v7 =	vadd.f32 v39, v60;
	[tilespmem:v47+s12+$0x0] =	vst.idx.msk $0xffff, v18;
	v59 =	vld [tilespmem:s28+$0x1930]  }
0xff: {  	v13 =	vadd.f32 v14, v13;
	v55 =	vadd.s32 s29, v3;
	v54 =	vld [tilespmem:s17+$0x30]  }
0x100: {  	v58 =	vadd.s32 s14, v3;
	[tilespmem:v9+s12+$0x0] =	vst.idx.msk $0xffff, v7;
	v7 =	vadd.f32 v51, v41;
	v56 =	vld [tilespmem:s1+$0x1930]  }
0x101: {  	[tilespmem:v16+s12+$0x0] =	vst.idx.msk $0xffff, v13;
	v62 =	vadd.s32 s0, v3  }
0x102: {  	v60 =	vadd.s32 s30, v3;
	[tilespmem:v6+s12+$0x0] =	vst.idx.msk $0xffff, v7;
	v61 =	vadd.f32 v50, v26  }
0x103: {  	p0 =	seq.s32 s10, $0x7;
	[tilespmem:v8+s12+$0x0] =	vst.idx.msk $0xffff, v12;
	v63 =	vadd.f32 v53, v52  }
0x104: {  	s0 =	smul.u32 @!p0 $0xC80, s10;
	v7 =	vadd.f32 v59, v57;
	[tilespmem:v55+s12+$0x0] =	vst.idx.msk $0xffff, v61  }
0x105: {  	v6 =	vadd.f32 v56, v54;
	[tilespmem:v58+s12+$0x0] =	vst.idx.msk $0xffff, v63  }
0x106: {  	s15 =	sshra.s32 @!p0 s0, $0x2;
	[tilespmem:v62+s12+$0x0] =	vst.idx.msk $0xffff, v7  }
0x107: {  	s2 =	simm.s32 @!p0 $0x4B00;
	s0 =	sadd.s32 @!p0 $0x320, s15;
	s1 =	simm.s32 @!p0 $0x38;
	[tilespmem:v60+s12+$0x0] =	vst.idx.msk $0xffff, v6  }
0x108: {  	[tilespmem:s2], [sflag:$0x1] =	stream.indirect.gather @!p0 [hbm4b:s7+s1], $0x40, s0, s1, $0xb8;
	[tilespmem:$0x1E510] =	vst v63  }
0x109: {  	s3 =	simm.s32 @!p0 $0x5900;
	s0 =	sadd.s32 @!p0 $0x358, s15;
	s2 =	simm.s32 @!p0 $0x30  }
0x10a: {  	[tilespmem:s3], [sflag:$0x2] =	stream.indirect.gather @!p0 [hbm4b:s7+s2], $0x40, s0, s2, $0xb8;
	[tilespmem:$0x1E510] =	vst v63  }
0x10b: {  	s0 =	sadd.s32 @!p0 $0x388, s15;
	s3 =	simm.s32 @!p0 $0x6500  }
0x10c: {  	[tilespmem:s3], [sflag:$0x3] =	stream.indirect.gather @!p0 [hbm4b:s7+s2], $0x40, s0, s2, $0xb8;
	[tilespmem:$0x1E510] =	vst v63  }
0x10d: {  	s0 =	sadd.s32 @!p0 $0x3B8, s15;
	s3 =	simm.s32 @!p0 $0x7100  }
0x10e: {  	[tilespmem:s3], [sflag:$0x4] =	stream.indirect.gather @!p0 [hbm4b:s7+s2], $0x40, s0, s2, $0xb8;
	[tilespmem:$0x1E510] =	vst v63  }
0x10f: {  	s0 =	sadd.s32 @!p0 $0x3E8, s15;
	s3 =	simm.s32 @!p0 $0x7D00  }
0x110: {  	[tilespmem:s3], [sflag:$0x5] =	stream.indirect.gather @!p0 [hbm4b:s7+s1], $0x40, s0, s1, $0xb8;
	[tilespmem:$0x1E510] =	vst v63  }
0x111: {  	s0 =	sadd.s32 @!p0 $0x420, s15;
	s1 =	simm.s32 @!p0 $0x8B00  }
0x112: {  	[tilespmem:s1], [sflag:$0x6] =	stream.indirect.gather @!p0 [hbm4b:s7+s2], $0x40, s0, s2, $0xb8;
	[tilespmem:$0x1E510] =	vst v63  }
0x113: {  	s11 =	simm.s32 $0x0;
	s0 =	sadd.s32 @!p0 $0x450, s15;
	s1 =	simm.s32 @!p0 $0x9700  }
0x114: {  	[tilespmem:s1], [sflag:$0x7] =	stream.indirect.gather @!p0 [hbm4b:s7+s2], $0x40, s0, s2, $0xb8;
	[tilespmem:$0x1E510] =	vst v63  }
0x115: {  	s17 =	simm.s32 $0x0;
	s0 =	sadd.s32 @!p0 $0x480, s15;
	s1 =	simm.s32 @!p0 $0xA300  }
0x116: {  	[tilespmem:s1], [sflag:$0x8] =	stream.indirect.gather @!p0 [hbm4b:s7+s2], $0x40, s0, s2, $0xb8;
	[tilespmem:$0x1E510] =	vst v63  }
.LBB2_7:
0x117: {  	s0 =	sshll.u32 s17, $0x4  }
0x118: {  	v6 =	vmov s0  }
0x119: {  	v6 =	vmul.u32 $0x41, v6;
	_ =	sdelay $0x1  }
0x11a: {  	v6 =	vbroadcast v6, $0x0;
	_ =	sdelay $0x1  }
0x11b: {  	v6 =	vadd.s32 v4, v6  }
0x11c: {  	v7 =	vadd.s32 s11, v6  }
0x11d: {  	v7 =	vand.u32 $0xFFFFFFF8, v7  }
0x11e: {  	v7 =	vor.u32 v5, v7  }
0x11f: {  	s16 =	simm.s32 $0x1  }
0x120: {  	v8 =	vadd.s32 s16, v6  }
0x121: {  	s18 =	simm.s32 $0x2  }
0x122: {  	v9 =	vadd.s32 s18, v6  }
0x123: {  	s19 =	simm.s32 $0x3;
	v10 =	vld.idx.msk [tilespmem:v7+s12+$0x0], $0xffff  }
0x124: {  	v11 =	vadd.s32 s19, v6  }
0x125: {  	s28 =	simm.s32 $0x4;
	v7 =	vld.idx.msk [tilespmem:v8+s12+$0x0], $0xffff  }
0x126: {  	s29 =	simm.s32 $0x5;
	v13 =	vadd.s32 s28, v6  }
0x127: {  	v12 =	vadd.s32 s29, v6;
	v9 =	vld.idx.msk [tilespmem:v9+s12+$0x0], $0xffff  }
0x128: {  	s5 =	simm.s32 $0x8;
	s30 =	simm.s32 $0x6;
	v15 =	vmul.f32 v10, v10  }
0x129: {  	v16 =	vimm.f32 $0.0e+00;
	v18 =	vadd.s32 s5, v6;
	v8 =	vld.idx.msk [tilespmem:v11+s12+$0x0], $0xffff;
	v11 =	vadd.s32 s30, v6  }
0x12a: {  	s1 =	simm.s32 $0x7;
	v14 =	vadd.f32 v10, v16;
	v17 =	vmul.f32 v7, v7;
	v15 =	vadd.f32 v15, v16  }
0x12b: {  	s0 =	simm.s32 $0x10;
	v10 =	vld.idx.msk [tilespmem:v13+s12+$0x0], $0xffff;
	v13 =	vadd.s32 s1, v6;
	v16 =	vand.u32 $0xFFFFFFF8, v18  }
.LBB2_8:
0x12c: {  	p1 =	slt.u32 s0, $0x38;
	v7 =	vadd.f32 v7, v14;
	v14 =	vadd.f32 v17, v15;
	v15 =	vmul.f32 v9, v9;
	v12 =	vld.idx.msk [tilespmem:v12+s12+$0x0], $0xffff  }
0x12d: {  	v16 =	vor.u32 v5, v16  }
0x12e: {  	s1 =	sadd.s32 $0x1, s5;
	v7 =	vadd.f32 v9, v7;
	v9 =	vadd.f32 v15, v14;
	v14 =	vmul.f32 v8, v8;
	v11 =	vld.idx.msk [tilespmem:v11+s12+$0x0], $0xffff  }
0x12f: {  	v15 =	vadd.s32 s1, v6  }
0x130: {  	s1 =	sadd.s32 $0x2, s5;
	v7 =	vadd.f32 v8, v7;
	v8 =	vadd.f32 v14, v9;
	v9 =	vmul.f32 v10, v10;
	v13 =	vld.idx.msk [tilespmem:v13+s12+$0x0], $0xffff  }
0x131: {  	v14 =	vadd.s32 s1, v6  }
0x132: {  	s1 =	sadd.s32 $0x3, s5;
	v16 =	vld.idx.msk [tilespmem:v16+s12+$0x0], $0xffff;
	v10 =	vadd.f32 v10, v7;
	v8 =	vadd.f32 v9, v8;
	v9 =	vmul.f32 v12, v12  }
0x133: {  	v17 =	vadd.s32 s1, v6  }
0x134: {  	s1 =	sadd.s32 $0x4, s5;
	v7 =	vld.idx.msk [tilespmem:v15+s12+$0x0], $0xffff;
	v10 =	vadd.f32 v12, v10;
	v8 =	vadd.f32 v9, v8;
	v12 =	vmul.f32 v11, v11  }
0x135: {  	v18 =	vadd.s32 s1, v6  }
0x136: {  	s1 =	sadd.s32 $0x5, s5;
	v9 =	vld.idx.msk [tilespmem:v14+s12+$0x0], $0xffff;
	v10 =	vadd.f32 v11, v10;
	v11 =	vadd.f32 v12, v8;
	v14 =	vmul.f32 v13, v13  }
.Ltmp2:
0x137: {  	v12 =	vadd.s32 s1, v6;
	(pc) =	sbr.rel @p1 .LBB2_8-.Ltmp2, $4  }
0x138: {  	s1 =	sadd.s32 $0x6, s5;
	v15 =	vmul.f32 v16, v16;
	v8 =	vld.idx.msk [tilespmem:v17+s12+$0x0], $0xffff;
	v10 =	vadd.f32 v13, v10;
	v13 =	vadd.f32 v14, v11  }
0x139: {  	v19 =	vadd.s32 s0, v6;
	v11 =	vadd.s32 s1, v6  }
0x13a: {  	s1 =	sadd.s32 $0x7, s5;
	s5 =	smov.u32 s0;
	v17 =	vmul.f32 v7, v7;
	v14 =	vadd.f32 v16, v10;
	v15 =	vadd.f32 v15, v13;
	v10 =	vld.idx.msk [tilespmem:v18+s12+$0x0], $0xffff  }
0x13b: {  	s0 =	sadd.s32 $0x8, s0;
	v16 =	vand.u32 $0xFFFFFFF8, v19;
	v13 =	vadd.s32 s1, v6  }
0x13c: {  	_ = 	snop  }
0x13d: {  	v7 =	vadd.f32 v7, v14;
	_ =	sdelay $0x1  }
0x13e: {  	v14 =	vadd.f32 v17, v15;
	v15 =	vmul.f32 v9, v9;
	v7 =	vadd.f32 v9, v7  }
0x13f: {  	v9 =	vld.idx.msk [tilespmem:v12+s12+$0x0], $0xffff;
	v12 =	vor.u32 v5, v16  }
0x140: {  	s0 =	sadd.s32 $0x1, s5;
	v14 =	vadd.f32 v15, v14;
	v15 =	vmul.f32 v8, v8;
	v7 =	vadd.f32 v8, v7  }
0x141: {  	v8 =	vld.idx.msk [tilespmem:v11+s12+$0x0], $0xffff;
	v11 =	vadd.s32 s0, v6  }
0x142: {  	s30 =	sadd.s32 $0x2, s5;
	v14 =	vadd.f32 v15, v14;
	v15 =	vmul.f32 v10, v10;
	v7 =	vadd.f32 v10, v7  }
0x143: {  	v10 =	vld.idx.msk [tilespmem:v13+s12+$0x0], $0xffff;
	v13 =	vadd.s32 s30, v6  }
0x144: {  	s1 =	sadd.s32 $0x3, s5;
	v14 =	vadd.f32 v15, v14;
	v15 =	vmul.f32 v9, v9;
	v7 =	vadd.f32 v9, v7  }
0x145: {  	v9 =	vld.idx.msk [tilespmem:v12+s12+$0x0], $0xffff;
	v12 =	vadd.s32 s1, v6  }
0x146: {  	s2 =	sadd.s32 $0x4, s5;
	v14 =	vadd.f32 v15, v14;
	v15 =	vmul.f32 v8, v8;
	v7 =	vadd.f32 v8, v7  }
0x147: {  	v8 =	vld.idx.msk [tilespmem:v11+s12+$0x0], $0xffff;
	v11 =	vadd.s32 s2, v6  }
0x148: {  	s3 =	sadd.s32 $0x5, s5;
	v14 =	vadd.f32 v15, v14;
	v15 =	vmul.f32 v10, v10;
	v7 =	vadd.f32 v10, v7  }
0x149: {  	v10 =	vld.idx.msk [tilespmem:v13+s12+$0x0], $0xffff;
	v13 =	vadd.s32 s3, v6  }
0x14a: {  	s6 =	sadd.s32 $0x6, s5;
	v16 =	vmul.f32 v9, v9;
	v14 =	vadd.f32 v15, v14;
	v7 =	vadd.f32 v9, v7  }
0x14b: {  	v9 =	vld.idx.msk [tilespmem:v12+s12+$0x0], $0xffff;
	v12 =	vadd.s32 s6, v6  }
0x14c: {  	s8 =	sadd.s32 $0x7, s5;
	v14 =	vadd.f32 v16, v14;
	v15 =	vmul.f32 v8, v8;
	v7 =	vadd.f32 v8, v7  }
0x14d: {  	v8 =	vld.idx.msk [tilespmem:v11+s12+$0x0], $0xffff;
	v11 =	vadd.s32 s8, v6  }
0x14e: {  	v14 =	vadd.f32 v15, v14;
	v15 =	vmul.f32 v10, v10;
	v7 =	vadd.f32 v10, v7  }
0x14f: {  	v10 =	vld.idx.msk [tilespmem:v13+s12+$0x0], $0xffff  }
0x150: {  	v13 =	vadd.f32 v15, v14;
	v14 =	vmul.f32 v9, v9;
	v7 =	vadd.f32 v9, v7  }
0x151: {  	v9 =	vld.idx.msk [tilespmem:v12+s12+$0x0], $0xffff  }
0x152: {  	v12 =	vadd.f32 v14, v13;
	v13 =	vmul.f32 v8, v8;
	v7 =	vadd.f32 v8, v7  }
0x153: {  	v8 =	vld.idx.msk [tilespmem:v11+s12+$0x0], $0xffff  }
0x154: {  	v11 =	vadd.f32 v13, v12;
	v12 =	vmul.f32 v10, v10;
	v7 =	vadd.f32 v10, v7;
	_ =	sdelay $0x1  }
0x155: {  	v10 =	vadd.f32 v12, v11;
	v11 =	vmul.f32 v9, v9;
	v7 =	vadd.f32 v9, v7;
	_ =	sdelay $0x1  }
0x156: {  	v9 =	vadd.f32 v11, v10;
	v10 =	vmul.f32 v8, v8;
	v7 =	vadd.f32 v8, v7;
	_ =	sdelay $0x1  }
0x157: {  	v8 =	vadd.f32 v10, v9;
	v7 =	vmul.f32 $1.562500000e-02, v7;
	_ =	sdelay $0x1  }
0x158: {  	v8 =	vmul.f32 $1.562500000e-02, v8;
	v9 =	vmul.f32 v7, v7;
	_ =	sdelay $0x1  }
0x159: {  	v8 =	vsub.f32 v8, v9;
	_ =	sdelay $0x1  }
0x15a: {  	v8 =	vadd.f32 $9.999999740e-06, v8;
	_ =	sdelay $0x1  }
0x15b: {  	v9 =	vshrl.u32 v8, $0x1;
	v11 =	vmul.f32 $5.000000000e-01, v8  }
0x15c: {  	v8 =	vsub.s32 $0x5F3759DF, v9  }
0x15d: {  	v9 =	vmul.f32 v8, v11;
	_ =	sdelay $0x1  }
0x15e: {  	v9 =	vmul.f32 v8, v9;
	_ =	sdelay $0x1  }
0x15f: {  	v9 =	vsub.f32 $1.500000000e+00, v9;
	_ =	sdelay $0x1  }
0x160: {  	v8 =	vmul.f32 v8, v9;
	_ =	sdelay $0x1  }
0x161: {  	v9 =	vmul.f32 v8, v11  }
0x162: {  	s14 =	simm.s32 $0x1E150  }
0x163: {  	v28 =	vld [tilespmem:s14+$0xFFFFFFC0];
	v10 =	vmul.f32 v9, v8  }
0x164: {  	v25 =	vld [tilespmem:s14+$0x30];
	s2 =	simm.s32 $0x0  }
0x165: {  	v31 =	vld [tilespmem:s14+$0xFFFFFFD0];
	v12 =	vadd.s32 s2, v6;
	v13 =	vsub.f32 $1.500000000e+00, v10  }
0x166: {  	v23 =	vld [tilespmem:s14+$0xFFFFFFF0];
	s1 =	simm.s32 $0x1DD50;
	v12 =	vand.u32 $0xFFFFFFF8, v12  }
0x167: {  	v20 =	vld [tilespmem:s1+$0xFFFFFFC0];
	v10 =	vor.u32 v5, v12;
	v12 =	vmul.f32 v13, v8  }
0x168: {  	v18 =	vld [tilespmem:s1+$0xFFFFFFF0]  }
0x169: {  	s19 =	simm.s32 $0x2;
	v19 =	vld [tilespmem:s1+$0xFFFFFFE0];
	v11 =	vmul.f32 v12, v11  }
0x16a: {  	s16 =	simm.s32 $0x7;
	v21 =	vld [tilespmem:s1+$0xFFFFFFD0];
	v15 =	vadd.s32 s19, v6  }
0x16b: {  	v30 =	vld [tilespmem:s1+$0x30];
	v8 =	vadd.s32 s16, v6;
	v11 =	vmul.f32 v11, v12  }
0x16c: {  	v34 =	vld [tilespmem:s1+$0x20]  }
0x16d: {  	s18 =	simm.s32 $0x5;
	v16 =	vld [tilespmem:s1+$0x0];
	v14 =	vsub.f32 $1.500000000e+00, v11  }
0x16e: {  	s28 =	simm.s32 $0x4;
	v36 =	vld [tilespmem:s1+$0x10];
	v13 =	vadd.s32 s18, v6  }
0x16f: {  	v26 =	vld.idx.msk [tilespmem:v15+s12+$0x0], $0xffff;
	v11 =	vadd.s32 s28, v6;
	v17 =	vmul.f32 v14, v12  }
0x170: {  	v29 =	vld.idx.msk [tilespmem:v8+s12+$0x0], $0xffff  }
0x171: {  	s3 =	simm.s32 $0x3;
	v9 =	vld [tilespmem:s14+$0x10];
	v24 =	vmul.f32 v19, v17  }
0x172: {  	s29 =	simm.s32 $0x6;
	v32 =	vld.idx.msk [tilespmem:v10+s12+$0x0], $0xffff;
	v12 =	vadd.s32 s3, v6;
	v35 =	vmul.f32 v16, v17;
	v19 =	vmul.f32 v21, v17  }
0x173: {  	s30 =	simm.s32 $0x1;
	v27 =	vld.idx.msk [tilespmem:v13+s12+$0x0], $0xffff;
	v14 =	vadd.s32 s29, v6;
	v18 =	vmul.f32 v18, v17;
	v33 =	vmul.f32 v30, v17  }
0x174: {  	v16 =	vadd.s32 s30, v6;
	v37 =	vmul.f32 v20, v17;
	v36 =	vmul.f32 v36, v17;
	v40 =	vld.idx.msk [tilespmem:v11+s12+$0x0], $0xffff  }
0x175: {  	v39 =	vmul.f32 v33, v7;
	v20 =	vmul.f32 v33, v29;
	v33 =	vld [tilespmem:s14+$0xFFFFFFE0]  }
0x176: {  	v34 =	vmul.f32 v34, v17;
	v38 =	vmul.f32 v18, v7;
	v29 =	vld [tilespmem:s14+$0x0]  }
0x177: {  	v22 =	vmul.f32 v35, v7;
	v41 =	vmul.f32 v37, v7;
	v21 =	vld.idx.msk [tilespmem:v12+s12+$0x0], $0xffff  }
0x178: {  	v42 =	vmul.f32 v19, v7;
	v30 =	vld.idx.msk [tilespmem:v14+s12+$0x0], $0xffff;
	v23 =	vsub.f32 v23, v38;
	v25 =	vsub.f32 v25, v39  }
0x179: {  	v38 =	vsub.f32 v28, v41;
	v39 =	vmul.f32 v37, v32;
	v37 =	vmul.f32 v24, v7;
	v32 =	vld.idx.msk [tilespmem:v16+s12+$0x0], $0xffff  }
0x17a: {  	s5 =	simm.s32 $0x1DDD0;
	s1 =	simm.s32 $0x8;
	s2 =	simm.s32 $0x1E1D0;
	v31 =	vsub.f32 v31, v42;
	v28 =	vmul.f32 v35, v40;
	v40 =	vmul.f32 v36, v7;
	v35 =	vld [tilespmem:s14+$0x20]  }
.LBB2_10:
0x17b: {  	s0 =	sadd.s32 $0x1, s1  }
0x17c: {  	v41 =	vadd.s32 s1, v6;
	v42 =	vld [tilespmem:s5+$0x0];
	s3 =	sadd.s32 $0x7, s1;
	v38 =	vadd.f32 v38, v39;
	v27 =	vmul.f32 v36, v27;
	s8 =	smov.u32 s1;
	s6 =	sadd.s32 $0x8, s1  }
0x17d: {  	p1 =	slt.u32 s1, $0x38;
	v36 =	vand.u32 $0xFFFFFFF8, v41;
	v39 =	vadd.s32 s0, v6;
	v40 =	vsub.f32 v9, v40;
	v9 =	vld [tilespmem:s2+$0x10]  }
0x17e: {  	s0 =	sadd.s32 $0x2, s8;
	v43 =	vadd.s32 s3, v6;
	v41 =	vld [tilespmem:s2+$0xFFFFFFC0];
	[tilespmem:v10+s12+$0x0] =	vst.idx.msk $0xffff, v38;
	v10 =	vor.u32 v5, v36;
	v36 =	vmul.f32 v34, v7  }
0x17f: {  	v30 =	vmul.f32 v34, v30;
	v33 =	vsub.f32 v33, v37;
	v38 =	vadd.s32 s0, v6;
	s0 =	sadd.s32 $0x3, s8;
	v44 =	vld [tilespmem:s2+$0x30]  }
0x180: {  	v24 =	vmul.f32 v24, v26;
	v34 =	vadd.s32 s0, v6;
	s0 =	sadd.s32 $0x4, s8;
	v26 =	vadd.f32 v40, v27;
	v45 =	vld [tilespmem:s2+$0xFFFFFFD0]  }
0x181: {  	v22 =	vsub.f32 v29, v22;
	v40 =	vadd.s32 s0, v6;
	s0 =	sadd.s32 $0x5, s8;
	v27 =	vsub.f32 v35, v36;
	v37 =	vld [tilespmem:s2+$0xFFFFFFF0]  }
0x182: {  	v19 =	vmul.f32 v19, v32;
	v24 =	vadd.f32 v33, v24;
	v35 =	vadd.s32 s0, v6;
	s0 =	sadd.s32 $0x6, s8;
	v29 =	vld [tilespmem:s5+$0xFFFFFFC0]  }
0x183: {  	v18 =	vmul.f32 v18, v21;
	v33 =	vadd.s32 s0, v6;
	v21 =	vadd.f32 v27, v30;
	v32 =	vld [tilespmem:s5+$0xFFFFFFF0]  }
0x184: {  	v22 =	vadd.f32 v22, v28;
	v19 =	vadd.f32 v31, v19;
	v46 =	vld.idx.msk [tilespmem:v10+s12+$0x0], $0xffff;
	[tilespmem:v15+s12+$0x0] =	vst.idx.msk $0xffff, v24  }
0x185: {  	v20 =	vadd.f32 v25, v20;
	v18 =	vadd.f32 v23, v18;
	v15 =	vmov v38;
	v24 =	vld [tilespmem:s5+$0xFFFFFFE0];
	[tilespmem:v13+s12+$0x0] =	vst.idx.msk $0xffff, v26  }
0x186: {  	v13 =	vmov v35;
	v23 =	vld.idx.msk [tilespmem:v43+s12+$0x0], $0xffff;
	[tilespmem:v16+s12+$0x0] =	vst.idx.msk $0xffff, v19;
	v16 =	vmov v39  }
0x187: {  	v19 =	vld [tilespmem:s5+$0xFFFFFFD0];
	[tilespmem:v8+s12+$0x0] =	vst.idx.msk $0xffff, v20;
	v8 =	vmov v43  }
0x188: {  	v20 =	vld [tilespmem:s5+$0x30];
	[tilespmem:v14+s12+$0x0] =	vst.idx.msk $0xffff, v21;
	v14 =	vmov v33  }
0x189: {  	v25 =	vld [tilespmem:s5+$0x20];
	[tilespmem:v12+s12+$0x0] =	vst.idx.msk $0xffff, v18;
	v12 =	vmov v34  }
0x18a: {  	v27 =	vld.idx.msk [tilespmem:v35+s12+$0x0], $0xffff;
	[tilespmem:v11+s12+$0x0] =	vst.idx.msk $0xffff, v22;
	v11 =	vmov v40  }
0x18b: {  	v28 =	vmul.f32 v42, v17;
	v24 =	vmul.f32 v24, v17;
	v31 =	vld [tilespmem:s5+$0x10]  }
0x18c: {  	v18 =	vmul.f32 v32, v17;
	v19 =	vmul.f32 v19, v17;
	v26 =	vld.idx.msk [tilespmem:v38+s12+$0x0], $0xffff  }
0x18d: {  	v22 =	vmul.f32 v28, v7;
	v35 =	vld.idx.msk [tilespmem:v40+s12+$0x0], $0xffff;
	v20 =	vmul.f32 v20, v17  }
0x18e: {  	v32 =	vmul.f32 v29, v17;
	v29 =	vmul.f32 v18, v7;
	v21 =	vld.idx.msk [tilespmem:v34+s12+$0x0], $0xffff  }
.Ltmp3:
0x18f: {  	v30 =	vld.idx.msk [tilespmem:v33+s12+$0x0], $0xffff;
	v38 =	vmul.f32 v20, v7;
	v20 =	vmul.f32 v20, v23;
	(pc) =	sbr.rel @p1 .LBB2_10-.Ltmp3, $4  }
0x190: {  	v39 =	vmul.f32 v32, v7;
	v23 =	vsub.f32 v37, v29;
	v33 =	vld [tilespmem:s2+$0xFFFFFFE0];
	v36 =	vmul.f32 v31, v17  }
0x191: {  	v34 =	vmul.f32 v25, v17;
	v31 =	vmul.f32 v19, v7;
	v29 =	vld [tilespmem:s2+$0x0];
	v25 =	vsub.f32 v44, v38  }
0x192: {  	v37 =	vmul.f32 v24, v7;
	v38 =	vsub.f32 v41, v39;
	v39 =	vmul.f32 v32, v46;
	v32 =	vld.idx.msk [tilespmem:v16+s12+$0x0], $0xffff  }
0x193: {  	s1 =	smov.u32 s6;
	s5 =	sadd.s32 $0x80, s5;
	v31 =	vsub.f32 v45, v31;
	v28 =	vmul.f32 v28, v35;
	v40 =	vmul.f32 v36, v7;
	v35 =	vld [tilespmem:s2+$0x20];
	s2 =	sadd.s32 $0x80, s2  }
0x194: {  	_ = 	snop  }
0x195: {  	v17 =	vmul.f32 v24, v26;
	v57 =	vadd.f32 v38, v39  }
0x196: {  	v58 =	vmul.f32 v36, v27;
	v7 =	vmul.f32 v34, v7;
	v6 =	vsub.f32 v33, v37  }
0x197: {  	v59 =	vmul.f32 v34, v30;
	v61 =	vadd.f32 v25, v20;
	v9 =	vsub.f32 v9, v40  }
0x198: {  	[tilespmem:v10+s12+$0x0] =	vst.idx.msk $0xffff, v57;
	v62 =	vsub.f32 v29, v22;
	v6 =	vadd.f32 v6, v17  }
0x199: {  	s17 =	sadd.s32 $0x1, s17;
	[tilespmem:v8+s12+$0x0] =	vst.idx.msk $0xffff, v61;
	v19 =	vmul.f32 v19, v32;
	v9 =	vadd.f32 v9, v58  }
0x19a: {  	p1 =	sne.s32 s17, $0x19;
	v7 =	vsub.f32 v35, v7;
	v63 =	vadd.f32 v62, v28;
	[tilespmem:v15+s12+$0x0] =	vst.idx.msk $0xffff, v6  }
.Ltmp4:
0x19b: {  	v60 =	vadd.f32 v31, v19;
	v6 =	vmul.f32 v18, v21;
	[tilespmem:v13+s12+$0x0] =	vst.idx.msk $0xffff, v9;
	(pc) =	sbr.rel @p1 .LBB2_7-.Ltmp4, $4  }
0x19c: {  	v7 =	vadd.f32 v7, v59;
	[tilespmem:v11+s12+$0x0] =	vst.idx.msk $0xffff, v63  }
0x19d: {  	[tilespmem:v16+s12+$0x0] =	vst.idx.msk $0xffff, v60;
	v6 =	vadd.f32 v23, v6  }
0x19e: {  	[tilespmem:v14+s12+$0x0] =	vst.idx.msk $0xffff, v7  }
0x19f: {  	[tilespmem:v12+s12+$0x0] =	vst.idx.msk $0xffff, v6  }
0x1a0: {  	p1 =	seq.s32 s10, $0x0  }
0x1a1: {  	s0 =	simm.s32 @!p1 $0x11  }
0x1a2: {  	s6 =	simm.s32 $0xC3;
	_ =	swait.ge @!p1 [sflag:s0], $0x3200  }
0x1a3: {  	s8 =	simm.s32 $0x41;
	v6 =	vadd.s32 s6, v0;
	[sflag:s0] =	ssyncset.done @!p1 $0x0  }
0x1a4: {  	s14 =	simm.s32 $0x82;
	v7 =	vadd.s32 s8, v0;
	[sflag:s0] =	ssyncadd.s32 @!p1 $0xFFFFCE00  }
0x1a5: {  	s29 =	simm.s32 $0x0;
	v8 =	vadd.s32 s14, v0;
	_ =	swait.ge @!p1 [sflag:s0], $0x3200  }
0x1a6: {  	v9 =	vadd.s32 s29, v0;
	[sflag:s0] =	ssyncset.done @!p1 $0x0  }
0x1a7: {  	[sflag:s0] =	ssyncadd.s32 @!p1 $0xFFFFCE00  }
0x1a8: {  	v6 =	vld.idx.msk [tilespmem:v6+s12+$0x0], $0xffff  }
0x1a9: {  	v7 =	vld.idx.msk [tilespmem:v7+s12+$0x0], $0xffff  }
0x1aa: {  	v10 =	vadd.s32 s6, v1;
	v8 =	vld.idx.msk [tilespmem:v8+s12+$0x0], $0xffff  }
0x1ab: {  	v12 =	vadd.s32 s14, v1;
	v9 =	vld.idx.msk [tilespmem:v9+s12+$0x0], $0xffff  }
0x1ac: {  	s5 =	simm.s32 $0x11380;
	v11 =	vadd.s32 s8, v1  }
0x1ad: {  	s1 =	simm.s32 $0x104;
	[tilespmem:s5+$0x40] =	vst v6;
	v6 =	vadd.s32 s29, v1  }
0x1ae: {  	s11 =	simm.s32 $0x1C7;
	[tilespmem:s5+$0xFFFFFFC0] =	vst v7;
	v7 =	vadd.s32 s1, v0  }
0x1af: {  	s2 =	simm.s32 $0x145;
	[tilespmem:s5+$0x0] =	vst v8;
	v8 =	vadd.s32 s11, v0;
	v10 =	vld.idx.msk [tilespmem:v10+s12+$0x0], $0xffff  }
0x1b0: {  	s3 =	simm.s32 $0x186;
	[tilespmem:s5+$0xFFFFFF80] =	vst v9;
	v9 =	vld.idx.msk [tilespmem:v12+s12+$0x0], $0xffff;
	v12 =	vadd.s32 s2, v0  }
0x1b1: {  	v14 =	vadd.s32 s3, v0;
	v11 =	vld.idx.msk [tilespmem:v11+s12+$0x0], $0xffff  }
0x1b2: {  	v13 =	vadd.s32 s6, v2;
	v6 =	vld.idx.msk [tilespmem:v6+s12+$0x0], $0xffff  }
0x1b3: {  	v15 =	vadd.s32 s14, v2;
	v7 =	vld.idx.msk [tilespmem:v7+s12+$0x0], $0xffff  }
0x1b4: {  	v8 =	vld.idx.msk [tilespmem:v8+s12+$0x0], $0xffff;
	[tilespmem:s5+$0x50] =	vst v10;
	v10 =	vadd.s32 s8, v2  }
0x1b5: {  	v17 =	vadd.s32 s29, v2;
	v12 =	vld.idx.msk [tilespmem:v12+s12+$0x0], $0xffff  }
0x1b6: {  	[tilespmem:s5+$0xFFFFFFD0] =	vst v11;
	v11 =	vld.idx.msk [tilespmem:v14+s12+$0x0], $0xffff;
	v14 =	vadd.s32 s11, v1  }
0x1b7: {  	[tilespmem:s5+$0x10] =	vst v9;
	v13 =	vld.idx.msk [tilespmem:v13+s12+$0x0], $0xffff  }
0x1b8: {  	v18 =	vadd.s32 s2, v1;
	v15 =	vld.idx.msk [tilespmem:v15+s12+$0x0], $0xffff  }
0x1b9: {  	v16 =	vadd.s32 s6, v3;
	s6 =	simm.s32 $0x11480;
	[tilespmem:s5+$0xFFFFFF90] =	vst v6;
	v9 =	vld.idx.msk [tilespmem:v10+s12+$0x0], $0xffff  }
0x1ba: {  	[tilespmem:s6+$0x40] =	vst v8;
	v10 =	vadd.s32 s3, v1;
	v8 =	vld.idx.msk [tilespmem:v17+s12+$0x0], $0xffff  }
0x1bb: {  	v17 =	vadd.s32 s14, v3;
	[tilespmem:s6+$0xFFFFFFC0] =	vst v12;
	v12 =	vld.idx.msk [tilespmem:v14+s12+$0x0], $0xffff  }
0x1bc: {  	s17 =	simm.s32 $0x28A;
	[tilespmem:s5+$0x60] =	vst v13;
	v13 =	vadd.s32 s1, v1  }
0x1bd: {  	v14 =	vld.idx.msk [tilespmem:v18+s12+$0x0], $0xffff;
	[tilespmem:s5+$0x20] =	vst v15;
	v15 =	vadd.s32 s17, v0  }
0x1be: {  	[tilespmem:s6+$0x0] =	vst v11;
	v6 =	vld.idx.msk [tilespmem:v16+s12+$0x0], $0xffff;
	v16 =	vadd.s32 s8, v3  }
0x1bf: {  	s30 =	simm.s32 $0x208;
	[tilespmem:s6+$0xFFFFFF80] =	vst v7;
	v11 =	vadd.s32 s11, v2;
	v7 =	vld.idx.msk [tilespmem:v10+s12+$0x0], $0xffff  }
0x1c0: {  	s8 =	simm.s32 $0x2CB;
	v10 =	vadd.s32 s30, v0;
	[tilespmem:s6+$0x50] =	vst v12;
	v12 =	vld.idx.msk [tilespmem:v17+s12+$0x0], $0xffff  }
0x1c1: {  	[tilespmem:s5+$0xFFFFFFE0] =	vst v9;
	v9 =	vadd.s32 s8, v0;
	v13 =	vld.idx.msk [tilespmem:v13+s12+$0x0], $0xffff  }
0x1c2: {  	s16 =	simm.s32 $0x249;
	v17 =	vadd.s32 s2, v2;
	[tilespmem:s5+$0xFFFFFFA0] =	vst v8;
	v24 =	vld.idx.msk [tilespmem:v15+s12+$0x0], $0xffff  }
0x1c3: {  	v18 =	vadd.s32 s16, v0;
	[tilespmem:s6+$0xFFFFFFD0] =	vst v14;
	v16 =	vld.idx.msk [tilespmem:v16+s12+$0x0], $0xffff  }
0x1c4: {  	[tilespmem:s5+$0x70] =	vst v6;
	v6 =	vld.idx.msk [tilespmem:v11+s12+$0x0], $0xffff;
	v11 =	vadd.s32 s3, v2  }
0x1c5: {  	v22 =	vadd.s32 s1, v2;
	v23 =	vld.idx.msk [tilespmem:v10+s12+$0x0], $0xffff;
	[tilespmem:s6+$0x10] =	vst v7  }
0x1c6: {  	v14 =	vadd.s32 s11, v3;
	v21 =	vld.idx.msk [tilespmem:v9+s12+$0x0], $0xffff;
	[tilespmem:s5+$0x30] =	vst v12  }
0x1c7: {  	v26 =	vadd.s32 s17, v1;
	v19 =	vld.idx.msk [tilespmem:v17+s12+$0x0], $0xffff;
	v10 =	vadd.s32 s2, v3;
	s2 =	simm.s32 $0x11580;
	[tilespmem:s6+$0xFFFFFF90] =	vst v13  }
0x1c8: {  	v8 =	vadd.s32 s8, v1;
	v13 =	vld.idx.msk [tilespmem:v18+s12+$0x0], $0xffff;
	[tilespmem:s2+$0x0] =	vst v24  }
0x1c9: {  	v25 =	vadd.s32 s16, v1;
	[tilespmem:s5+$0xFFFFFFF0] =	vst v16;
	v18 =	vld.idx.msk [tilespmem:v11+s12+$0x0], $0xffff  }
0x1ca: {  	v15 =	vadd.s32 s17, v2;
	[tilespmem:s6+$0x60] =	vst v6;
	v17 =	vld.idx.msk [tilespmem:v22+s12+$0x0], $0xffff;
	v16 =	vadd.s32 s30, v1  }
0x1cb: {  	v7 =	vadd.s32 s29, v3;
	v9 =	vadd.s32 s3, v3;
	v20 =	vld.idx.msk [tilespmem:v14+s12+$0x0], $0xffff;
	[tilespmem:s2+$0x40] =	vst v21  }
0x1cc: {  	v12 =	vadd.s32 s16, v2;
	v24 =	vadd.s32 s8, v2;
	[tilespmem:s2+$0xFFFFFF80] =	vst v23;
	v23 =	vld.idx.msk [tilespmem:v26+s12+$0x0], $0xffff  }
0x1cd: {  	v6 =	vadd.s32 s1, v3;
	v11 =	vadd.s32 s30, v3;
	[tilespmem:s2+$0xFFFFFFC0] =	vst v13;
	v22 =	vld.idx.msk [tilespmem:v8+s12+$0x0], $0xffff  }
0x1ce: {  	s0 =	simm.s32 $0x8;
	s14 =	simm.s32 $0x11580;
	s1 =	simm.s32 $0x30C;
	v14 =	vadd.s32 s30, v2;
	v13 =	vadd.s32 s16, v3;
	v8 =	vadd.s32 s17, v3;
	v21 =	vld.idx.msk [tilespmem:v25+s12+$0x0], $0xffff  }
.LBB2_13:
0x1cf: {  	v25 =	vadd.s32 s1, v0;
	v26 =	vadd.s32 s1, v2;
	s3 =	sadd.s32 $0x41, s1;
	s11 =	sadd.s32 $0xC3, s1;
	s0 =	sadd.s32 $0x4, s0;
	v27 =	vld.idx.msk [tilespmem:v16+s12+$0x0], $0xffff;
	v16 =	vadd.s32 s1, v1;
	[tilespmem:s6+$0xFFFFFFE0] =	vst v19  }
0x1d0: {  	s16 =	sadd.s32 $0x82, s1;
	v19 =	vadd.s32 s3, v0;
	v28 =	vadd.s32 s3, v1;
	v29 =	vadd.s32 s11, v0;
	p1 =	slt.u32 s0, $0x18C;
	v30 =	vld.idx.msk [tilespmem:v10+s12+$0x0], $0xffff;
	[tilespmem:s6+$0x70] =	vst v20;
	v10 =	vmovc v13  }
0x1d1: {  	v20 =	vadd.s32 s3, v2;
	v31 =	vadd.s32 s16, v0;
	v32 =	vadd.s32 s16, v1;
	[tilespmem:s6+$0x20] =	vst v18;
	v33 =	vld.idx.msk [tilespmem:v7+s12+$0x0], $0xffff;
	v7 =	vmovc v6;
	v6 =	vmovc v11  }
0x1d2: {  	v13 =	vadd.s32 s3, v3;
	v34 =	vadd.s32 s16, v2;
	[tilespmem:s2+$0x50] =	vst v22;
	v18 =	vld.idx.msk [tilespmem:v9+s12+$0x0], $0xffff;
	v9 =	vmovc v8;
	v8 =	vadd.s32 s16, v3  }
0x1d3: {  	v11 =	vadd.s32 s1, v3;
	[tilespmem:s2+$0xFFFFFFD0] =	vst v21;
	v21 =	vld.idx.msk [tilespmem:v24+s12+$0x0], $0xffff  }
0x1d4: {  	v24 =	vld.idx.msk [tilespmem:v25+s12+$0x0], $0xffff;
	[tilespmem:s2+$0x10] =	vst v23  }
0x1d5: {  	v23 =	vadd.s32 s8, v3;
	s8 =	smov.u32 s11;
	v22 =	vld.idx.msk [tilespmem:v29+s12+$0x0], $0xffff;
	[tilespmem:s2+$0xFFFFFF90] =	vst v27  }
0x1d6: {  	v25 =	vld.idx.msk [tilespmem:v19+s12+$0x0], $0xffff;
	[tilespmem:s6+$0xFFFFFFA0] =	vst v17  }
0x1d7: {  	v29 =	vadd.s32 s8, v1;
	v27 =	vld.idx.msk [tilespmem:v31+s12+$0x0], $0xffff;
	[tilespmem:s6+$0xFFFFFFF0] =	vst v30  }
0x1d8: {  	v19 =	vld.idx.msk [tilespmem:v12+s12+$0x0], $0xffff;
	[tilespmem:s6+$0x30] =	vst v18;
	v12 =	vmov v20  }
0x1d9: {  	v18 =	vld.idx.msk [tilespmem:v15+s12+$0x0], $0xffff;
	[tilespmem:s2+$0x60] =	vst v21;
	v15 =	vmov v34  }
.Ltmp5:
0x1da: {  	s2 =	sadd.s32 $0x100, s2;
	v20 =	vld.idx.msk [tilespmem:v23+s12+$0x0], $0xffff;
	[tilespmem:s5+$0xFFFFFFB0] =	vst v33;
	s5 =	smov.u32 s6;
	(pc) =	sbr.rel @p1 .LBB2_13-.Ltmp5, $4  }
0x1db: {  	s6 =	smov.u32 s14;
	s14 =	smov.u32 s2;
	[tilespmem:s2+$0x40] =	vst v22;
	v17 =	vld.idx.msk [tilespmem:v14+s12+$0x0], $0xffff;
	v14 =	vmov v26  }
0x1dc: {  	[tilespmem:s2+$0xFFFFFFC0] =	vst v25;
	v22 =	vld.idx.msk [tilespmem:v29+s12+$0x0], $0xffff  }
0x1dd: {  	v21 =	vld.idx.msk [tilespmem:v28+s12+$0x0], $0xffff;
	[tilespmem:s2+$0x0] =	vst v27  }
0x1de: {  	s1 =	sadd.s32 $0x104, s1;
	[tilespmem:s2+$0xFFFFFF80] =	vst v24;
	v23 =	vld.idx.msk [tilespmem:v32+s12+$0x0], $0xffff;
	v24 =	vadd.s32 s8, v2  }
0x1df: {  	_ =	sdelay $0x1  }
0x1e0: {  	[tilespmem:s6+$0xFFFFFFE0] =	vst v19  }
0x1e1: {  	[tilespmem:s6+$0x70] =	vst v20  }
0x1e2: {  	v16 =	vld.idx.msk [tilespmem:v16+s12+$0x0], $0xffff;
	[tilespmem:s6+$0x20] =	vst v18  }
0x1e3: {  	v10 =	vld.idx.msk [tilespmem:v10+s12+$0x0], $0xffff;
	[tilespmem:s2+$0x50] =	vst v22  }
0x1e4: {  	[tilespmem:s2+$0xFFFFFFD0] =	vst v21;
	v18 =	vld.idx.msk [tilespmem:v24+s12+$0x0], $0xffff  }
0x1e5: {  	v19 =	vadd.s32 s8, v3;
	[tilespmem:s6+$0xFFFFFFA0] =	vst v17;
	v12 =	vld.idx.msk [tilespmem:v12+s12+$0x0], $0xffff  }
0x1e6: {  	v7 =	vld.idx.msk [tilespmem:v7+s12+$0x0], $0xffff;
	[tilespmem:s2+$0x10] =	vst v23  }
0x1e7: {  	v9 =	vld.idx.msk [tilespmem:v9+s12+$0x0], $0xffff;
	[tilespmem:s2+$0xFFFFFF90] =	vst v16  }
0x1e8: {  	v15 =	vld.idx.msk [tilespmem:v15+s12+$0x0], $0xffff;
	[tilespmem:s6+$0xFFFFFFF0] =	vst v10  }
0x1e9: {  	v10 =	vld.idx.msk [tilespmem:v14+s12+$0x0], $0xffff;
	[tilespmem:s2+$0x60] =	vst v18  }
0x1ea: {  	v14 =	vld.idx.msk [tilespmem:v19+s12+$0x0], $0xffff;
	[tilespmem:s14+$0xFFFFFFE0] =	vst v12  }
0x1eb: {  	[tilespmem:s5+$0xFFFFFFB0] =	vst v7;
	v12 =	vld.idx.msk [tilespmem:v13+s12+$0x0], $0xffff  }
0x1ec: {  	[tilespmem:s6+$0x30] =	vst v9  }
0x1ed: {  	[tilespmem:s14+$0x20] =	vst v15  }
0x1ee: {  	[tilespmem:s14+$0xFFFFFFA0] =	vst v10  }
0x1ef: {  	v8 =	vld.idx.msk [tilespmem:v8+s12+$0x0], $0xffff;
	[tilespmem:s14+$0x70] =	vst v14  }
0x1f0: {  	v6 =	vld.idx.msk [tilespmem:v6+s12+$0x0], $0xffff;
	[tilespmem:s14+$0xFFFFFFF0] =	vst v12  }
0x1f1: {  	s0 =	sshll.u32 s10, $0x2;
	v7 =	vld.idx.msk [tilespmem:v11+s12+$0x0], $0xffff;
	s1 =	rddreg [dreg:$0x5]  }
0x1f2: {  	s11 =	sor.u32 s1, s0  }
0x1f3: {  	s0 =	smul.u32 $0x640, s11  }
0x1f4: {  	[tilespmem:s14+$0x30] =	vst v8;
	s1 =	smul.u32 $0x3200, s11  }
0x1f5: {  	[tilespmem:s6+$0xFFFFFFB0] =	vst v6  }
0x1f6: {  	s16 =	simm.s32 $0x0;
	[tilespmem:s14+$0xFFFFFFB0] =	vst v7;
	s0 =	sadd.s32 s4, s0;
	s14 =	sshrl.u32 s1, $0x3  }
0x1f7: {  	[hbm4b:s0+s16] =	stream.linear.scatter [tilespmem:s20], [sflag:$0x11], $0x3200, $0x38;
	[tilespmem:$0x1E510] =	vst v63  }
0x1f8: {  	s0 =	sadd.s32 s4, s14  }
0x1f9: {  	s17 =	simm.s32 $0x9;
	s0 =	sadd.s32 $0x640, s0  }
0x1fa: {  	[hbm4b:s0+s16] =	stream.linear.scatter [tilespmem:s31], [sflag:$0x11], $0x3200, $0x38;
	[tilespmem:$0x1E510] =	vst v63  }
0x1fb: {  	_ =	swait.ge [sflag:s17], $0xE00  }
0x1fc: {  	[sflag:s17] =	ssyncset.done $0x0  }
0x1fd: {  	s18 =	simm.s32 $0xA;
	[sflag:s17] =	ssyncadd.s32 $0xFFFFF200  }
0x1fe: {  	_ =	swait.ge [sflag:s18], $0xC00  }
0x1ff: {  	[sflag:s18] =	ssyncset.done $0x0  }
0x200: {  	s19 =	simm.s32 $0xB;
	[sflag:s18] =	ssyncadd.s32 $0xFFFFF400  }
0x201: {  	_ =	swait.ge [sflag:s19], $0xC00  }
0x202: {  	[sflag:s19] =	ssyncset.done $0x0  }
0x203: {  	[sflag:s19] =	ssyncadd.s32 $0xFFFFF400  }
0x204: {  	_ =	swait.ge [sflag:s21], $0xC00  }
0x205: {  	[sflag:s21] =	ssyncset.done $0x0  }
0x206: {  	[sflag:s21] =	ssyncadd.s32 $0xFFFFF400  }
0x207: {  	_ =	swait.ge [sflag:s22], $0xE00  }
0x208: {  	[sflag:s22] =	ssyncset.done $0x0  }
0x209: {  	[sflag:s22] =	ssyncadd.s32 $0xFFFFF200  }
0x20a: {  	_ =	swait.ge [sflag:s23], $0xC00  }
0x20b: {  	[sflag:s23] =	ssyncset.done $0x0  }
0x20c: {  	[sflag:s23] =	ssyncadd.s32 $0xFFFFF400  }
0x20d: {  	_ =	swait.ge [sflag:s24], $0xC00  }
0x20e: {  	p1 =	por $0x1, $0x1;
	[sflag:s24] =	ssyncset.done $0x0  }
0x20f: {  	s1 =	simm.s32 $0xFFFF3B;
	s0 =	simm.s32 $0x3;
	[sflag:s24] =	ssyncadd.s32 $0xFFFFF400  }
0x210: {  	s2 =	simm.s32 $0xFFFF39;
	s1 =	smov.u32 @p1 s0;
	_ =	swait.ge [sflag:s25], $0xC00  }
0x211: {  	s0 =	sshll.u32 s1, $0x8;
	s1 =	simm.s32 $0x1;
	[sflag:s25] =	ssyncset.done $0x0  }
0x212: {  	s29 =	simm.s32 $0xAF80;
	s2 =	smov.u32 @p1 s1;
	[sflag:s25] =	ssyncadd.s32 $0xFFFFF400  }
0x213: {  	s0 =	sshra.s32 s0, $0x2;
	s2 =	sshll.u32 s2, $0x8;
	v6 =	vld [tilespmem:s29+$0x40]  }
0x214: {  	s20 =	sshra.s32 s2, $0x2;
	v7 =	vld [tilespmem:s0+$0x1900]  }
0x215: {  	s30 =	simm.s32 $0xC3;
	v9 =	vld [tilespmem:s20+$0x1900]  }
0x216: {  	s3 =	simm.s32 $0xFFFF3A;
	v8 =	vadd.s32 s30, v0;
	s1 =	simm.s32 $0x2;
	v10 =	vld [tilespmem:s29+$0xFFFFFFC0]  }
0x217: {  	s3 =	smov.u32 @p1 s1  }
0x218: {  	s31 =	simm.s32 $0x41;
	s17 =	sshll.u32 s3, $0x8;
	v12 =	vld [tilespmem:s29+$0x0]  }
0x219: {  	s28 =	simm.s32 $0xFFFFCE00;
	v11 =	vadd.s32 s31, v0;
	s5 =	sshra.s32 s17, $0x2;
	v14 =	vld [tilespmem:s29+$0xFFFFFF80];
	v6 =	vadd.f32 v7, v6  }
0x21a: {  	s28 =	smov.u32 @p1 s16;
	v7 =	vld [tilespmem:s5+$0x1900]  }
0x21b: {  	s2 =	simm.s32 $0x82;
	v9 =	vadd.f32 v9, v10;
	v10 =	vld [tilespmem:s28+$0x1900];
	[tilespmem:v8+s12+$0x0] =	vst.idx.msk $0xffff, v6  }
0x21c: {  	v8 =	vadd.s32 s2, v0;
	v6 =	vld [tilespmem:s29+$0x50]  }
0x21d: {  	v13 =	vld [tilespmem:s0+$0x1910]  }
0x21e: {  	[tilespmem:v11+s12+$0x0] =	vst.idx.msk $0xffff, v9;
	v9 =	vadd.s32 s16, v0  }
0x21f: {  	v15 =	vadd.s32 s30, v1;
	v7 =	vadd.f32 v7, v12  }
0x220: {  	v11 =	vld [tilespmem:s29+$0xFFFFFFD0]  }
0x221: {  	v10 =	vadd.f32 v10, v14;
	[tilespmem:v8+s12+$0x0] =	vst.idx.msk $0xffff, v7;
	v7 =	vld [tilespmem:s20+$0x1910]  }
0x222: {  	v6 =	vadd.f32 v13, v6;
	v8 =	vld [tilespmem:s29+$0x10]  }
0x223: {  	[tilespmem:v9+s12+$0x0] =	vst.idx.msk $0xffff, v10;
	v13 =	vld [tilespmem:s5+$0x1910]  }
0x224: {  	v12 =	vadd.s32 s31, v1;
	v10 =	vld [tilespmem:s29+$0xFFFFFF90];
	[tilespmem:v15+s12+$0x0] =	vst.idx.msk $0xffff, v6  }
0x225: {  	v6 =	vld [tilespmem:s29+$0x60]  }
0x226: {  	s6 =	simm.s32 $0x5;
	s14 =	simm.s32 $0xFFFF3D;
	p1 =	por $0x1, $0x1;
	v9 =	vld [tilespmem:s0+$0x1920]  }
0x227: {  	s14 =	smov.u32 @p1 s6;
	v7 =	vadd.f32 v7, v11;
	v11 =	vld [tilespmem:s28+$0x1910]  }
0x228: {  	s8 =	simm.s32 $0xB080;
	s18 =	sshll.u32 s14, $0x8;
	v15 =	vadd.s32 s30, v2  }
0x229: {  	s14 =	sshra.s32 s18, $0x2;
	v17 =	vld [tilespmem:s8+$0xFFFFFF80];
	[tilespmem:v12+s12+$0x0] =	vst.idx.msk $0xffff, v7;
	v7 =	vadd.f32 v13, v8;
	v8 =	vadd.s32 s16, v1  }
0x22a: {  	v18 =	vld [tilespmem:s14+$0x1900];
	v14 =	vadd.s32 s2, v1  }
0x22b: {  	v22 =	vld [tilespmem:s8+$0xFFFFFFC0];
	v6 =	vadd.f32 v9, v6  }
0x22c: {  	v12 =	vld [tilespmem:s29+$0xFFFFFFE0];
	v9 =	vadd.f32 v11, v10  }
0x22d: {  	v13 =	vld [tilespmem:s20+$0x1920];
	[tilespmem:v15+s12+$0x0] =	vst.idx.msk $0xffff, v6  }
0x22e: {  	s3 =	simm.s32 $0xFFFF3F;
	[tilespmem:v8+s12+$0x0] =	vst.idx.msk $0xffff, v9;
	v8 =	vld [tilespmem:s0+$0x1930];
	s0 =	simm.s32 $0x7  }
0x22f: {  	[tilespmem:v14+s12+$0x0] =	vst.idx.msk $0xffff, v7;
	v14 =	vld [tilespmem:s8+$0x40];
	s3 =	smov.u32 @p1 s0  }
0x230: {  	v7 =	vld [tilespmem:s29+$0x20];
	s3 =	sshll.u32 s3, $0x8  }
0x231: {  	v16 =	vadd.s32 s31, v2;
	v10 =	vld [tilespmem:s5+$0x1920];
	s3 =	sshra.s32 s3, $0x2  }
0x232: {  	s17 =	simm.s32 $0xFFFF3E;
	s0 =	simm.s32 $0x6;
	v15 =	vld [tilespmem:s3+$0x1900]  }
0x233: {  	v6 =	vld [tilespmem:s29+$0x70];
	s17 =	smov.u32 @p1 s0;
	s0 =	simm.s32 $0x1C7  }
0x234: {  	v9 =	vld [tilespmem:s29+$0xFFFFFFA0];
	v12 =	vadd.f32 v13, v12;
	v19 =	vadd.s32 s0, v0  }
0x235: {  	v11 =	vld [tilespmem:s28+$0x1920];
	s19 =	sshll.u32 s17, $0x8  }
0x236: {  	s18 =	simm.s32 $0x100;
	s17 =	simm.s32 $0xFFFFCF00;
	[tilespmem:v16+s12+$0x0] =	vst.idx.msk $0xffff, v12;
	v12 =	vld [tilespmem:s8+$0x0];
	s6 =	sshra.s32 s19, $0x2  }
0x237: {  	v21 =	vadd.s32 s2, v2;
	s17 =	smov.u32 @p1 s18;
	v20 =	vld [tilespmem:s6+$0x1900];
	v14 =	vadd.f32 v15, v14  }
0x238: {  	s18 =	simm.s32 $0x145;
	v13 =	vld [tilespmem:s17+$0x1900]  }
0x239: {  	v15 =	vadd.s32 s18, v0;
	[tilespmem:v19+s12+$0x0] =	vst.idx.msk $0xffff, v14;
	v14 =	vld [tilespmem:s20+$0x1930]  }
0x23a: {  	v7 =	vadd.f32 v10, v7;
	s20 =	simm.s32 $0x186;
	v10 =	vld [tilespmem:s8+$0x50]  }
0x23b: {  	v16 =	vadd.s32 s20, v0;
	v19 =	vld [tilespmem:s3+$0x1910]  }
0x23c: {  	v18 =	vadd.f32 v18, v22;
	[tilespmem:v21+s12+$0x0] =	vst.idx.msk $0xffff, v7;
	v7 =	vld [tilespmem:s29+$0xFFFFFFF0]  }
0x23d: {  	v21 =	vadd.s32 s0, v1;
	v22 =	vld [tilespmem:s5+$0x1930]  }
0x23e: {  	s5 =	simm.s32 $0x104;
	v12 =	vadd.f32 v20, v12;
	v20 =	vld [tilespmem:s29+$0x30];
	[tilespmem:v15+s12+$0x0] =	vst.idx.msk $0xffff, v18  }
0x23f: {  	v15 =	vadd.s32 s5, v0;
	v18 =	vld [tilespmem:s8+$0xFFFFFFD0]  }
0x240: {  	[tilespmem:v16+s12+$0x0] =	vst.idx.msk $0xffff, v12;
	v12 =	vld [tilespmem:s14+$0x1910];
	v10 =	vadd.f32 v19, v10  }
0x241: {  	v16 =	vadd.s32 s16, v2;
	v19 =	vld [tilespmem:s8+$0x10]  }
0x242: {  	v23 =	vadd.s32 s18, v1;
	v13 =	vadd.f32 v13, v17;
	v17 =	vld [tilespmem:s6+$0x1910];
	[tilespmem:v21+s12+$0x0] =	vst.idx.msk $0xffff, v10  }
0x243: {  	v21 =	vld [tilespmem:s8+$0x60]  }
0x244: {  	v9 =	vadd.f32 v11, v9;
	v11 =	vadd.s32 s20, v1;
	[tilespmem:v15+s12+$0x0] =	vst.idx.msk $0xffff, v13;
	v13 =	vld [tilespmem:s3+$0x1920]  }
0x245: {  	v15 =	vld [tilespmem:s8+$0xFFFFFF90];
	v10 =	vadd.f32 v12, v18  }
0x246: {  	[tilespmem:v16+s12+$0x0] =	vst.idx.msk $0xffff, v9;
	v9 =	vld [tilespmem:s17+$0x1910];
	v12 =	vadd.s32 s0, v2  }
0x247: {  	v16 =	vadd.f32 v17, v19;
	[tilespmem:v23+s12+$0x0] =	vst.idx.msk $0xffff, v10;
	v10 =	vld [tilespmem:s29+$0xFFFFFFB0]  }
0x248: {  	v17 =	vadd.s32 s5, v1;
	v18 =	vld [tilespmem:s8+$0xFFFFFFE0]  }
0x249: {  	v19 =	vadd.s32 s30, v3;
	v23 =	vld [tilespmem:s14+$0x1920];
	[tilespmem:v11+s12+$0x0] =	vst.idx.msk $0xffff, v16;
	v11 =	vadd.f32 v13, v21  }
0x24a: {  	v16 =	vadd.s32 s31, v3;
	v21 =	vld [tilespmem:s8+$0x20]  }
0x24b: {  	v63 =	vadd.s32 s2, v3;
	v25 =	vld [tilespmem:s6+$0x1920];
	v9 =	vadd.f32 v9, v15;
	[tilespmem:v12+s12+$0x0] =	vst.idx.msk $0xffff, v11  }
0x24c: {  	p2 =	por $0x1, $0x1;
	s19 =	simm.s32 $0xFFFF42;
	v6 =	vadd.f32 v8, v6;
	v26 =	vadd.s32 s18, v2;
	v13 =	vld [tilespmem:s8+$0x70]  }
0x24d: {  	s2 =	simm.s32 $0x9;
	v8 =	vadd.f32 v14, v7;
	v7 =	vadd.s32 s16, v3;
	s16 =	simm.s32 $0xB180;
	s31 =	simm.s32 $0xFFFF41;
	v12 =	vadd.s32 s20, v2;
	v14 =	vld [tilespmem:s3+$0x1930];
	[tilespmem:v17+s12+$0x0] =	vst.idx.msk $0xffff, v9  }
0x24e: {  	s31 =	smov.u32 @p2 s2;
	s2 =	simm.s32 $0xFFFF43;
	v15 =	vadd.f32 v22, v20;
	[tilespmem:v19+s12+$0x0] =	vst.idx.msk $0xffff, v6;
	s3 =	simm.s32 $0xB;
	v17 =	vld [tilespmem:s8+$0xFFFFFFA0]  }
0x24f: {  	s30 =	simm.s32 $0xFFFFD000;
	s29 =	simm.s32 $0xA;
	s2 =	smov.u32 @p2 s3;
	[tilespmem:v16+s12+$0x0] =	vst.idx.msk $0xffff, v8;
	v19 =	vadd.f32 v23, v18;
	v18 =	vld [tilespmem:s17+$0x1920];
	v16 =	vadd.s32 s0, v3  }
0x250: {  	s19 =	smov.u32 @p2 s29;
	s29 =	simm.s32 $0x200;
	v6 =	vadd.s32 s18, v3;
	[tilespmem:v63+s12+$0x0] =	vst.idx.msk $0xffff, v15;
	v15 =	vld [tilespmem:s28+$0x1930];
	s2 =	sshll.u32 s2, $0x8;
	v20 =	vadd.f32 v25, v21  }
0x251: {  	v11 =	vadd.s32 s5, v2;
	s1 =	sshll.u32 s31, $0x8;
	s31 =	simm.s32 $0xC;
	v9 =	vadd.s32 s20, v3;
	v8 =	vadd.s32 s5, v3;
	s28 =	sshra.s32 s2, $0x2;
	[tilespmem:v26+s12+$0x0] =	vst.idx.msk $0xffff, v19;
	v19 =	vld [tilespmem:s16+$0x40]  }
.LBB2_15:
0x252: {  	p1 =	slt.u32 s31, $0x18C;
	s0 =	sshll.u32 s19, $0x8;
	v21 =	vld [tilespmem:s28+$0x1900];
	[tilespmem:v12+s12+$0x0] =	vst.idx.msk $0xffff, v20;
	v12 =	vadd.f32 v14, v13;
	s5 =	sadd.s32 $0x104, s5  }
0x253: {  	s3 =	sshra.s32 s1, $0x2;
	v13 =	vld [tilespmem:s16+$0xFFFFFF80];
	v14 =	vadd.s32 s5, v0;
	v20 =	vadd.s32 s5, v1;
	v22 =	vadd.s32 s5, v2;
	s1 =	sshra.s32 s0, $0x2;
	s2 =	sadd.s32 $0xC3, s5  }
0x254: {  	s30 =	smov.u32 @p2 s29;
	v23 =	vadd.s32 s5, v3;
	s18 =	sadd.s32 $0x41, s5;
	s19 =	sadd.s32 $0x82, s5;
	v24 =	vld [tilespmem:s3+$0x1900];
	v25 =	vadd.s32 s2, v0;
	v17 =	vadd.f32 v18, v17;
	[tilespmem:v16+s12+$0x0] =	vst.idx.msk $0xffff, v12  }
0x255: {  	s0 =	smov.u32 s17;
	s17 =	smov.u32 s30;
	v16 =	vadd.s32 s18, v0;
	v18 =	vadd.s32 s18, v1;
	v27 =	vadd.s32 s19, v0;
	v26 =	vld [tilespmem:s1+$0x1900]  }
0x256: {  	v29 =	vadd.s32 s18, v2;
	v30 =	vadd.s32 s19, v1;
	v12 =	vadd.s32 s19, v2;
	v28 =	vld [tilespmem:s17+$0x1900];
	[tilespmem:v11+s12+$0x0] =	vst.idx.msk $0xffff, v17;
	v11 =	vmovc v22  }
0x257: {  	v10 =	vadd.f32 v15, v10;
	v22 =	vadd.s32 s18, v3;
	v17 =	vld [tilespmem:s16+$0xFFFFFFC0];
	v19 =	vadd.f32 v21, v19  }
0x258: {  	v21 =	vadd.s32 s19, v3;
	v15 =	vld [tilespmem:s16+$0x0]  }
0x259: {  	[tilespmem:v25+s12+$0x0] =	vst.idx.msk $0xffff, v19;
	v19 =	vld [tilespmem:s8+$0xFFFFFFF0]  }
0x25a: {  	v25 =	vld [tilespmem:s16+$0x50];
	[tilespmem:v7+s12+$0x0] =	vst.idx.msk $0xffff, v10;
	v7 =	vmov v8;
	v8 =	vmov v23  }
0x25b: {  	v10 =	vadd.f32 v28, v13;
	v13 =	vld [tilespmem:s28+$0x1910]  }
0x25c: {  	v17 =	vadd.f32 v24, v17;
	v23 =	vld [tilespmem:s14+$0x1930];
	s14 =	smov.u32 s3  }
0x25d: {  	[tilespmem:v14+s12+$0x0] =	vst.idx.msk $0xffff, v10;
	v10 =	vadd.f32 v26, v15;
	v14 =	vadd.s32 s2, v1;
	v15 =	vld [tilespmem:s8+$0x30]  }
0x25e: {  	v24 =	vld [tilespmem:s16+$0xFFFFFF90];
	[tilespmem:v16+s12+$0x0] =	vst.idx.msk $0xffff, v17  }
0x25f: {  	v16 =	vld [tilespmem:s16+$0xFFFFFFD0];
	[tilespmem:v27+s12+$0x0] =	vst.idx.msk $0xffff, v10  }
0x260: {  	v10 =	vld [tilespmem:s14+$0x1910];
	v13 =	vadd.f32 v13, v25  }
0x261: {  	v17 =	vld [tilespmem:s16+$0x10];
	v19 =	vadd.f32 v23, v19  }
0x262: {  	v23 =	vld [tilespmem:s1+$0x1910];
	[tilespmem:v14+s12+$0x0] =	vst.idx.msk $0xffff, v13  }
0x263: {  	v13 =	vld [tilespmem:s16+$0x60];
	[tilespmem:v6+s12+$0x0] =	vst.idx.msk $0xffff, v19;
	v6 =	vmov v22  }
0x264: {  	v14 =	vld [tilespmem:s28+$0x1920]  }
0x265: {  	v19 =	vld [tilespmem:s17+$0x1910];
	v10 =	vadd.f32 v10, v16  }
0x266: {  	v16 =	vadd.s32 s2, v2;
	v22 =	vld [tilespmem:s6+$0x1930];
	s6 =	smov.u32 s1  }
0x267: {  	[tilespmem:v18+s12+$0x0] =	vst.idx.msk $0xffff, v10;
	v17 =	vadd.f32 v23, v17;
	v10 =	vld [tilespmem:s8+$0xFFFFFFB0];
	s8 =	smov.u32 s16  }
0x268: {  	v18 =	vld [tilespmem:s16+$0xFFFFFFE0]  }
0x269: {  	v23 =	vld [tilespmem:s14+$0x1920];
	[tilespmem:v30+s12+$0x0] =	vst.idx.msk $0xffff, v17;
	v13 =	vadd.f32 v14, v13  }
0x26a: {  	v14 =	vadd.f32 v19, v24;
	v19 =	vld [tilespmem:s16+$0x20]  }
0x26b: {  	v24 =	vld [tilespmem:s6+$0x1920];
	[tilespmem:v16+s12+$0x0] =	vst.idx.msk $0xffff, v13;
	v15 =	vadd.f32 v22, v15  }
0x26c: {  	s29 =	sadd.s32 $0x100, s29;
	s19 =	sadd.s32 $0xFFFF3A, s31;
	s1 =	sadd.s32 $0x1, s31;
	[tilespmem:v20+s12+$0x0] =	vst.idx.msk $0xffff, v14;
	v13 =	vld [tilespmem:s16+$0x70]  }
.Ltmp6:
0x26d: {  	s18 =	sadd.s32 $0x2, s31;
	s3 =	sadd.s32 $0xFFFF39, s31;
	v14 =	vld [tilespmem:s28+$0x1930];
	[tilespmem:v9+s12+$0x0] =	vst.idx.msk $0xffff, v15;
	(pc) =	sbr.rel @p1 .LBB2_15-.Ltmp6, $4  }
0x26e: {  	p2 =	slt.u32 s31, $0xC8;
	s20 =	sadd.s32 $0xFFFF3B, s31;
	s28 =	sadd.s32 $0x3, s31;
	v9 =	vmov v21;
	v17 =	vld [tilespmem:s16+$0xFFFFFFA0];
	v15 =	vadd.f32 v23, v18  }
0x26f: {  	s30 =	sadd.s32 $0xFFFFCE00, s29;
	s3 =	smov.u32 @p2 s1;
	v16 =	vadd.s32 s2, v3;
	s20 =	smov.u32 @p2 s28;
	v18 =	vld [tilespmem:s17+$0x1920]  }
0x270: {  	s19 =	smov.u32 @p2 s18;
	s16 =	sadd.s32 $0x100, s16;
	s2 =	sshll.u32 s20, $0x8;
	[tilespmem:v29+s12+$0x0] =	vst.idx.msk $0xffff, v15;
	v20 =	vadd.f32 v24, v19;
	v15 =	vld [tilespmem:s0+$0x1930]  }
0x271: {  	s1 =	sshll.u32 s3, $0x8;
	s31 =	sadd.s32 $0x4, s31;
	s28 =	sshra.s32 s2, $0x2;
	v19 =	vld [tilespmem:s16+$0x40]  }
0x272: {  	v21 =	vld [tilespmem:s28+$0x1900]  }
0x273: {  	v22 =	vld [tilespmem:s16+$0xFFFFFF80]  }
0x274: {  	s0 =	sadd.s32 $0x104, s5;
	v27 =	vld [tilespmem:s16+$0xFFFFFFC0]  }
0x275: {  	s3 =	sshra.s32 s1, $0x2;
	v28 =	vld [tilespmem:s16+$0x0];
	s2 =	sadd.s32 $0xC3, s0  }
0x276: {  	v23 =	vld [tilespmem:s3+$0x1900];
	v24 =	vadd.s32 s2, v0  }
0x277: {  	s30 =	smov.u32 @p2 s29;
	v60 =	vld [tilespmem:s8+$0xFFFFFFF0];
	s20 =	sadd.s32 $0x41, s0  }
0x278: {  	s18 =	sshll.u32 s19, $0x8;
	[tilespmem:v12+s12+$0x0] =	vst.idx.msk $0xffff, v20;
	v26 =	vld [tilespmem:s30+$0x1900];
	v29 =	vadd.s32 s20, v0  }
0x279: {  	s19 =	sshra.s32 s18, $0x2;
	v63 =	vld [tilespmem:s8+$0x30];
	v19 =	vadd.f32 v21, v19  }
0x27a: {  	v58 =	vadd.s32 s0, v0;
	v25 =	vld [tilespmem:s19+$0x1900]  }
0x27b: {  	s29 =	sadd.s32 $0x82, s0;
	v41 =	vld [tilespmem:s6+$0x1930];
	v61 =	vadd.f32 v23, v27;
	[tilespmem:v24+s12+$0x0] =	vst.idx.msk $0xffff, v19  }
0x27c: {  	v30 =	vadd.s32 s29, v0;
	v24 =	vld [tilespmem:s16+$0x50]  }
0x27d: {  	v22 =	vadd.f32 v26, v22;
	v59 =	vld [tilespmem:s28+$0x1910];
	[tilespmem:v29+s12+$0x0] =	vst.idx.msk $0xffff, v61  }
0x27e: {  	v20 =	vld [tilespmem:s16+$0xFFFFFFD0]  }
0x27f: {  	v62 =	vadd.s32 s2, v1;
	v31 =	vadd.f32 v25, v28;
	[tilespmem:v58+s12+$0x0] =	vst.idx.msk $0xffff, v22;
	v33 =	vld [tilespmem:s3+$0x1910]  }
0x280: {  	v32 =	vld [tilespmem:s16+$0xFFFFFF90]  }
0x281: {  	v35 =	vadd.s32 s20, v1;
	v17 =	vadd.f32 v18, v17;
	[tilespmem:v30+s12+$0x0] =	vst.idx.msk $0xffff, v31;
	v38 =	vld [tilespmem:s30+$0x1910]  }
0x282: {  	v34 =	vld [tilespmem:s16+$0x10];
	v24 =	vadd.f32 v59, v24  }
0x283: {  	v40 =	vadd.s32 s0, v1;
	[tilespmem:v11+s12+$0x0] =	vst.idx.msk $0xffff, v17;
	v36 =	vld [tilespmem:s19+$0x1910]  }
0x284: {  	v43 =	vld [tilespmem:s8+$0xFFFFFFB0];
	v20 =	vadd.f32 v33, v20;
	[tilespmem:v62+s12+$0x0] =	vst.idx.msk $0xffff, v24  }
0x285: {  	v37 =	vadd.s32 s29, v1;
	v21 =	vld [tilespmem:s16+$0x60]  }
0x286: {  	v46 =	vadd.f32 v38, v32;
	v39 =	vld [tilespmem:s28+$0x1920];
	[tilespmem:v35+s12+$0x0] =	vst.idx.msk $0xffff, v20  }
0x287: {  	v27 =	vld [tilespmem:s16+$0xFFFFFFE0]  }
0x288: {  	v42 =	vadd.f32 v36, v34;
	[tilespmem:v40+s12+$0x0] =	vst.idx.msk $0xffff, v46;
	v45 =	vld [tilespmem:s3+$0x1920]  }
0x289: {  	v44 =	vadd.s32 s2, v2;
	v17 =	vld [tilespmem:s16+$0xFFFFFFA0]  }
0x28a: {  	[tilespmem:v37+s12+$0x0] =	vst.idx.msk $0xffff, v42;
	v50 =	vld [tilespmem:s30+$0x1920]  }
0x28b: {  	v47 =	vadd.s32 s20, v2;
	v18 =	vld [tilespmem:s16+$0x20]  }
0x28c: {  	v48 =	vld [tilespmem:s19+$0x1920];
	v21 =	vadd.f32 v39, v21  }
0x28d: {  	v51 =	vadd.s32 s0, v2;
	v53 =	vld [tilespmem:s17+$0x1930]  }
0x28e: {  	v49 =	vadd.s32 s29, v2;
	v19 =	vld [tilespmem:s14+$0x1930];
	v27 =	vadd.f32 v45, v27;
	[tilespmem:v44+s12+$0x0] =	vst.idx.msk $0xffff, v21  }
0x28f: {  	v26 =	vld [tilespmem:s16+$0x70]  }
0x290: {  	v17 =	vadd.f32 v50, v17;
	v52 =	vld [tilespmem:s28+$0x1930];
	[tilespmem:v47+s12+$0x0] =	vst.idx.msk $0xffff, v27  }
0x291: {  	v18 =	vadd.f32 v48, v18;
	v54 =	vld [tilespmem:s16+$0xFFFFFFF0]  }
0x292: {  	[tilespmem:v51+s12+$0x0] =	vst.idx.msk $0xffff, v17;
	v55 =	vld [tilespmem:s3+$0x1930]  }
0x293: {  	v13 =	vadd.f32 v14, v13;
	[tilespmem:v49+s12+$0x0] =	vst.idx.msk $0xffff, v18;
	v59 =	vld [tilespmem:s16+$0xFFFFFFB0]  }
0x294: {  	v57 =	vadd.s32 s2, v3;
	v10 =	vadd.f32 v15, v10;
	v56 =	vld [tilespmem:s16+$0x30]  }
0x295: {  	[tilespmem:v16+s12+$0x0] =	vst.idx.msk $0xffff, v13;
	v12 =	vadd.f32 v19, v60;
	v58 =	vld [tilespmem:s19+$0x1930]  }
0x296: {  	[tilespmem:v7+s12+$0x0] =	vst.idx.msk $0xffff, v10;
	v7 =	vadd.f32 v41, v63;
	v60 =	vadd.s32 s20, v3;
	v61 =	vld [tilespmem:s30+$0x1930]  }
0x297: {  	[tilespmem:v6+s12+$0x0] =	vst.idx.msk $0xffff, v12;
	v62 =	vadd.s32 s29, v3;
	v6 =	vadd.f32 v52, v26  }
0x298: {  	v63 =	vadd.s32 s0, v3;
	[tilespmem:v9+s12+$0x0] =	vst.idx.msk $0xffff, v7;
	v7 =	vadd.f32 v53, v43  }
0x299: {  	[tilespmem:v57+s12+$0x0] =	vst.idx.msk $0xffff, v6;
	v6 =	vadd.f32 v55, v54  }
0x29a: {  	[tilespmem:v8+s12+$0x0] =	vst.idx.msk $0xffff, v7;
	v7 =	vadd.f32 v58, v56  }
0x29b: {  	[tilespmem:v60+s12+$0x0] =	vst.idx.msk $0xffff, v6;
	v6 =	vadd.f32 v61, v59  }
0x29c: {  	[tilespmem:v62+s12+$0x0] =	vst.idx.msk $0xffff, v7  }
0x29d: {  	s1 =	simm.s32 @!p0 $0x38;
	s2 =	simm.s32 @!p0 $0xAF00;
	s0 =	sadd.s32 @!p0 $0x4B0, s15;
	[tilespmem:v63+s12+$0x0] =	vst.idx.msk $0xffff, v6  }
0x29e: {  	[tilespmem:s2], [sflag:$0x9] =	stream.indirect.gather @!p0 [hbm4b:s7+s1], $0x40, s0, s1, $0xb8;
	[tilespmem:$0x1E510] =	vst v63  }
0x29f: {  	s3 =	simm.s32 @!p0 $0xBD00;
	s0 =	sadd.s32 @!p0 $0x4E8, s15;
	s2 =	simm.s32 @!p0 $0x30  }
0x2a0: {  	[tilespmem:s3], [sflag:$0xA] =	stream.indirect.gather @!p0 [hbm4b:s7+s2], $0x40, s0, s2, $0xb8;
	[tilespmem:$0x1E510] =	vst v63  }
0x2a1: {  	s0 =	sadd.s32 @!p0 $0x518, s15;
	s3 =	simm.s32 @!p0 $0xC900  }
0x2a2: {  	[tilespmem:s3], [sflag:$0xB] =	stream.indirect.gather @!p0 [hbm4b:s7+s2], $0x40, s0, s2, $0xb8;
	[tilespmem:$0x1E510] =	vst v63  }
0x2a3: {  	s0 =	sadd.s32 @!p0 $0x548, s15;
	s3 =	simm.s32 @!p0 $0xD500  }
0x2a4: {  	[tilespmem:s3], [sflag:$0xC] =	stream.indirect.gather @!p0 [hbm4b:s7+s2], $0x40, s0, s2, $0xb8;
	[tilespmem:$0x1E510] =	vst v63  }
0x2a5: {  	s0 =	sadd.s32 @!p0 $0x578, s15;
	s3 =	simm.s32 @!p0 $0xE100  }
0x2a6: {  	[tilespmem:s3], [sflag:$0xD] =	stream.indirect.gather @!p0 [hbm4b:s7+s1], $0x40, s0, s1, $0xb8;
	[tilespmem:$0x1E510] =	vst v63  }
0x2a7: {  	s31 =	simm.s32 $0x14500;
	s0 =	sadd.s32 @!p0 $0x5B0, s15;
	s1 =	simm.s32 @!p0 $0xEF00  }
0x2a8: {  	[tilespmem:s1], [sflag:$0xE] =	stream.indirect.gather @!p0 [hbm4b:s7+s2], $0x40, s0, s2, $0xb8;
	[tilespmem:$0x1E510] =	vst v63  }
0x2a9: {  	s17 =	simm.s32 $0x0;
	s0 =	sadd.s32 @!p0 $0x5E0, s15;
	s1 =	simm.s32 @!p0 $0xFB00  }
0x2aa: {  	[tilespmem:s1], [sflag:$0xF] =	stream.indirect.gather @!p0 [hbm4b:s7+s2], $0x40, s0, s2, $0xb8;
	[tilespmem:$0x1E510] =	vst v63  }
0x2ab: {  	s0 =	sadd.s32 @!p0 $0x610, s15;
	s1 =	simm.s32 @!p0 $0x10700;
	s15 =	simm.s32 $0x0  }
0x2ac: {  	[tilespmem:s1], [sflag:$0x10] =	stream.indirect.gather @!p0 [hbm4b:s7+s2], $0x40, s0, s2, $0xb8;
	[tilespmem:$0x1E510] =	vst v63  }
.LBB2_17:
0x2ad: {  	s0 =	sshll.u32 s17, $0x4  }
0x2ae: {  	v6 =	vmov s0  }
0x2af: {  	v6 =	vmul.u32 $0x41, v6;
	_ =	sdelay $0x1  }
0x2b0: {  	v6 =	vbroadcast v6, $0x0;
	_ =	sdelay $0x1  }
0x2b1: {  	v6 =	vadd.s32 v4, v6  }
0x2b2: {  	v7 =	vadd.s32 s15, v6  }
0x2b3: {  	v7 =	vand.u32 $0xFFFFFFF8, v7  }
0x2b4: {  	v7 =	vor.u32 v5, v7  }
0x2b5: {  	s18 =	simm.s32 $0x1  }
0x2b6: {  	v8 =	vadd.s32 s18, v6  }
0x2b7: {  	s19 =	simm.s32 $0x2  }
0x2b8: {  	v9 =	vadd.s32 s19, v6  }
0x2b9: {  	s20 =	simm.s32 $0x3;
	v10 =	vld.idx.msk [tilespmem:v7+s12+$0x0], $0xffff  }
0x2ba: {  	v11 =	vadd.s32 s20, v6  }
0x2bb: {  	s28 =	simm.s32 $0x4;
	v7 =	vld.idx.msk [tilespmem:v8+s12+$0x0], $0xffff  }
0x2bc: {  	s29 =	simm.s32 $0x5;
	v13 =	vadd.s32 s28, v6  }
0x2bd: {  	v12 =	vadd.s32 s29, v6;
	v9 =	vld.idx.msk [tilespmem:v9+s12+$0x0], $0xffff  }
0x2be: {  	s5 =	simm.s32 $0x8;
	s30 =	simm.s32 $0x6;
	v15 =	vmul.f32 v10, v10  }
0x2bf: {  	v16 =	vimm.f32 $0.0e+00;
	v18 =	vadd.s32 s5, v6;
	v8 =	vld.idx.msk [tilespmem:v11+s12+$0x0], $0xffff;
	v11 =	vadd.s32 s30, v6  }
0x2c0: {  	s1 =	simm.s32 $0x7;
	v14 =	vadd.f32 v10, v16;
	v17 =	vmul.f32 v7, v7;
	v15 =	vadd.f32 v15, v16  }
0x2c1: {  	s0 =	simm.s32 $0x10;
	v10 =	vld.idx.msk [tilespmem:v13+s12+$0x0], $0xffff;
	v13 =	vadd.s32 s1, v6;
	v16 =	vand.u32 $0xFFFFFFF8, v18  }
.LBB2_18:
0x2c2: {  	p0 =	slt.u32 s0, $0x38;
	v7 =	vadd.f32 v7, v14;
	v14 =	vadd.f32 v17, v15;
	v15 =	vmul.f32 v9, v9;
	v12 =	vld.idx.msk [tilespmem:v12+s12+$0x0], $0xffff  }
0x2c3: {  	v16 =	vor.u32 v5, v16  }
0x2c4: {  	s1 =	sadd.s32 $0x1, s5;
	v7 =	vadd.f32 v9, v7;
	v9 =	vadd.f32 v15, v14;
	v14 =	vmul.f32 v8, v8;
	v11 =	vld.idx.msk [tilespmem:v11+s12+$0x0], $0xffff  }
0x2c5: {  	v15 =	vadd.s32 s1, v6  }
0x2c6: {  	s1 =	sadd.s32 $0x2, s5;
	v7 =	vadd.f32 v8, v7;
	v8 =	vadd.f32 v14, v9;
	v9 =	vmul.f32 v10, v10;
	v13 =	vld.idx.msk [tilespmem:v13+s12+$0x0], $0xffff  }
0x2c7: {  	v14 =	vadd.s32 s1, v6  }
0x2c8: {  	s1 =	sadd.s32 $0x3, s5;
	v16 =	vld.idx.msk [tilespmem:v16+s12+$0x0], $0xffff;
	v10 =	vadd.f32 v10, v7;
	v8 =	vadd.f32 v9, v8;
	v9 =	vmul.f32 v12, v12  }
0x2c9: {  	v17 =	vadd.s32 s1, v6  }
0x2ca: {  	s1 =	sadd.s32 $0x4, s5;
	v7 =	vld.idx.msk [tilespmem:v15+s12+$0x0], $0xffff;
	v10 =	vadd.f32 v12, v10;
	v8 =	vadd.f32 v9, v8;
	v12 =	vmul.f32 v11, v11  }
0x2cb: {  	v18 =	vadd.s32 s1, v6  }
0x2cc: {  	s1 =	sadd.s32 $0x5, s5;
	v9 =	vld.idx.msk [tilespmem:v14+s12+$0x0], $0xffff;
	v10 =	vadd.f32 v11, v10;
	v11 =	vadd.f32 v12, v8;
	v14 =	vmul.f32 v13, v13  }
.Ltmp7:
0x2cd: {  	v12 =	vadd.s32 s1, v6;
	(pc) =	sbr.rel @p0 .LBB2_18-.Ltmp7, $4  }
0x2ce: {  	s1 =	sadd.s32 $0x6, s5;
	v15 =	vmul.f32 v16, v16;
	v8 =	vld.idx.msk [tilespmem:v17+s12+$0x0], $0xffff;
	v10 =	vadd.f32 v13, v10;
	v13 =	vadd.f32 v14, v11  }
0x2cf: {  	v19 =	vadd.s32 s0, v6;
	v11 =	vadd.s32 s1, v6  }
0x2d0: {  	s1 =	sadd.s32 $0x7, s5;
	s5 =	smov.u32 s0;
	v17 =	vmul.f32 v7, v7;
	v14 =	vadd.f32 v16, v10;
	v15 =	vadd.f32 v15, v13;
	v10 =	vld.idx.msk [tilespmem:v18+s12+$0x0], $0xffff  }
0x2d1: {  	s0 =	sadd.s32 $0x8, s0;
	v16 =	vand.u32 $0xFFFFFFF8, v19;
	v13 =	vadd.s32 s1, v6  }
0x2d2: {  	_ = 	snop  }
0x2d3: {  	v7 =	vadd.f32 v7, v14;
	_ =	sdelay $0x1  }
0x2d4: {  	v14 =	vadd.f32 v17, v15;
	v15 =	vmul.f32 v9, v9;
	v7 =	vadd.f32 v9, v7  }
0x2d5: {  	v9 =	vld.idx.msk [tilespmem:v12+s12+$0x0], $0xffff;
	v12 =	vor.u32 v5, v16  }
0x2d6: {  	s0 =	sadd.s32 $0x1, s5;
	v14 =	vadd.f32 v15, v14;
	v15 =	vmul.f32 v8, v8;
	v7 =	vadd.f32 v8, v7  }
0x2d7: {  	v8 =	vld.idx.msk [tilespmem:v11+s12+$0x0], $0xffff;
	v11 =	vadd.s32 s0, v6  }
0x2d8: {  	s1 =	sadd.s32 $0x2, s5;
	v14 =	vadd.f32 v15, v14;
	v15 =	vmul.f32 v10, v10;
	v7 =	vadd.f32 v10, v7  }
0x2d9: {  	v10 =	vld.idx.msk [tilespmem:v13+s12+$0x0], $0xffff;
	v13 =	vadd.s32 s1, v6  }
0x2da: {  	s2 =	sadd.s32 $0x3, s5;
	v14 =	vadd.f32 v15, v14;
	v15 =	vmul.f32 v9, v9;
	v7 =	vadd.f32 v9, v7  }
0x2db: {  	v9 =	vld.idx.msk [tilespmem:v12+s12+$0x0], $0xffff;
	v12 =	vadd.s32 s2, v6  }
0x2dc: {  	s3 =	sadd.s32 $0x4, s5;
	v14 =	vadd.f32 v15, v14;
	v15 =	vmul.f32 v8, v8;
	v7 =	vadd.f32 v8, v7  }
0x2dd: {  	v8 =	vld.idx.msk [tilespmem:v11+s12+$0x0], $0xffff;
	v11 =	vadd.s32 s3, v6  }
0x2de: {  	s6 =	sadd.s32 $0x5, s5;
	v14 =	vadd.f32 v15, v14;
	v15 =	vmul.f32 v10, v10;
	v7 =	vadd.f32 v10, v7  }
0x2df: {  	v10 =	vld.idx.msk [tilespmem:v13+s12+$0x0], $0xffff;
	v13 =	vadd.s32 s6, v6  }
0x2e0: {  	s8 =	sadd.s32 $0x6, s5;
	v16 =	vmul.f32 v9, v9;
	v14 =	vadd.f32 v15, v14;
	v7 =	vadd.f32 v9, v7  }
0x2e1: {  	v9 =	vld.idx.msk [tilespmem:v12+s12+$0x0], $0xffff;
	v12 =	vadd.s32 s8, v6  }
0x2e2: {  	s14 =	sadd.s32 $0x7, s5;
	v14 =	vadd.f32 v16, v14;
	v15 =	vmul.f32 v8, v8;
	v7 =	vadd.f32 v8, v7  }
0x2e3: {  	v8 =	vld.idx.msk [tilespmem:v11+s12+$0x0], $0xffff;
	v11 =	vadd.s32 s14, v6  }
0x2e4: {  	v14 =	vadd.f32 v15, v14;
	v15 =	vmul.f32 v10, v10;
	v7 =	vadd.f32 v10, v7  }
0x2e5: {  	v10 =	vld.idx.msk [tilespmem:v13+s12+$0x0], $0xffff  }
0x2e6: {  	v13 =	vadd.f32 v15, v14;
	v14 =	vmul.f32 v9, v9;
	v7 =	vadd.f32 v9, v7  }
0x2e7: {  	v9 =	vld.idx.msk [tilespmem:v12+s12+$0x0], $0xffff  }
0x2e8: {  	v12 =	vadd.f32 v14, v13;
	v13 =	vmul.f32 v8, v8;
	v7 =	vadd.f32 v8, v7  }
0x2e9: {  	v8 =	vld.idx.msk [tilespmem:v11+s12+$0x0], $0xffff  }
0x2ea: {  	v11 =	vadd.f32 v13, v12;
	v12 =	vmul.f32 v10, v10;
	v7 =	vadd.f32 v10, v7;
	_ =	sdelay $0x1  }
0x2eb: {  	v10 =	vadd.f32 v12, v11;
	v11 =	vmul.f32 v9, v9;
	v7 =	vadd.f32 v9, v7;
	_ =	sdelay $0x1  }
0x2ec: {  	v9 =	vadd.f32 v11, v10;
	v10 =	vmul.f32 v8, v8;
	v7 =	vadd.f32 v8, v7;
	_ =	sdelay $0x1  }
0x2ed: {  	v8 =	vadd.f32 v10, v9;
	v7 =	vmul.f32 $1.562500000e-02, v7;
	_ =	sdelay $0x1  }
0x2ee: {  	v8 =	vmul.f32 $1.562500000e-02, v8;
	v9 =	vmul.f32 v7, v7;
	_ =	sdelay $0x1  }
0x2ef: {  	v8 =	vsub.f32 v8, v9;
	_ =	sdelay $0x1  }
0x2f0: {  	v8 =	vadd.f32 $9.999999740e-06, v8;
	_ =	sdelay $0x1  }
0x2f1: {  	v9 =	vshrl.u32 v8, $0x1;
	v11 =	vmul.f32 $5.000000000e-01, v8  }
0x2f2: {  	v8 =	vsub.s32 $0x5F3759DF, v9  }
0x2f3: {  	v9 =	vmul.f32 v8, v11;
	_ =	sdelay $0x1  }
0x2f4: {  	v9 =	vmul.f32 v8, v9;
	_ =	sdelay $0x1  }
0x2f5: {  	v9 =	vsub.f32 $1.500000000e+00, v9;
	_ =	sdelay $0x1  }
0x2f6: {  	v8 =	vmul.f32 v8, v9;
	_ =	sdelay $0x1  }
0x2f7: {  	v9 =	vmul.f32 v8, v11  }
0x2f8: {  	s16 =	simm.s32 $0x1E150  }
0x2f9: {  	v28 =	vld [tilespmem:s16+$0xFFFFFFC0];
	v10 =	vmul.f32 v9, v8  }
0x2fa: {  	v25 =	vld [tilespmem:s16+$0x30];
	s2 =	simm.s32 $0x0  }
0x2fb: {  	v31 =	vld [tilespmem:s16+$0xFFFFFFD0];
	v12 =	vadd.s32 s2, v6;
	v13 =	vsub.f32 $1.500000000e+00, v10  }
0x2fc: {  	v23 =	vld [tilespmem:s16+$0xFFFFFFF0];
	s1 =	simm.s32 $0x1DD50;
	v12 =	vand.u32 $0xFFFFFFF8, v12  }
0x2fd: {  	v20 =	vld [tilespmem:s1+$0xFFFFFFC0];
	v10 =	vor.u32 v5, v12;
	v12 =	vmul.f32 v13, v8  }
0x2fe: {  	v18 =	vld [tilespmem:s1+$0xFFFFFFF0]  }
0x2ff: {  	s20 =	simm.s32 $0x2;
	v19 =	vld [tilespmem:s1+$0xFFFFFFE0];
	v11 =	vmul.f32 v12, v11  }
0x300: {  	s18 =	simm.s32 $0x7;
	v21 =	vld [tilespmem:s1+$0xFFFFFFD0];
	v15 =	vadd.s32 s20, v6  }
0x301: {  	v30 =	vld [tilespmem:s1+$0x30];
	v8 =	vadd.s32 s18, v6;
	v11 =	vmul.f32 v11, v12  }
0x302: {  	v34 =	vld [tilespmem:s1+$0x20]  }
0x303: {  	s19 =	simm.s32 $0x5;
	v16 =	vld [tilespmem:s1+$0x0];
	v14 =	vsub.f32 $1.500000000e+00, v11  }
0x304: {  	s28 =	simm.s32 $0x4;
	v36 =	vld [tilespmem:s1+$0x10];
	v13 =	vadd.s32 s19, v6  }
0x305: {  	v26 =	vld.idx.msk [tilespmem:v15+s12+$0x0], $0xffff;
	v11 =	vadd.s32 s28, v6;
	v17 =	vmul.f32 v14, v12  }
0x306: {  	v29 =	vld.idx.msk [tilespmem:v8+s12+$0x0], $0xffff  }
0x307: {  	s3 =	simm.s32 $0x3;
	v9 =	vld [tilespmem:s16+$0x10];
	v24 =	vmul.f32 v19, v17  }
0x308: {  	s29 =	simm.s32 $0x6;
	v32 =	vld.idx.msk [tilespmem:v10+s12+$0x0], $0xffff;
	v12 =	vadd.s32 s3, v6;
	v35 =	vmul.f32 v16, v17;
	v19 =	vmul.f32 v21, v17  }
0x309: {  	s30 =	simm.s32 $0x1;
	v27 =	vld.idx.msk [tilespmem:v13+s12+$0x0], $0xffff;
	v14 =	vadd.s32 s29, v6;
	v18 =	vmul.f32 v18, v17;
	v33 =	vmul.f32 v30, v17  }
0x30a: {  	v16 =	vadd.s32 s30, v6;
	v37 =	vmul.f32 v20, v17;
	v36 =	vmul.f32 v36, v17;
	v40 =	vld.idx.msk [tilespmem:v11+s12+$0x0], $0xffff  }
0x30b: {  	v39 =	vmul.f32 v33, v7;
	v20 =	vmul.f32 v33, v29;
	v33 =	vld [tilespmem:s16+$0xFFFFFFE0]  }
0x30c: {  	v34 =	vmul.f32 v34, v17;
	v38 =	vmul.f32 v18, v7;
	v29 =	vld [tilespmem:s16+$0x0]  }
0x30d: {  	v22 =	vmul.f32 v35, v7;
	v41 =	vmul.f32 v37, v7;
	v21 =	vld.idx.msk [tilespmem:v12+s12+$0x0], $0xffff  }
0x30e: {  	v42 =	vmul.f32 v19, v7;
	v30 =	vld.idx.msk [tilespmem:v14+s12+$0x0], $0xffff;
	v23 =	vsub.f32 v23, v38;
	v25 =	vsub.f32 v25, v39  }
0x30f: {  	v38 =	vsub.f32 v28, v41;
	v39 =	vmul.f32 v37, v32;
	v37 =	vmul.f32 v24, v7;
	v32 =	vld.idx.msk [tilespmem:v16+s12+$0x0], $0xffff  }
0x310: {  	s5 =	simm.s32 $0x1DDD0;
	s1 =	simm.s32 $0x8;
	s2 =	simm.s32 $0x1E1D0;
	v31 =	vsub.f32 v31, v42;
	v28 =	vmul.f32 v35, v40;
	v40 =	vmul.f32 v36, v7;
	v35 =	vld [tilespmem:s16+$0x20]  }
.LBB2_20:
0x311: {  	s0 =	sadd.s32 $0x1, s1  }
0x312: {  	v41 =	vadd.s32 s1, v6;
	v42 =	vld [tilespmem:s5+$0x0];
	s3 =	sadd.s32 $0x7, s1;
	v38 =	vadd.f32 v38, v39;
	v27 =	vmul.f32 v36, v27;
	s8 =	smov.u32 s1;
	s6 =	sadd.s32 $0x8, s1  }
0x313: {  	p0 =	slt.u32 s1, $0x38;
	v36 =	vand.u32 $0xFFFFFFF8, v41;
	v39 =	vadd.s32 s0, v6;
	v40 =	vsub.f32 v9, v40;
	v9 =	vld [tilespmem:s2+$0x10]  }
0x314: {  	s0 =	sadd.s32 $0x2, s8;
	v43 =	vadd.s32 s3, v6;
	v41 =	vld [tilespmem:s2+$0xFFFFFFC0];
	[tilespmem:v10+s12+$0x0] =	vst.idx.msk $0xffff, v38;
	v10 =	vor.u32 v5, v36;
	v36 =	vmul.f32 v34, v7  }
0x315: {  	v30 =	vmul.f32 v34, v30;
	v33 =	vsub.f32 v33, v37;
	v38 =	vadd.s32 s0, v6;
	s0 =	sadd.s32 $0x3, s8;
	v44 =	vld [tilespmem:s2+$0x30]  }
0x316: {  	v24 =	vmul.f32 v24, v26;
	v34 =	vadd.s32 s0, v6;
	s0 =	sadd.s32 $0x4, s8;
	v26 =	vadd.f32 v40, v27;
	v45 =	vld [tilespmem:s2+$0xFFFFFFD0]  }
0x317: {  	v22 =	vsub.f32 v29, v22;
	v40 =	vadd.s32 s0, v6;
	s0 =	sadd.s32 $0x5, s8;
	v27 =	vsub.f32 v35, v36;
	v37 =	vld [tilespmem:s2+$0xFFFFFFF0]  }
0x318: {  	v19 =	vmul.f32 v19, v32;
	v24 =	vadd.f32 v33, v24;
	v35 =	vadd.s32 s0, v6;
	s0 =	sadd.s32 $0x6, s8;
	v29 =	vld [tilespmem:s5+$0xFFFFFFC0]  }
0x319: {  	v18 =	vmul.f32 v18, v21;
	v33 =	vadd.s32 s0, v6;
	v21 =	vadd.f32 v27, v30;
	v32 =	vld [tilespmem:s5+$0xFFFFFFF0]  }
0x31a: {  	v22 =	vadd.f32 v22, v28;
	v19 =	vadd.f32 v31, v19;
	v46 =	vld.idx.msk [tilespmem:v10+s12+$0x0], $0xffff;
	[tilespmem:v15+s12+$0x0] =	vst.idx.msk $0xffff, v24  }
0x31b: {  	v20 =	vadd.f32 v25, v20;
	v18 =	vadd.f32 v23, v18;
	v15 =	vmov v38;
	v24 =	vld [tilespmem:s5+$0xFFFFFFE0];
	[tilespmem:v13+s12+$0x0] =	vst.idx.msk $0xffff, v26  }
0x31c: {  	v13 =	vmov v35;
	v23 =	vld.idx.msk [tilespmem:v43+s12+$0x0], $0xffff;
	[tilespmem:v16+s12+$0x0] =	vst.idx.msk $0xffff, v19;
	v16 =	vmov v39  }
0x31d: {  	v19 =	vld [tilespmem:s5+$0xFFFFFFD0];
	[tilespmem:v8+s12+$0x0] =	vst.idx.msk $0xffff, v20;
	v8 =	vmov v43  }
0x31e: {  	v20 =	vld [tilespmem:s5+$0x30];
	[tilespmem:v14+s12+$0x0] =	vst.idx.msk $0xffff, v21;
	v14 =	vmov v33  }
0x31f: {  	v25 =	vld [tilespmem:s5+$0x20];
	[tilespmem:v12+s12+$0x0] =	vst.idx.msk $0xffff, v18;
	v12 =	vmov v34  }
0x320: {  	v27 =	vld.idx.msk [tilespmem:v35+s12+$0x0], $0xffff;
	[tilespmem:v11+s12+$0x0] =	vst.idx.msk $0xffff, v22;
	v11 =	vmov v40  }
0x321: {  	v28 =	vmul.f32 v42, v17;
	v24 =	vmul.f32 v24, v17;
	v31 =	vld [tilespmem:s5+$0x10]  }
0x322: {  	v18 =	vmul.f32 v32, v17;
	v19 =	vmul.f32 v19, v17;
	v26 =	vld.idx.msk [tilespmem:v38+s12+$0x0], $0xffff  }
0x323: {  	v22 =	vmul.f32 v28, v7;
	v35 =	vld.idx.msk [tilespmem:v40+s12+$0x0], $0xffff;
	v20 =	vmul.f32 v20, v17  }
0x324: {  	v32 =	vmul.f32 v29, v17;
	v29 =	vmul.f32 v18, v7;
	v21 =	vld.idx.msk [tilespmem:v34+s12+$0x0], $0xffff  }
.Ltmp8:
0x325: {  	v30 =	vld.idx.msk [tilespmem:v33+s12+$0x0], $0xffff;
	v38 =	vmul.f32 v20, v7;
	v20 =	vmul.f32 v20, v23;
	(pc) =	sbr.rel @p0 .LBB2_20-.Ltmp8, $4  }
0x326: {  	v39 =	vmul.f32 v32, v7;
	v23 =	vsub.f32 v37, v29;
	v33 =	vld [tilespmem:s2+$0xFFFFFFE0];
	v36 =	vmul.f32 v31, v17  }
0x327: {  	v34 =	vmul.f32 v25, v17;
	v31 =	vmul.f32 v19, v7;
	v29 =	vld [tilespmem:s2+$0x0];
	v25 =	vsub.f32 v44, v38  }
0x328: {  	v37 =	vmul.f32 v24, v7;
	v38 =	vsub.f32 v41, v39;
	v39 =	vmul.f32 v32, v46;
	v32 =	vld.idx.msk [tilespmem:v16+s12+$0x0], $0xffff  }
0x329: {  	s1 =	smov.u32 s6;
	s5 =	sadd.s32 $0x80, s5;
	v31 =	vsub.f32 v45, v31;
	v28 =	vmul.f32 v28, v35;
	v40 =	vmul.f32 v36, v7;
	v35 =	vld [tilespmem:s2+$0x20];
	s2 =	sadd.s32 $0x80, s2  }
0x32a: {  	_ = 	snop  }
0x32b: {  	v17 =	vmul.f32 v24, v26;
	v57 =	vadd.f32 v38, v39  }
0x32c: {  	v58 =	vmul.f32 v36, v27;
	v7 =	vmul.f32 v34, v7;
	v6 =	vsub.f32 v33, v37  }
0x32d: {  	v59 =	vmul.f32 v34, v30;
	v61 =	vadd.f32 v25, v20;
	v9 =	vsub.f32 v9, v40  }
0x32e: {  	[tilespmem:v10+s12+$0x0] =	vst.idx.msk $0xffff, v57;
	v62 =	vsub.f32 v29, v22;
	v6 =	vadd.f32 v6, v17  }
0x32f: {  	s17 =	sadd.s32 $0x1, s17;
	[tilespmem:v8+s12+$0x0] =	vst.idx.msk $0xffff, v61;
	v19 =	vmul.f32 v19, v32;
	v9 =	vadd.f32 v9, v58  }
0x330: {  	p0 =	sne.s32 s17, $0x19;
	v7 =	vsub.f32 v35, v7;
	v63 =	vadd.f32 v62, v28;
	[tilespmem:v15+s12+$0x0] =	vst.idx.msk $0xffff, v6  }
.Ltmp9:
0x331: {  	v60 =	vadd.f32 v31, v19;
	v6 =	vmul.f32 v18, v21;
	[tilespmem:v13+s12+$0x0] =	vst.idx.msk $0xffff, v9;
	(pc) =	sbr.rel @p0 .LBB2_17-.Ltmp9, $4  }
0x332: {  	v7 =	vadd.f32 v7, v59;
	[tilespmem:v11+s12+$0x0] =	vst.idx.msk $0xffff, v63  }
0x333: {  	[tilespmem:v16+s12+$0x0] =	vst.idx.msk $0xffff, v60;
	v6 =	vadd.f32 v23, v6  }
0x334: {  	[tilespmem:v14+s12+$0x0] =	vst.idx.msk $0xffff, v7  }
0x335: {  	[tilespmem:v12+s12+$0x0] =	vst.idx.msk $0xffff, v6  }
0x336: {  	_ =	swait.ge [sflag:s26], $0x3200;
	s6 =	simm.s32 $0xC3  }
0x337: {  	s8 =	simm.s32 $0x41;
	[sflag:s26] =	ssyncset.done $0x0;
	v6 =	vadd.s32 s6, v0  }
0x338: {  	s15 =	simm.s32 $0x82;
	v7 =	vadd.s32 s8, v0;
	[sflag:s26] =	ssyncadd.s32 $0xFFFFCE00  }
0x339: {  	s0 =	simm.s32 $0x0;
	v8 =	vadd.s32 s15, v0;
	_ =	swait.ge [sflag:s26], $0x3200  }
0x33a: {  	v9 =	vadd.s32 s0, v0;
	[sflag:s26] =	ssyncset.done $0x0  }
0x33b: {  	[sflag:s26] =	ssyncadd.s32 $0xFFFFCE00  }
0x33c: {  	v6 =	vld.idx.msk [tilespmem:v6+s12+$0x0], $0xffff  }
0x33d: {  	v7 =	vld.idx.msk [tilespmem:v7+s12+$0x0], $0xffff  }
0x33e: {  	v10 =	vadd.s32 s6, v1;
	v8 =	vld.idx.msk [tilespmem:v8+s12+$0x0], $0xffff  }
0x33f: {  	v12 =	vadd.s32 s15, v1;
	v9 =	vld.idx.msk [tilespmem:v9+s12+$0x0], $0xffff  }
0x340: {  	s5 =	simm.s32 $0x11380;
	v11 =	vadd.s32 s8, v1  }
0x341: {  	s1 =	simm.s32 $0x104;
	[tilespmem:s5+$0x40] =	vst v6;
	v6 =	vadd.s32 s0, v1  }
0x342: {  	s14 =	simm.s32 $0x1C7;
	[tilespmem:s5+$0xFFFFFFC0] =	vst v7;
	v7 =	vadd.s32 s1, v0  }
0x343: {  	s2 =	simm.s32 $0x145;
	[tilespmem:s5+$0x0] =	vst v8;
	v8 =	vadd.s32 s14, v0;
	v10 =	vld.idx.msk [tilespmem:v10+s12+$0x0], $0xffff  }
0x344: {  	s3 =	simm.s32 $0x186;
	[tilespmem:s5+$0xFFFFFF80] =	vst v9;
	v9 =	vld.idx.msk [tilespmem:v12+s12+$0x0], $0xffff;
	v12 =	vadd.s32 s2, v0  }
0x345: {  	v14 =	vadd.s32 s3, v0;
	v11 =	vld.idx.msk [tilespmem:v11+s12+$0x0], $0xffff  }
0x346: {  	v13 =	vadd.s32 s6, v2;
	v6 =	vld.idx.msk [tilespmem:v6+s12+$0x0], $0xffff  }
0x347: {  	v15 =	vadd.s32 s15, v2;
	v7 =	vld.idx.msk [tilespmem:v7+s12+$0x0], $0xffff  }
0x348: {  	v8 =	vld.idx.msk [tilespmem:v8+s12+$0x0], $0xffff;
	[tilespmem:s5+$0x50] =	vst v10;
	v10 =	vadd.s32 s8, v2  }
0x349: {  	v17 =	vadd.s32 s0, v2;
	v12 =	vld.idx.msk [tilespmem:v12+s12+$0x0], $0xffff  }
0x34a: {  	[tilespmem:s5+$0xFFFFFFD0] =	vst v11;
	v11 =	vld.idx.msk [tilespmem:v14+s12+$0x0], $0xffff;
	v14 =	vadd.s32 s14, v1  }
0x34b: {  	[tilespmem:s5+$0x10] =	vst v9;
	v13 =	vld.idx.msk [tilespmem:v13+s12+$0x0], $0xffff  }
0x34c: {  	v18 =	vadd.s32 s2, v1;
	v15 =	vld.idx.msk [tilespmem:v15+s12+$0x0], $0xffff  }
0x34d: {  	v16 =	vadd.s32 s6, v3;
	s6 =	simm.s32 $0x11480;
	[tilespmem:s5+$0xFFFFFF90] =	vst v6;
	v9 =	vld.idx.msk [tilespmem:v10+s12+$0x0], $0xffff  }
0x34e: {  	[tilespmem:s6+$0x40] =	vst v8;
	v10 =	vadd.s32 s3, v1;
	v8 =	vld.idx.msk [tilespmem:v17+s12+$0x0], $0xffff  }
0x34f: {  	v17 =	vadd.s32 s15, v3;
	[tilespmem:s6+$0xFFFFFFC0] =	vst v12;
	v12 =	vld.idx.msk [tilespmem:v14+s12+$0x0], $0xffff  }
0x350: {  	s17 =	simm.s32 $0x28A;
	[tilespmem:s5+$0x60] =	vst v13;
	v13 =	vadd.s32 s1, v1  }
0x351: {  	v14 =	vld.idx.msk [tilespmem:v18+s12+$0x0], $0xffff;
	[tilespmem:s5+$0x20] =	vst v15;
	v15 =	vadd.s32 s17, v0  }
0x352: {  	[tilespmem:s6+$0x0] =	vst v11;
	v6 =	vld.idx.msk [tilespmem:v16+s12+$0x0], $0xffff;
	v16 =	vadd.s32 s8, v3  }
0x353: {  	s30 =	simm.s32 $0x208;
	[tilespmem:s6+$0xFFFFFF80] =	vst v7;
	v11 =	vadd.s32 s14, v2;
	v7 =	vld.idx.msk [tilespmem:v10+s12+$0x0], $0xffff  }
0x354: {  	s8 =	simm.s32 $0x2CB;
	v10 =	vadd.s32 s30, v0;
	[tilespmem:s6+$0x50] =	vst v12;
	v12 =	vld.idx.msk [tilespmem:v17+s12+$0x0], $0xffff  }
0x355: {  	[tilespmem:s5+$0xFFFFFFE0] =	vst v9;
	v9 =	vadd.s32 s8, v0;
	v13 =	vld.idx.msk [tilespmem:v13+s12+$0x0], $0xffff  }
0x356: {  	s16 =	simm.s32 $0x249;
	v17 =	vadd.s32 s2, v2;
	[tilespmem:s5+$0xFFFFFFA0] =	vst v8;
	v24 =	vld.idx.msk [tilespmem:v15+s12+$0x0], $0xffff  }
0x357: {  	v18 =	vadd.s32 s16, v0;
	[tilespmem:s6+$0xFFFFFFD0] =	vst v14;
	v16 =	vld.idx.msk [tilespmem:v16+s12+$0x0], $0xffff  }
0x358: {  	[tilespmem:s5+$0x70] =	vst v6;
	v6 =	vld.idx.msk [tilespmem:v11+s12+$0x0], $0xffff;
	v11 =	vadd.s32 s3, v2  }
0x359: {  	v22 =	vadd.s32 s1, v2;
	v23 =	vld.idx.msk [tilespmem:v10+s12+$0x0], $0xffff;
	[tilespmem:s6+$0x10] =	vst v7  }
0x35a: {  	v14 =	vadd.s32 s14, v3;
	v21 =	vld.idx.msk [tilespmem:v9+s12+$0x0], $0xffff;
	[tilespmem:s5+$0x30] =	vst v12  }
0x35b: {  	v26 =	vadd.s32 s17, v1;
	v19 =	vld.idx.msk [tilespmem:v17+s12+$0x0], $0xffff;
	v10 =	vadd.s32 s2, v3;
	s2 =	simm.s32 $0x11580;
	[tilespmem:s6+$0xFFFFFF90] =	vst v13  }
0x35c: {  	v8 =	vadd.s32 s8, v1;
	v13 =	vld.idx.msk [tilespmem:v18+s12+$0x0], $0xffff;
	[tilespmem:s2+$0x0] =	vst v24  }
0x35d: {  	v25 =	vadd.s32 s16, v1;
	[tilespmem:s5+$0xFFFFFFF0] =	vst v16;
	v18 =	vld.idx.msk [tilespmem:v11+s12+$0x0], $0xffff  }
0x35e: {  	v15 =	vadd.s32 s17, v2;
	[tilespmem:s6+$0x60] =	vst v6;
	v17 =	vld.idx.msk [tilespmem:v22+s12+$0x0], $0xffff;
	v16 =	vadd.s32 s30, v1  }
0x35f: {  	v7 =	vadd.s32 s0, v3;
	v9 =	vadd.s32 s3, v3;
	v20 =	vld.idx.msk [tilespmem:v14+s12+$0x0], $0xffff;
	[tilespmem:s2+$0x40] =	vst v21  }
0x360: {  	v12 =	vadd.s32 s16, v2;
	v24 =	vadd.s32 s8, v2;
	[tilespmem:s2+$0xFFFFFF80] =	vst v23;
	v23 =	vld.idx.msk [tilespmem:v26+s12+$0x0], $0xffff  }
0x361: {  	s20 =	simm.s32 $0x11300;
	v6 =	vadd.s32 s1, v3;
	v11 =	vadd.s32 s30, v3;
	[tilespmem:s2+$0xFFFFFFC0] =	vst v13;
	v22 =	vld.idx.msk [tilespmem:v8+s12+$0x0], $0xffff  }
0x362: {  	s14 =	simm.s32 $0x11580;
	s0 =	simm.s32 $0x8;
	s1 =	simm.s32 $0x30C;
	v14 =	vadd.s32 s30, v2;
	v13 =	vadd.s32 s16, v3;
	v8 =	vadd.s32 s17, v3;
	v21 =	vld.idx.msk [tilespmem:v25+s12+$0x0], $0xffff  }
.LBB2_23:
0x363: {  	v25 =	vadd.s32 s1, v0;
	v26 =	vadd.s32 s1, v2;
	s3 =	sadd.s32 $0x41, s1;
	s15 =	sadd.s32 $0xC3, s1;
	s0 =	sadd.s32 $0x4, s0;
	v27 =	vld.idx.msk [tilespmem:v16+s12+$0x0], $0xffff;
	v16 =	vadd.s32 s1, v1;
	[tilespmem:s6+$0xFFFFFFE0] =	vst v19  }
0x364: {  	s16 =	sadd.s32 $0x82, s1;
	v19 =	vadd.s32 s3, v0;
	v28 =	vadd.s32 s3, v1;
	v29 =	vadd.s32 s15, v0;
	p0 =	slt.u32 s0, $0x18C;
	v30 =	vld.idx.msk [tilespmem:v10+s12+$0x0], $0xffff;
	[tilespmem:s6+$0x70] =	vst v20;
	v10 =	vmovc v13  }
0x365: {  	v20 =	vadd.s32 s3, v2;
	v31 =	vadd.s32 s16, v0;
	v32 =	vadd.s32 s16, v1;
	[tilespmem:s6+$0x20] =	vst v18;
	v33 =	vld.idx.msk [tilespmem:v7+s12+$0x0], $0xffff;
	v7 =	vmovc v6;
	v6 =	vmovc v11  }
0x366: {  	v13 =	vadd.s32 s3, v3;
	v34 =	vadd.s32 s16, v2;
	[tilespmem:s2+$0x50] =	vst v22;
	v18 =	vld.idx.msk [tilespmem:v9+s12+$0x0], $0xffff;
	v9 =	vmovc v8;
	v8 =	vadd.s32 s16, v3  }
0x367: {  	v11 =	vadd.s32 s1, v3;
	[tilespmem:s2+$0xFFFFFFD0] =	vst v21;
	v21 =	vld.idx.msk [tilespmem:v24+s12+$0x0], $0xffff  }
0x368: {  	v24 =	vld.idx.msk [tilespmem:v25+s12+$0x0], $0xffff;
	[tilespmem:s2+$0x10] =	vst v23  }
0x369: {  	v23 =	vadd.s32 s8, v3;
	s8 =	smov.u32 s15;
	v22 =	vld.idx.msk [tilespmem:v29+s12+$0x0], $0xffff;
	[tilespmem:s2+$0xFFFFFF90] =	vst v27  }
0x36a: {  	v25 =	vld.idx.msk [tilespmem:v19+s12+$0x0], $0xffff;
	[tilespmem:s6+$0xFFFFFFA0] =	vst v17  }
0x36b: {  	v29 =	vadd.s32 s8, v1;
	v27 =	vld.idx.msk [tilespmem:v31+s12+$0x0], $0xffff;
	[tilespmem:s6+$0xFFFFFFF0] =	vst v30  }
0x36c: {  	v19 =	vld.idx.msk [tilespmem:v12+s12+$0x0], $0xffff;
	[tilespmem:s6+$0x30] =	vst v18;
	v12 =	vmov v20  }
0x36d: {  	v18 =	vld.idx.msk [tilespmem:v15+s12+$0x0], $0xffff;
	[tilespmem:s2+$0x60] =	vst v21;
	v15 =	vmov v34  }
.Ltmp10:
0x36e: {  	s2 =	sadd.s32 $0x100, s2;
	v20 =	vld.idx.msk [tilespmem:v23+s12+$0x0], $0xffff;
	[tilespmem:s5+$0xFFFFFFB0] =	vst v33;
	s5 =	smov.u32 s6;
	(pc) =	sbr.rel @p0 .LBB2_23-.Ltmp10, $4  }
0x36f: {  	s6 =	smov.u32 s14;
	s14 =	smov.u32 s2;
	[tilespmem:s2+$0x40] =	vst v22;
	v17 =	vld.idx.msk [tilespmem:v14+s12+$0x0], $0xffff;
	v14 =	vmov v26  }
0x370: {  	[tilespmem:s2+$0xFFFFFFC0] =	vst v25;
	v22 =	vld.idx.msk [tilespmem:v29+s12+$0x0], $0xffff  }
0x371: {  	v21 =	vld.idx.msk [tilespmem:v28+s12+$0x0], $0xffff;
	[tilespmem:s2+$0x0] =	vst v27  }
0x372: {  	s1 =	sadd.s32 $0x104, s1;
	[tilespmem:s2+$0xFFFFFF80] =	vst v24;
	v23 =	vld.idx.msk [tilespmem:v32+s12+$0x0], $0xffff;
	v24 =	vadd.s32 s8, v2  }
0x373: {  	_ =	sdelay $0x1  }
0x374: {  	[tilespmem:s6+$0xFFFFFFE0] =	vst v19  }
0x375: {  	[tilespmem:s6+$0x70] =	vst v20  }
0x376: {  	v16 =	vld.idx.msk [tilespmem:v16+s12+$0x0], $0xffff;
	[tilespmem:s6+$0x20] =	vst v18  }
0x377: {  	v7 =	vld.idx.msk [tilespmem:v7+s12+$0x0], $0xffff;
	[tilespmem:s6+$0xFFFFFFA0] =	vst v17  }
0x378: {  	v10 =	vld.idx.msk [tilespmem:v10+s12+$0x0], $0xffff;
	[tilespmem:s2+$0x50] =	vst v22  }
0x379: {  	[tilespmem:s2+$0xFFFFFFD0] =	vst v21;
	v60 =	vld.idx.msk [tilespmem:v24+s12+$0x0], $0xffff  }
0x37a: {  	v61 =	vadd.s32 s8, v3;
	[tilespmem:s2+$0x10] =	vst v23;
	v12 =	vld.idx.msk [tilespmem:v12+s12+$0x0], $0xffff  }
0x37b: {  	[tilespmem:s2+$0xFFFFFF90] =	vst v16;
	v15 =	vld.idx.msk [tilespmem:v15+s12+$0x0], $0xffff  }
0x37c: {  	[tilespmem:s5+$0xFFFFFFB0] =	vst v7;
	v62 =	vld.idx.msk [tilespmem:v14+s12+$0x0], $0xffff  }
0x37d: {  	v9 =	vld.idx.msk [tilespmem:v9+s12+$0x0], $0xffff;
	[tilespmem:s6+$0xFFFFFFF0] =	vst v10  }
0x37e: {  	v6 =	vld.idx.msk [tilespmem:v6+s12+$0x0], $0xffff;
	[tilespmem:s2+$0x60] =	vst v60  }
0x37f: {  	v63 =	vld.idx.msk [tilespmem:v61+s12+$0x0], $0xffff;
	[tilespmem:s14+$0xFFFFFFE0] =	vst v12  }
0x380: {  	v12 =	vld.idx.msk [tilespmem:v13+s12+$0x0], $0xffff;
	[tilespmem:s14+$0x20] =	vst v15  }
0x381: {  	v8 =	vld.idx.msk [tilespmem:v8+s12+$0x0], $0xffff;
	[tilespmem:s14+$0xFFFFFFA0] =	vst v62  }
0x382: {  	s0 =	sor.u32 $0x2, s11;
	[tilespmem:s6+$0x30] =	vst v9;
	v7 =	vld.idx.msk [tilespmem:v11+s12+$0x0], $0xffff  }
0x383: {  	s1 =	smul.u32 $0x640, s0;
	[tilespmem:s6+$0xFFFFFFB0] =	vst v6  }
0x384: {  	s10 =	sadd.s32 $0x1, s10;
	s0 =	smul.u32 $0x3200, s0;
	[tilespmem:s14+$0x70] =	vst v63  }
0x385: {  	p0 =	sne.s32 s10, $0x8;
	[tilespmem:s14+$0xFFFFFFF0] =	vst v12  }
.Ltmp11:
0x386: {  	s0 =	sshrl.u32 s0, $0x3;
	[tilespmem:s14+$0x30] =	vst v8;
	(pc) =	sbr.rel @p0 .LBB2_4-.Ltmp11, $4  }
0x387: {  	s30 =	simm.s32 $0x0;
	s1 =	sadd.s32 s4, s1;
	s0 =	sadd.s32 s4, s0;
	[tilespmem:s14+$0xFFFFFFB0] =	vst v7  }
0x388: {  	[hbm4b:s1+s30] =	stream.linear.scatter [tilespmem:s20], [sflag:$0x11], $0x3200, $0x38;
	[tilespmem:$0x1E510] =	vst v63  }
0x389: {  	s0 =	sadd.s32 $0x640, s0  }
0x38a: {  	[hbm4b:s0+s30] =	stream.linear.scatter [tilespmem:s31], [sflag:$0x11], $0x3200, $0x38;
	[tilespmem:$0x1E510] =	vst v63  }
0x38b: {  	_ =	swait.ge [sflag:s26], $0x3200  }
0x38c: {  	[sflag:s26] =	ssyncset.done $0x0  }
0x38d: {  	[sflag:s26] =	ssyncadd.s32 $0xFFFFCE00  }
0x38e: {  	_ =	swait.ge [sflag:s26], $0x3200  }
0x38f: {  	s1 =	rddreg [dreg:$0x9]  }
0x390: {  	s0 =	rddreg [dreg:$0x8];
	s1 =	sadd.s32 $0x1, s1  }
0x391: {  	p0 =	sne.s32 s1, s0  }
.Ltmp12:
0x392: {  	_ = 	snop;
	(pc) =	sbr.rel @p0 .LBB2_1-.Ltmp12, $3  }
0x393: {  	_ =	sdelay $0x1  }
0x394: {  	[sflag:s26] =	ssyncset.done $0x0  }
0x395: {  	[sflag:s26] =	ssyncadd.s32 $0xFFFFCE00  }
0x396: {  	_ =	sfence.sel $0x180000  }
0x397: {  	[bflag:$0x0] =	sbarrier.arrive $0xFFFF  }
0x398: {  	_ =	strace $0x90000047  }
0x399: {  	s0 =	stileid.u32;
	[bflag:$0x2] =	sbarrier.arrive $0xFFFF  }
0x39a: {  	p0 =	sne.s32 s0, $0x0;
	s0 =	rddreg [dreg:$0x4]  }
0x39b: {  	s0 =	sadd.s32 @!p0 $0x100000, s0  }
0x39c: {  	[sflag:s0] =	ssyncadd.tile.s32 @!p0 $0x1;
	_ =	shalt  }
.Lfunc_end2:
_tile_overlayer_lowered:
.L_overlay_start_2:
0x39d: {  	(tag) =	ssettag $0x2  }
0x39e: {  	s0 =	rddreg [dreg:$0x0];
	s2 =	stileid.u32  }
0x39f: {  	s1 =	rddreg [dreg:$0x1];
	p0 =	sne.s32 s2, $0x0  }
0x3a0: {  	s3 =	rddreg [dreg:$0x2];
	[bflag:$0x3] =	sbarrier.arrive $0xFFFF;
	s2 =	simm.s32 @!p0 $0x1C12  }
0x3a1: {  	[timem:s3], [sflag:s2] =	dma.local @!p0 [hbm:s0], s1  }
0x3a2: {  	s0 =	simm.s32 @!p0 $0x12  }
0x3a3: {  	_ =	swait.ge @!p0 [sflag:s0], s1  }
0x3a4: {  	s1 =	ssub.s32 @!p0 $0x0, s1;
	[sflag:s0] =	ssyncset.done @!p0 $0x0  }
0x3a5: {  	[sflag:s0] =	ssyncadd.s32 @!p0 s1  }
0x3a6: {  	[bflag:$0x3] =	sbarrier.arrive $0xFFFF  }
0x3a7: {  	_ =	shalt  }

// kernel: sparse-core-data-format-call.cloned.1.call-start
scs
called_computation_lowered:
.L_overlay_start_0:
0x0: {  	s2 =	sld [smem:$0x3FD9]  }
0x1: {  	s3 =	sld [smem:$0x3FFE];
	_ =	sdelay $0x1  }
0x2: {  	s1 =	srdreg.scid  }
0x3: {  	s0 =	sand.u32 $0x1, s1  }
0x4: {  	s18 =	sshll.u32 s0, $0xA;
	s2 =	sadd.s32 s3, s2  }
0x5: {  	s2 =	sadd.s32 s2, s18  }
0x6: {  	[smem:$0x3FC3] =	sst s2  }
0x7: {  	_ = 	snop  }
0x8: {  	s2 =	sld [smem:$0x3FD0];
	(tm) =	ssettm $0x1  }
0x9: {  	s19 =	sld [smem:$0x3FFB];
	_ =	sdelay $0x3  }
0xa: {  	_ =	strace s19  }
0xb: {  	s3 =	sld [smem:$0x3FFC];
	_ =	sdelay $0x3  }
0xc: {  	_ =	strace s3  }
0xd: {  	s3 =	sld [smem:$0x3FFD];
	_ =	sdelay $0x3  }
0xe: {  	_ =	strace s3  }
0xf: {  	_ =	strace $0x8FFFFFFF  }
0x10: {  	s20 =	sld [smem:$0x3FDB];
	_ =	sdelay $0x1  }
0x11: {  	s4 =	simm.s32 $_scs_section_size  }
0x12: {  	s5 =	simm.s32 $_size__tile_overlayer_lowered;
	s6 =	simm.s32 $_tile_overlayer_lowered  }
0x13: {  	s23 =	simm.s32 $0x1BFF;
	s22 =	sshll.u32 s6, $0x1;
	s3 =	sadd.s32 s4, s20  }
0x14: {  	s7 =	simm.s32 $0x0;
	s21 =	sshll.u32 s5, $0x1;
	s5 =	sadd.s32 s22, s3  }
0x15: {  	[timem:s7], [sflag:s23] =	dma.local [hbm:s5], s21  }
0x16: {  	_ =	swait.ge [sflag:s23], s21  }
0x17: {  	s4 =	ssub.s32 $0x0, s21;
	[sflag:s23] =	ssyncset.done $0x0  }
0x18: {  	[sflag:s23] =	ssyncadd.s32 s4;
	_ =	sdelay $0x1  }
0x19: {  	s24 =	simm.s32 $0x1B8B  }
0x1a: {  	_ =	swait.ge [sflag:s24], $0x1  }
0x1b: {  	[sflag:s24] =	ssyncset.done $0x0  }
0x1c: {  	s26 =	simm.s32 $0x1B8E;
	s25 =	sld [smem:$0x3FFE];
	[sflag:s24] =	ssyncadd.s32 $0xFFFFFFFF  }
0x1d: {  	s27 =	simm.s32 $execute0_lowered;
	[smem:$0x3FD2] =	sst s26  }
0x1e: {  	s5 =	sshll.u32 s27, $0x1;
	_ =	strace $0x80000049;
	[dreg:$0x1] =	wrdreg $0xFFFFFFFF  }
0x1f: {  	s28 =	simm.s32 $_size_execute0_lowered;
	s3 =	sadd.s32 s3, s5;
	[dreg:$0x0] =	wrdreg $0x0  }
0x20: {  	s5 =	sshll.u32 s28, $0x1;
	[dreg:$0x2] =	wrdreg s3  }
0x21: {  	[dreg:$0x3] =	wrdreg s5  }
0x22: {  	[dreg:$0x4] =	wrdreg $0xC0  }
0x23: {  	_ =	task [dreg:s7], $0x5FFFF  }
0x24: {  	[dreg:$0x1] =	wrdreg $0xFFFFFFFF  }
0x25: {  	[dreg:$0x0] =	wrdreg $0x60  }
0x26: {  	[dreg:$0x2] =	wrdreg s25  }
0x27: {  	[dreg:$0x3] =	wrdreg s2  }
0x28: {  	[dreg:$0x4] =	wrdreg $0x9  }
0x29: {  	_ =	task.clear_ibuf [dreg:s7], $0x5FFFF;
	_ =	strace $0x90000049  }
0x2a: {  	s29 =	simm.s32 $0x9;
	_ =	strace $0x8000004B  }
0x2b: {  	_ =	swait.ge [sflag:s29], $0x1  }
0x2c: {  	[sflag:s29] =	ssyncadd.s32 $0xFFFFFFFF  }
0x2d: {  	_ =	strace $0x9000004B  }
0x2e: {  	_ =	sfence  }
0x2f: {  	s30 =	sld [smem:$0x0];
	_ =	sdelay $0x2  }
0x30: {  	s31 =	sshll.u32 s1, $0xD;
	s1 =	sshrl.u32 s1, $0x2  }
0x31: {  	s3 =	sand.u32 $0x4000, s31;
	s1 =	sadd.s32 s1, s30  }
0x32: {  	s0 =	sor.u32 s3, s0;
	s1 =	sshll.u32 s1, $0x11  }
0x33: {  	s0 =	sor.u32 s1, s0  }
0x34: {  	s0 =	sadd.s32 $0x8F2B, s0  }
0x35: {  	[sflag:s0] =	ssyncadd.remote.s32 $0x1  }
0x36: {  	_ =	sfence.sel $0xFFFF  }
0x37: {  	[dreg:$0x0] =	wrdreg $0xFFFFFFFF;
	(pc) =	sbr.abs _section_cstart, $3  }
0x38: {  	[dreg:$0x1] =	wrdreg $0xFFFFFFFF  }
0x39: {  	_ =	task.clear_ibuf [dreg:s7], $0x2FFFF;
	_ =	strace $0x9FFFFFFF  }
0x3a: {  	(tm) =	ssettm $0x7FFFFFFF  }
0x3b: {  	_ =	shalt  }
tec
execute0_lowered:
.L_overlay_start_1:
0x0: {  	(tag) =	ssettag $0x1  }
0x1: {  	s0 =	stileid.u32;
	s6 =	rddreg [dreg:$0x0]  }
0x2: {  	s2 =	rddreg [dreg:$0x1];
	s5 =	srdreg.scid  }
0x3: {  	s31 =	simm.s32 $0x2;
	s13 =	simm.s32 $0x0;
	s1 =	sshll.u32 s0, $0x7  }
0x4: {  	s14 =	simm.s32 $0x0;
	s12 =	simm.s32 $0x0;
	s3 =	sand.u32 $0x380, s1  }
0x5: {  	s5 =	sshll.u32 s5, $0x4;
	s6 =	sadd.s32 $0xE00, s6;
	s4 =	ssub.s32 $0x400, s3  }
0x6: {  	s1 =	rddreg [dreg:$0x2];
	_ =	strace $0x8000004A;
	s7 =	sand.u32 $0x380, s4  }
0x7: {  	s5 =	sand.u32 $0x10, s5;
	p0 =	sne.s32 s7, $0x0;
	s7 =	simm.s32 $0x1  }
.Ltmp0:
0x8: {  	s8 =	sshrl.u32 s4, $0xA;
	s7 =	simm.s32 @!p0 $0x0;
	(pc) =	sbr.rel .LBB1_1-.Ltmp0, $4  }
0x9: {  	s9 =	sor.u32 s0, s5;
	s4 =	simm.s32 $0x1;
	s30 =	sadd.s32 s7, s8  }
0xa: {  	s11 =	smov.u32 s3;
	[sflag:s4] =	ssyncpa.u1 $0x0;
	s5 =	smul.u32 $0x32, s30  }
0xb: {  	[sflag:s31] =	ssyncpa.u1 $0x0;
	p0 =	por $0x0, $0x0;
	s7 =	sshrl.u32 s9, $0x3  }
0xc: {  	s9 =	simm.s32 $0x2000;
	s10 =	smov.u32 s7;
	s8 =	sor.u32 $0x1, s5  }
.LBB1_4:
0xd: {  	s17 =	sand.u32 $0x1F80, s14;
	s13 =	sshll.u32 s13, $0xD  }
0xe: {  	[tilespmem:s16+$0x810 ss:$0x81] =	vst.msk $0xffff, v2;
	s18 =	sshrl.u32 s14, $0x3;
	s31 =	sand.u32 $0x7, s14;
	s17 =	sadd.s32 s2, s17  }
0xf: {  	[tilespmem:s16+$0x1020 ss:$0x81] =	vst.msk $0xffff, v0;
	s18 =	sand.u32 $0xF, s18;
	s14 =	sshll.u32 s31, $0x12;
	s13 =	sadd.s32 s13, s17  }
0x10: {  	[tilespmem:s16+$0x0 ss:$0x81] =	vst.msk $0xffff, v1;
	s14 =	sor.u32 $0x400, s14;
	s13 =	sadd.s32 s18, s13  }
0x11: {  	[hbm4b:s13+s14] =	stream.strided.scatter [tilespmem:s15], [sflag:$0x2], $0x2000, s9, s14, $0x20;
	[tilespmem:$0x8080] =	vst v63  }
.LBB1_5:
0x12: {  	s15 =	sadd.s32 $0x4, s10  }
0x13: {  	s13 =	sadd.s32 $0x400, s11;
	s17 =	smov.u32 s11;
	p2 =	sgt.s32 s15, $0xC7  }
0x14: {  	s17 =	smov.u32 @p2 s13  }
0x15: {  	s15 =	smov.u32 @p2 s7;
	p2 =	sgt.s32 s17, $0x3FF  }
0x16: {  	s17 =	smov.u32 @p2 s3;
	p2 =	sne.s32 s12, s8  }
.Ltmp1:
0x17: {  	p1 =	slt.u32 s12, $0x2;
	(pc) =	sbr.rel @!p2 .LBB1_6-.Ltmp1, $4  }
0x18: {  	s16 =	simm.s32 @!p1 $0x2  }
0x19: {  	s14 =	smov.u32 s11;
	p0 =	por !p0, !p0;
	_ =	swait.ge @!p1 [sflag:s16], $0x2000  }
0x1a: {  	s13 =	smov.u32 s10;
	[sflag:s16] =	ssyncset.done @!p1 $0x0;
	s10 =	smov.u32 s15  }
0x1b: {  	s12 =	sadd.s32 $0x1, s12;
	[sflag:s16] =	ssyncadd.s32 @!p1 $0xFFFFE000;
	s11 =	smov.u32 s17  }
.LBB1_1:
0x1c: {  	p1 =	sge.u32 s12, s5  }
0x1d: {  	s15 =	sand.u32 @!p1 $0x1FFFFFF, s10  }
0x1e: {  	s16 =	smulhi.u32 @!p1 $0x147AE15, s15;
	_ =	sdelay $0x1  }
0x1f: {  	s16 =	smul.u32 @!p1 $0xC8, s16  }
0x20: {  	s17 =	sxor.u32 @!p1 $0xFFFFFFFF, s12;
	s18 =	smul.u32 @!p1 $0xC80, s11  }
0x21: {  	s31 =	sadd.s32 $0xFFFFFFFF, s12;
	s17 =	sshll.u32 @!p1 s17, $0xD;
	s15 =	ssub.s32 @!p1 s15, s16  }
0x22: {  	s16 =	sand.u32 @!p1 $0x2000, s17;
	s17 =	sadd.s32 @!p1 s6, s18;
	s15 =	sshll.u32 @!p1 s15, $0x4  }
0x23: {  	s18 =	simm.s32 @!p1 $0x6400;
	s15 =	sadd.s32 @!p1 s15, s17;
	s17 =	simm.s32 @!p1 $0x40  }
0x24: {  	[tilespmem:s16], [sflag:$0x1] =	stream.strided.gather @!p1 [hbm4b:s15+s17], $0x2000, s18, s17, $0x38;
	[tilespmem:$0x8080] =	vst v63  }
0x25: {  	p1 =	sge.u32 s31, s5  }
.Ltmp2:
0x26: {  	_ = 	snop;
	(pc) =	sbr.rel @p1 .LBB1_5-.Ltmp2, $1  }
0x27: {  	_ =	sdelay $0x3  }
0x28: {  	s15 =	simm.s32 $0x1  }
0x29: {  	_ =	swait.ge [sflag:s4], $0x2000;
	s15 =	simm.s32 @!p0 $0x0  }
0x2a: {  	[sflag:s4] =	ssyncset.done $0x0;
	s16 =	sshll.u32 s15, $0xD  }
0x2b: {  	[sflag:s4] =	ssyncadd.s32 $0xFFFFE000;
	s19 =	sor.u32 $0x20, s16  }
0x2c: {  	s15 =	smul.u32 $0x8100, s15;
	v3 =	vld [tilespmem:s19+$0x10]  }
0x2d: {  	s30 =	sand.u32 $0x1, s12;
	v2 =	vld [tilespmem:s19+$0xFFFFFFF0]  }
0x2e: {  	s16 =	smul.u32 $0x8100, s30;
	s15 =	sshrl.u32 s15, $0x2;
	v0 =	vld [tilespmem:s19+$0x0]  }
0x2f: {  	v1 =	vld [tilespmem:s19+$0xFFFFFFE0];
	s17 =	sor.u32 $0x4000, s15  }
0x30: {  	s31 =	sshrl.u32 s16, $0x2;
	s16 =	sadd.s32 $0x0, s17  }
0x31: {  	s18 =	simm.s32 $0x4;
	s19 =	sadd.s32 $0x40, s19;
	s15 =	sor.u32 $0x4000, s31;
	[tilespmem:s16+$0x1830 ss:$0x81] =	vst.msk $0xffff, v3  }
.LBB1_3:
0x32: {  	v3 =	vld [tilespmem:s19+$0x10];
	p1 =	sne.s32 s18, $0x1FC;
	[tilespmem:s16+$0x810 ss:$0x81] =	vst.msk $0xffff, v2;
	s20 =	smov.u32 s18;
	s18 =	sadd.s32 $0x4, s18  }
.Ltmp3:
0x33: {  	v2 =	vld [tilespmem:s19+$0xFFFFFFF0];
	[tilespmem:s16+$0x1020 ss:$0x81] =	vst.msk $0xffff, v0;
	(pc) =	sbr.rel @p1 .LBB1_3-.Ltmp3, $4  }
0x34: {  	v0 =	vld [tilespmem:s19+$0x0];
	[tilespmem:s16+$0x0 ss:$0x81] =	vst.msk $0xffff, v1  }
0x35: {  	s16 =	sshra.s32 s20, $0x2;
	v1 =	vld [tilespmem:s19+$0xFFFFFFE0]  }
0x36: {  	s16 =	sadd.s32 s16, s17  }
0x37: {  	s19 =	sadd.s32 $0x40, s19;
	[tilespmem:s16+$0x1830 ss:$0x81] =	vst.msk $0xffff, v3  }
.Ltmp4:
0x38: {  	_ = 	snop;
	(pc) =	sbr.rel .LBB1_4-.Ltmp4, $1  }
0x39: {  	_ =	sdelay $0x3  }
.LBB1_6:
0x3a: {  	_ =	sfence.sel $0x180000  }
0x3b: {  	s2 =	simm.s32 $0x1;
	[bflag:$0x0] =	sbarrier.arrive $0xFFFF  }
0x3c: {  	s31 =	simm.s32 $0x2;
	[sflag:s2] =	ssyncpa.u1 $0x1  }
0x3d: {  	[sflag:s31] =	ssyncpa.u1 $0x1  }
0x3e: {  	p0 =	sne.s32 s0, $0x0;
	_ =	strace $0x9000004A  }
0x3f: {  	s0 =	sadd.s32 @!p0 $0x100000, s1;
	[bflag:$0x2] =	sbarrier.arrive $0xFFFF  }
0x40: {  	[sflag:s0] =	ssyncadd.tile.s32 @!p0 $0x1;
	_ =	shalt  }
.Lfunc_end1:
_tile_overlayer_lowered:
.L_overlay_start_2:
0x41: {  	(tag) =	ssettag $0x2  }
0x42: {  	s0 =	rddreg [dreg:$0x0];
	s2 =	stileid.u32  }
0x43: {  	s1 =	rddreg [dreg:$0x1];
	p0 =	sne.s32 s2, $0x0  }
0x44: {  	s3 =	rddreg [dreg:$0x2];
	[bflag:$0x3] =	sbarrier.arrive $0xFFFF;
	s2 =	simm.s32 @!p0 $0x1C01  }
0x45: {  	[timem:s3], [sflag:s2] =	dma.local @!p0 [hbm:s0], s1  }
0x46: {  	s0 =	simm.s32 @!p0 $0x1  }
0x47: {  	_ =	swait.ge @!p0 [sflag:s0], s1  }
0x48: {  	s1 =	ssub.s32 @!p0 $0x0, s1;
	[sflag:s0] =	ssyncset.done @!p0 $0x0  }
0x49: {  	[sflag:s0] =	ssyncadd.s32 @!p0 s1  }
0x4a: {  	[bflag:$0x3] =	sbarrier.arrive $0xFFFF  }
0x4b: {  	_ =	shalt  }

</sc_bundles>
